<compile_context>
chip_gen: v7x
topology: tpu7x:2x2x1
jax: 0.10.2.dev20260603
libtpu: 0.0.44.dev20260713+nightly
codegen_flags: <defaults>
</compile_context>

<pallas_src>
import functools

import jax
import jax.numpy as jnp
from jax import lax
from jax.experimental import pallas as pl
from jax.experimental.pallas import tpu as pltpu
from jax.experimental.pallas import tpu_sc as plsc

USER_NUM = 20000
ITEM_NUM = 30000
NNODES = USER_NUM + ITEM_NUM
EDGES = 800000
D = 64
G = 128
H = 32

NCORE = 2
NSUB = 16
ROW = 64
NR = 12544
EP = NR * ROW
RPS = NR // NSUB
GROUP = 8
NGRP = RPS // GROUP
NOUT = 50048
WPS = NOUT // NSUB

_mesh = plsc.VectorSubcoreMesh(core_axis_name="c", subcore_axis_name="s")


@functools.partial(
    pl.kernel,
    out_type=jax.ShapeDtypeStruct((NCORE * NOUT, H), jnp.float32),
    mesh=_mesh,
    scratch_types=[
        pltpu.VMEM((ROW,), jnp.int32),
        pltpu.VMEM((ROW,), jnp.int32),
        pltpu.VMEM((ROW,), jnp.float32),
        pltpu.VMEM((ROW, G), jnp.float32),
        pltpu.VMEM((ROW, H), jnp.float32),
        pltpu.VMEM_SHARED((NOUT, H), jnp.float32),
        pltpu.SemaphoreType.DMA,
    ],
)
def _spmm(idx_hbm, dst_hbm, vals_hbm, feat_hbm, out_hbm,
          idx_v, dst_v, vals_v, rows_v, half_v, acc, sem):
    c = lax.axis_index("c")
    s = lax.axis_index("s")
    co = c * H

    z16 = jnp.zeros((16,), jnp.float32)

    def zero_body(i, carry):
        half_v[i, pl.ds(0, 16)] = z16
        half_v[i, pl.ds(16, 16)] = z16
        return carry

    lax.fori_loop(0, ROW, zero_body, 0)
    zbase = s * WPS
    sync = pltpu.sync_copy

    def zcopy_body(t, carry):
        sync(half_v, acc.at[pl.ds(zbase + t * ROW, ROW)])
        return carry

    lax.fori_loop(0, WPS // ROW, zcopy_body, 0)
    rem = WPS - (WPS // ROW) * ROW
    sync(half_v.at[pl.ds(0, rem)], acc.at[pl.ds(zbase + (WPS // ROW) * ROW, rem)])

    plsc.subcore_barrier()

    pass

    plsc.subcore_barrier()

    wbase = s * WPS
    sync(acc.at[pl.ds(wbase, WPS)], out_hbm.at[pl.ds(c * NOUT + wbase, WPS)])


def _linear_body_relu(x_ref, w_ref, b_ref, o_ref):
    acc = jnp.dot(x_ref[...], w_ref[...], preferred_element_type=jnp.float32)
    o_ref[...] = jnp.maximum(acc + b_ref[...], 0.0)


def _linear_body_last(x_ref, w_ref, b_ref, o_ref):
    acc = jnp.dot(x_ref[...], w_ref[...], preferred_element_type=jnp.float32)
    o_ref[...] = acc + b_ref[...]


_BN = 2000


def _linear(x, wt, b2, last):
    body = _linear_body_last if last else _linear_body_relu
    return pl.pallas_call(
        body,
        grid=(NNODES // _BN,),
        in_specs=[
            pl.BlockSpec((_BN, D), lambda i: (i, 0)),
            pl.BlockSpec((D, D), lambda i: (0, 0)),
            pl.BlockSpec((1, D), lambda i: (0, 0)),
        ],
        out_specs=pl.BlockSpec((_BN, D), lambda i: (i, 0)),
        out_shape=jax.ShapeDtypeStruct((NNODES, D), jnp.float32),
    )(x, wt, b2)


_BE = 8000


def _scale_body(x_ref, v_ref, o_ref):
    o_ref[...] = x_ref[...] * v_ref[...]


def _scale(gathered, vals):
    return pl.pallas_call(
        _scale_body,
        grid=(EDGES // _BE,),
        in_specs=[
            pl.BlockSpec((_BE, D), lambda i: (i, 0)),
            pl.BlockSpec((_BE, 1), lambda i: (i, 0)),
        ],
        out_specs=pl.BlockSpec((_BE, D), lambda i: (i, 0)),
        out_shape=jax.ShapeDtypeStruct((EDGES, D), jnp.float32),
    )(gathered, vals.reshape(EDGES, 1))


def kernel(edge_index, adj_values, user_emb, item_emb, W0, b0, W1, b1, W2, b2):
    dst = edge_index[0]
    src = edge_index[1]

    feats = jnp.concatenate([user_emb, item_emb], axis=0)
    params = [(W0, b0), (W1, b1), (W2, b2)]
    for i, (W, b) in enumerate(params):
        gathered = _scale(feats[src], adj_values)
        feats = jax.ops.segment_sum(gathered, dst, num_segments=NNODES)
        feats = _linear(feats, jnp.transpose(W), b.reshape(1, D), last=(i == 2))

    return (feats[:USER_NUM], feats[USER_NUM:])

# --- scband reference (transcript-rebuilt; emitter-appended) ---
"""Pipeline reference for scband-gcn-23759759082168 (READ-ONLY COPY).

The authoritative reference and input builder live on the scoring server;
editing this copy changes nothing except your own understanding.
"""

import jax, jax.numpy as jnp
import numpy as np

USER_NUM = 20000
ITEM_NUM = 30000
N = USER_NUM + ITEM_NUM
E = 800000
DIM = 64
LAYERS = 3


def setup_inputs(seed: int = 0) -> dict:
    key = jax.random.key(seed)
    ks = jax.random.split(key, 12)
    inp = {}
    inp["edge_index"] = jax.random.randint(ks[0], (2, E), 0, N, dtype=jnp.int32)
    inp["adj_values"] = jax.random.uniform(ks[1], (E,), dtype=jnp.float32)
    # learned parameters per init_kwargs
    inp["user_emb"] = jax.random.normal(ks[2], (USER_NUM, DIM), dtype=jnp.float32) * 0.01
    inp["item_emb"] = jax.random.normal(ks[3], (ITEM_NUM, DIM), dtype=jnp.float32) * 0.01
    scale = 1.0 / np.sqrt(DIM)
    for i in range(LAYERS):
        inp[f"W{i}"] = jax.random.uniform(ks[4 + 2 * i], (DIM, DIM), dtype=jnp.float32, minval=-scale, maxval=scale)
        inp[f"b{i}"] = jax.random.uniform(ks[5 + 2 * i], (DIM,), dtype=jnp.float32, minval=-scale, maxval=scale)
    return inp


def reference(edge_index, adj_values, user_emb, item_emb, W0, b0, W1, b1, W2, b2):
    # features = cat([user_emb.weight, item_emb.weight])
    features = jnp.concatenate([user_emb, item_emb], axis=0)
    dst = edge_index[0]
    src = edge_index[1]
    params = [(W0, b0), (W1, b1), (W2, b2)]
    for i, (W, b) in enumerate(params):
        # torch.spmm(adj, features): adj is sparse COO with (dst, src) indices and adj_values
        gathered = features[src] * adj_values[:, None]
        features = jax.ops.segment_sum(gathered, dst, num_segments=N)
        # nn.Linear: y = x @ W^T + b
        features = features @ W.T + b
        if i != LAYERS - 1:
            features = jax.nn.relu(features)
    user_out = features[:USER_NUM]
    item_out = features[USER_NUM:]
    return (user_out, item_out)

if __name__ == "__main__":
    import jax
    _d = setup_inputs()
    print(jax.jit(kernel)(*tuple(_d.values())))

</pallas_src>

<mosaic_0001>
module attributes {stable_mosaic.version = 14 : i64} {
  func.func @_scale_body(%arg0: i32, %arg1: memref<8000x64xf32, #tpu.memory_space<vmem>>, %arg2: memref<8000x1xf32, #tpu.memory_space<vmem>>, %arg3: memref<8000x64xf32, #tpu.memory_space<vmem>>) attributes {dimension_semantics = [#tpu.dimension_semantics<arbitrary>], iteration_bounds = array<i64: 100>, scalar_prefetch = 0 : i64, scratch_operands = 0 : i64, tpu.core_type = #tpu.core_type<tc>, window_params = [{transform_indices = @transform_0, window_bounds = array<i64: 8000, 64>}, {transform_indices = @transform_1, window_bounds = array<i64: 8000, 1>}, {transform_indices = @transform_2, window_bounds = array<i64: 8000, 64>}]} {
    %get3A = arith.constant 0 : index
    %get3A_0 = arith.constant 0 : index
    %get3A_1 = vector.load %arg1[%get3A, %get3A_0] : memref<8000x64xf32, #tpu.memory_space<vmem>>, vector<8000x64xf32>
    %get3A_2 = arith.constant 0 : index
    %get3A_3 = arith.constant 0 : index
    %get3A_4 = vector.load %arg2[%get3A_2, %get3A_3] : memref<8000x1xf32, #tpu.memory_space<vmem>>, vector<8000x1xf32>
    %mul3A = vector.broadcast %get3A_4 : vector<8000x1xf32> to vector<8000x64xf32>
    %mul3A_5 = arith.mulf %get3A_1, %mul3A : vector<8000x64xf32>
    %swap3A = arith.constant 0 : index
    %swap3A_6 = arith.constant 0 : index
    %swap3A_7 = vector.load %arg3[%swap3A, %swap3A_6] : memref<8000x64xf32, #tpu.memory_space<vmem>>, vector<8000x64xf32>
    tpu.vector_store %arg3[%swap3A, %swap3A_6], %mul3A_5 {strides = array<i32>} : memref<8000x64xf32, #tpu.memory_space<vmem>>, vector<8000x64xf32>,
    return
  }
  func.func @transform_0(%arg0: i32) -> (i32, i32) {
    %c0_i32 = arith.constant 0 : i32
    %c0_i32_0 = arith.constant 0 : i32
    return %arg0, %c0_i32 : i32, i32
  }
  func.func @transform_1(%arg0: i32) -> (i32, i32) {
    %c0_i32 = arith.constant 0 : i32
    %c0_i32_0 = arith.constant 0 : i32
    return %arg0, %c0_i32 : i32, i32
  }
  func.func @transform_2(%arg0: i32) -> (i32, i32) {
    %c0_i32 = arith.constant 0 : i32
    %c0_i32_0 = arith.constant 0 : i32
    return %arg0, %c0_i32 : i32, i32
  }
}

module attributes {stable_mosaic.version = 14 : i64} {
  func.func @_linear_body_relu(%arg0: i32, %arg1: memref<2000x64xf32, #tpu.memory_space<vmem>>, %arg2: memref<64x64xf32, #tpu.memory_space<vmem>>, %arg3: memref<1x64xf32, #tpu.memory_space<vmem>>, %arg4: memref<2000x64xf32, #tpu.memory_space<vmem>>) attributes {dimension_semantics = [#tpu.dimension_semantics<arbitrary>], iteration_bounds = array<i64: 25>, scalar_prefetch = 0 : i64, scratch_operands = 0 : i64, tpu.core_type = #tpu.core_type<tc>, window_params = [{transform_indices = @transform_0, window_bounds = array<i64: 2000, 64>}, {pipeline_mode = #tpu.pipeline_mode<synchronous>, transform_indices = @transform_1, window_bounds = array<i64: 64, 64>}, {pipeline_mode = #tpu.pipeline_mode<synchronous>, transform_indices = @transform_2, window_bounds = array<i64: 1, 64>}, {transform_indices = @transform_3, window_bounds = array<i64: 2000, 64>}]} {
    %get3A = arith.constant 0 : index
    %get3A_0 = arith.constant 0 : index
    %get3A_1 = vector.load %arg1[%get3A, %get3A_0] : memref<2000x64xf32, #tpu.memory_space<vmem>>, vector<2000x64xf32>
    %get3A_2 = arith.constant 0 : index
    %get3A_3 = arith.constant 0 : index
    %get3A_4 = vector.load %arg2[%get3A_2, %get3A_3] : memref<64x64xf32, #tpu.memory_space<vmem>>, vector<64x64xf32>
    %dot_general3A = arith.constant dense<0.000000e+00> : vector<2000x64xf32>
    %dot_general3A_5 = tpu.matmul %get3A_1, %get3A_4, %dot_general3A {dimension_numbers = #tpu.dot_dimension_numbers<[1], [0], [0], [1], [0, 0, 1, 1], [], []>, transpose_lhs_hint = false} : vector<2000x64xf32>, vector<64x64xf32>, vector<2000x64xf32> -> vector<2000x64xf32>
    %get3A_6 = arith.constant 0 : index
    %get3A_7 = arith.constant 0 : index
    %get3A_8 = vector.load %arg3[%get3A_6, %get3A_7] : memref<1x64xf32, #tpu.memory_space<vmem>>, vector<1x64xf32>
    %add3A = vector.broadcast %get3A_8 : vector<1x64xf32> to vector<2000x64xf32>
    %add3A_9 = arith.addf %dot_general3A_5, %add3A : vector<2000x64xf32>
    %max3A = arith.constant 0.000000e+00 : f32
    %max3A_10 = vector.broadcast %max3A : f32 to vector<2000x64xf32>
    %max3A_11 = arith.maximumf %add3A_9, %max3A_10 : vector<2000x64xf32>
    %swap3A = arith.constant 0 : index
    %swap3A_12 = arith.constant 0 : index
    %swap3A_13 = vector.load %arg4[%swap3A, %swap3A_12] : memref<2000x64xf32, #tpu.memory_space<vmem>>, vector<2000x64xf32>
    tpu.vector_store %arg4[%swap3A, %swap3A_12], %max3A_11 {strides = array<i32>} : memref<2000x64xf32, #tpu.memory_space<vmem>>, vector<2000x64xf32>,
    return
  }
  func.func @transform_0(%arg0: i32) -> (i32, i32) {
    %c0_i32 = arith.constant 0 : i32
    %c0_i32_0 = arith.constant 0 : i32
    return %arg0, %c0_i32 : i32, i32
  }
  func.func @transform_1(%arg0: i32) -> (i32, i32) {
    %c0_i32 = arith.constant 0 : i32
    %c0_i32_0 = arith.constant 0 : i32
    %c0_i32_1 = arith.constant 0 : i32
    return %c0_i32, %c0_i32_0 : i32, i32
  }
  func.func @transform_2(%arg0: i32) -> (i32, i32) {
    %c0_i32 = arith.constant 0 : i32
    %c0_i32_0 = arith.constant 0 : i32
    %c0_i32_1 = arith.constant 0 : i32
    return %c0_i32, %c0_i32_0 : i32, i32
  }
  func.func @transform_3(%arg0: i32) -> (i32, i32) {
    %c0_i32 = arith.constant 0 : i32
    %c0_i32_0 = arith.constant 0 : i32
    return %arg0, %c0_i32 : i32, i32
  }
}

module attributes {stable_mosaic.version = 14 : i64} {
  func.func @_linear_body_last(%arg0: i32, %arg1: memref<2000x64xf32, #tpu.memory_space<vmem>>, %arg2: memref<64x64xf32, #tpu.memory_space<vmem>>, %arg3: memref<1x64xf32, #tpu.memory_space<vmem>>, %arg4: memref<2000x64xf32, #tpu.memory_space<vmem>>) attributes {dimension_semantics = [#tpu.dimension_semantics<arbitrary>], iteration_bounds = array<i64: 25>, scalar_prefetch = 0 : i64, scratch_operands = 0 : i64, tpu.core_type = #tpu.core_type<tc>, window_params = [{transform_indices = @transform_0, window_bounds = array<i64: 2000, 64>}, {pipeline_mode = #tpu.pipeline_mode<synchronous>, transform_indices = @transform_1, window_bounds = array<i64: 64, 64>}, {pipeline_mode = #tpu.pipeline_mode<synchronous>, transform_indices = @transform_2, window_bounds = array<i64: 1, 64>}, {transform_indices = @transform_3, window_bounds = array<i64: 2000, 64>}]} {
    %get3A = arith.constant 0 : index
    %get3A_0 = arith.constant 0 : index
    %get3A_1 = vector.load %arg1[%get3A, %get3A_0] : memref<2000x64xf32, #tpu.memory_space<vmem>>, vector<2000x64xf32>
    %get3A_2 = arith.constant 0 : index
    %get3A_3 = arith.constant 0 : index
    %get3A_4 = vector.load %arg2[%get3A_2, %get3A_3] : memref<64x64xf32, #tpu.memory_space<vmem>>, vector<64x64xf32>
    %dot_general3A = arith.constant dense<0.000000e+00> : vector<2000x64xf32>
    %dot_general3A_5 = tpu.matmul %get3A_1, %get3A_4, %dot_general3A {dimension_numbers = #tpu.dot_dimension_numbers<[1], [0], [0], [1], [0, 0, 1, 1], [], []>, transpose_lhs_hint = false} : vector<2000x64xf32>, vector<64x64xf32>, vector<2000x64xf32> -> vector<2000x64xf32>
    %get3A_6 = arith.constant 0 : index
    %get3A_7 = arith.constant 0 : index
    %get3A_8 = vector.load %arg3[%get3A_6, %get3A_7] : memref<1x64xf32, #tpu.memory_space<vmem>>, vector<1x64xf32>
    %add3A = vector.broadcast %get3A_8 : vector<1x64xf32> to vector<2000x64xf32>
    %add3A_9 = arith.addf %dot_general3A_5, %add3A : vector<2000x64xf32>
    %swap3A = arith.constant 0 : index
    %swap3A_10 = arith.constant 0 : index
    %swap3A_11 = vector.load %arg4[%swap3A, %swap3A_10] : memref<2000x64xf32, #tpu.memory_space<vmem>>, vector<2000x64xf32>
    tpu.vector_store %arg4[%swap3A, %swap3A_10], %add3A_9 {strides = array<i32>} : memref<2000x64xf32, #tpu.memory_space<vmem>>, vector<2000x64xf32>,
    return
  }
  func.func @transform_0(%arg0: i32) -> (i32, i32) {
    %c0_i32 = arith.constant 0 : i32
    %c0_i32_0 = arith.constant 0 : i32
    return %arg0, %c0_i32 : i32, i32
  }
  func.func @transform_1(%arg0: i32) -> (i32, i32) {
    %c0_i32 = arith.constant 0 : i32
    %c0_i32_0 = arith.constant 0 : i32
    %c0_i32_1 = arith.constant 0 : i32
    return %c0_i32, %c0_i32_0 : i32, i32
  }
  func.func @transform_2(%arg0: i32) -> (i32, i32) {
    %c0_i32 = arith.constant 0 : i32
    %c0_i32_0 = arith.constant 0 : i32
    %c0_i32_1 = arith.constant 0 : i32
    return %c0_i32, %c0_i32_0 : i32, i32
  }
  func.func @transform_3(%arg0: i32) -> (i32, i32) {
    %c0_i32 = arith.constant 0 : i32
    %c0_i32_0 = arith.constant 0 : i32
    return %arg0, %c0_i32 : i32, i32
  }
}

</mosaic_0001>

<sc_bundles>
// kernel: scatter_offload_async_start.1
scs
__scs_entry_jumppad:
0x0: {  	(pc) =	sbr.rel $0x88, $3  }
0x1: {  	(tag) =	ssettag $0x0;
	lr =	simm.s32 $0x1  }
0x2: {  	[smem:$0x3F97] =	sst lr;
	_ =	strace $0xD0000000  }
0x3: {  	_ = 	snop  }
0x4: {  	_ = 	snop  }
0x5: {  	_ = 	snop  }
0x6: {  	_ = 	snop  }
0x7: {  	_ = 	snop  }
__scs_overlays_trampoline_lowered:
0x8: {  	[smem:$0x3FA6] =	sst s0  }
0x9: {  	[smem:$0x3FA7] =	sst s1  }
0xa: {  	[smem:$0x3FA8] =	sst s2  }
0xb: {  	[smem:$0x3FA9] =	sst s3  }
0xc: {  	[smem:$0x3FAA] =	sst s4  }
0xd: {  	[smem:$0x3FAB] =	sst s5  }
0xe: {  	[smem:$0x3FAC] =	sst s6  }
0xf: {  	[smem:$0x3FAD] =	sst s7  }
0x10: {  	[smem:$0x3FAE] =	sst s8  }
0x11: {  	[smem:$0x3FAF] =	sst s9;
	s0 =	simm.s32 @!p0 $0x0  }
0x12: {  	s1 =	sld [smem:$0x3F95];
	s0 =	simm.s32 @p0 $0x1  }
0x13: {  	[smem:$0x3FB0] =	sst s0;
	s0 =	simm.s32 @!p1 $0x0  }
0x14: {  	s2 =	sld [smem:$0x3F94];
	s0 =	simm.s32 @p1 $0x1  }
0x15: {  	[smem:$0x3FB1] =	sst s0;
	s0 =	simm.s32 @!p2 $0x0  }
0x16: {  	s3 =	sld [smem:$0x3FDB];
	s0 =	simm.s32 @p2 $0x1  }
0x17: {  	s4 =	simm.s32 $0x1BF5;
	[smem:$0x3FB3] =	sst s0  }
0x18: {  	s0 =	sld [smem:$0x3F96];
	_ =	swait.ge [sflag:s4], $0x0  }
0x19: {  	s7 =	sld [smem:$0x3F97]  }
0x1a: {  	s8 =	sadd.s32 $0xFFFFE003, lr  }
0x1b: {  	s9 =	sadd.s32 $0xFFFFFEF7, lr;
	s5 =	simm.s32 $0xFFFFFFFF;
	p2 =	slt.u32 s8, $0xFFFFF086  }
0x1c: {  	p1 =	slt.u32 s9, $0xF7A;
	s5 =	simm.s32 @!p2 $0x0  }
0x1d: {  	s5 =	simm.s32 @p1 $0x1;
	p0 =	seq.s32 s7, s2  }
0x1e: {  	s7 =	smul.u32 @!p0 $0xF7A, s2;
	p2 =	seq.s32 @!p0 s5, $0x0  }
0x1f: {  	s9 =	smul.u32 $0xF7A, s1;
	s8 =	simm.s32 @!p0 $0x1BF5;
	p2 =	por !p2, p0  }
0x20: {  	[sflag:s8] =	ssyncset.s32 @!p0 $0xFFFFF086;
	s6 =	sadd.s32 @!p0 s3, s7;
	s7 =	simm.s32 @!p0 $0x108  }
0x21: {  	s3 =	sadd.s32 s3, s9;
	s6 =	sadd.s32 @!p0 $0x88, s6;
	s7 =	simm.s32 @p2 $0x1082  }
0x22: {  	[simem:s7], [sflag:s8] =	dma.local @!p0 [hbm:s6], $0xF7A  }
0x23: {  	s9 =	sor.u32 $0xD0000000, s2;
	s6 =	simm.s32 $0x108;
	_ =	swait.ge @!p0 [sflag:s8], $0x0  }
0x24: {  	s3 =	sadd.s32 $0x88, s3;
	s6 =	simm.s32 @!p1 $0x1082;
	[sflag:s4] =	ssyncset.s32 $0xFFFFF086  }
0x25: {  	[simem:s6], [sflag:s4] =	dma.local [hbm:s3], $0xF7A  }
0x26: {  	[smem:$0x3F97] =	sst s1;
	(tag) =	ssettag s2;
	_ =	strace s9  }
0x27: {  	s1 =	sld [smem:$0x3FA7]  }
0x28: {  	s2 =	sld [smem:$0x3FA8]  }
0x29: {  	s4 =	sld [smem:$0x3FAA]  }
0x2a: {  	p0 =	seq.s32 s5, $0x0;
	s5 =	sld [smem:$0x3FAB]  }
0x2b: {  	s6 =	sld [smem:$0x3FAC]  }
0x2c: {  	s7 =	sld [smem:$0x3FAD]  }
0x2d: {  	s3 =	simm.s32 $0x108;
	s8 =	sld [smem:$0x3FAE]  }
0x2e: {  	s3 =	simm.s32 @!p0 $0x1082;
	s9 =	sld [smem:$0x3FAF]  }
0x2f: {  	lr =	sadd.s32 s0, s3;
	s0 =	sld [smem:$0x3FA6]  }
0x30: {  	s3 =	sld [smem:$0x3FA9]  }
0x31: {  	[smem:$0x3FB2] =	sst s10  }
0x32: {  	s10 =	sld [smem:$0x3FB0];
	_ =	sdelay $0x3  }
0x33: {  	p0 =	seq.s32 s10, $0x1;
	s10 =	sld [smem:$0x3FB2];
	_ =	sdelay $0x3  }
0x34: {  	[smem:$0x3FB2] =	sst s10  }
0x35: {  	s10 =	sld [smem:$0x3FB1];
	_ =	sdelay $0x3  }
0x36: {  	p1 =	seq.s32 s10, $0x1;
	s10 =	sld [smem:$0x3FB2];
	_ =	sdelay $0x3  }
0x37: {  	[smem:$0x3FB2] =	sst s10  }
0x38: {  	s10 =	sld [smem:$0x3FB3]  }
0x39: {  	_ = 	snop;
	(pc) =	sbr.ind lr, $3  }
0x3a: {  	_ = 	snop  }
0x3b: {  	_ = 	snop  }
0x3c: {  	p2 =	seq.s32 s10, $0x1;
	s10 =	sld [smem:$0x3FB2]  }
0x3d: {  	_ =	shalt  }
0x3e: {  	_ =	shalt  }
0x3f: {  	_ =	shalt  }
0x40: {  	_ =	shalt  }
0x41: {  	_ =	shalt  }
0x42: {  	_ =	shalt  }
0x43: {  	_ =	shalt  }
0x44: {  	_ =	shalt  }
0x45: {  	_ =	shalt  }
0x46: {  	_ =	shalt  }
0x47: {  	_ =	shalt  }
0x48: {  	_ =	shalt  }
0x49: {  	_ =	shalt  }
0x4a: {  	_ =	shalt  }
0x4b: {  	_ =	shalt  }
0x4c: {  	_ =	shalt  }
0x4d: {  	_ =	shalt  }
0x4e: {  	_ =	shalt  }
0x4f: {  	_ =	shalt  }
0x50: {  	_ =	shalt  }
0x51: {  	_ =	shalt  }
0x52: {  	_ =	shalt  }
0x53: {  	_ =	shalt  }
0x54: {  	_ =	shalt  }
0x55: {  	_ =	shalt  }
0x56: {  	_ =	shalt  }
0x57: {  	_ =	shalt  }
0x58: {  	_ =	shalt  }
0x59: {  	_ =	shalt  }
0x5a: {  	_ =	shalt  }
0x5b: {  	_ =	shalt  }
0x5c: {  	_ =	shalt  }
0x5d: {  	_ =	shalt  }
0x5e: {  	_ =	shalt  }
0x5f: {  	_ =	shalt  }
0x60: {  	_ =	shalt  }
0x61: {  	_ =	shalt  }
0x62: {  	_ =	shalt  }
0x63: {  	_ =	shalt  }
0x64: {  	_ =	shalt  }
0x65: {  	_ =	shalt  }
0x66: {  	_ =	shalt  }
0x67: {  	_ =	shalt  }
0x68: {  	_ =	shalt  }
0x69: {  	_ =	shalt  }
0x6a: {  	_ =	shalt  }
0x6b: {  	_ =	shalt  }
0x6c: {  	_ =	shalt  }
0x6d: {  	_ =	shalt  }
0x6e: {  	_ =	shalt  }
0x6f: {  	_ =	shalt  }
0x70: {  	_ =	shalt  }
0x71: {  	_ =	shalt  }
0x72: {  	_ =	shalt  }
0x73: {  	_ =	shalt  }
0x74: {  	_ =	shalt  }
0x75: {  	_ =	shalt  }
0x76: {  	_ =	shalt  }
0x77: {  	_ =	shalt  }
0x78: {  	_ =	shalt  }
0x79: {  	_ =	shalt  }
0x7a: {  	_ =	shalt  }
0x7b: {  	_ =	shalt  }
0x7c: {  	_ =	shalt  }
0x7d: {  	_ =	shalt  }
0x7e: {  	_ =	shalt  }
0x7f: {  	_ =	shalt  }
0x80: {  	_ =	shalt  }
0x81: {  	_ =	shalt  }
0x82: {  	_ =	shalt  }
0x83: {  	_ =	shalt  }
0x84: {  	_ =	shalt  }
0x85: {  	_ =	shalt  }
0x86: {  	_ =	shalt  }
0x87: {  	_ =	shalt  }
.Lfunc_end0:
.L_simem_size_0:
called_computation.1_lowered:
.L_overlay_start_0:
0x88: {  	s2 =	sld [smem:$0x3FD9]  }
0x89: {  	s3 =	sld [smem:$0x3FFE];
	_ =	sdelay $0x1  }
0x8a: {  	s1 =	srdreg.scid  }
0x8b: {  	s0 =	sand.u32 $0x1, s1  }
0x8c: {  	s13 =	sshll.u32 s0, $0xA;
	s2 =	sadd.s32 s3, s2  }
0x8d: {  	s2 =	sadd.s32 s2, s13  }
0x8e: {  	[smem:$0x3FBE] =	sst s2  }
0x8f: {  	_ = 	snop  }
0x90: {  	s2 =	sld [smem:$0x3FD0];
	_ =	sdelay $0x2  }
0x91: {  	s4 =	simm.s32 $0xB;
	s14 =	simm.s32 $0x10  }
0x92: {  	[smem:s14], [sflag:s4] =	dma.local [hbm:s2], $0x1  }
0x93: {  	_ =	swait.eq [sflag:s4], $0x1  }
0x94: {  	[sflag:s4] =	ssyncset.done $0x0  }
0x95: {  	s15 =	sld [smem:$0x10];
	[sflag:s4] =	ssyncadd.s32 $0xFFFFFFFF  }
0x96: {  	s16 =	sld [smem:$0x11];
	(tm) =	ssettm $0x1  }
0x97: {  	s17 =	sld [smem:$0x3FFB];
	_ =	sdelay $0x3  }
0x98: {  	_ =	strace s17  }
0x99: {  	s2 =	sld [smem:$0x3FFC];
	_ =	sdelay $0x3  }
0x9a: {  	_ =	strace s2  }
0x9b: {  	s2 =	sld [smem:$0x3FFD];
	_ =	sdelay $0x3  }
0x9c: {  	_ =	strace s2  }
0x9d: {  	_ =	strace $0x8FFFFFFF  }
0x9e: {  	s18 =	sld [smem:$0x3FDB];
	_ =	sdelay $0x1  }
0x9f: {  	s5 =	simm.s32 $_scs_section_size  }
0xa0: {  	s6 =	simm.s32 $_size__tile_overlayer_lowered;
	s7 =	simm.s32 $_tile_overlayer_lowered  }
0xa1: {  	s8 =	simm.s32 $0x1BFF;
	s19 =	sshll.u32 s7, $0x1;
	s5 =	sadd.s32 s5, s18  }
0xa2: {  	s20 =	simm.s32 $0x0;
	s6 =	sshll.u32 s6, $0x1;
	s7 =	sadd.s32 s19, s5  }
0xa3: {  	[timem:s20], [sflag:s8] =	dma.local [hbm:s7], s6  }
0xa4: {  	_ =	swait.ge [sflag:s8], s6  }
0xa5: {  	s6 =	ssub.s32 $0x0, s6;
	[sflag:s8] =	ssyncset.done $0x0  }
0xa6: {  	[sflag:s8] =	ssyncadd.s32 s6;
	_ =	sdelay $0x1  }
0xa7: {  	s21 =	simm.s32 $0x1B8B  }
0xa8: {  	_ =	swait.ge [sflag:s21], $0x1  }
0xa9: {  	[sflag:s21] =	ssyncset.done $0x0  }
0xaa: {  	s22 =	sld [smem:$0x3FFE];
	[sflag:s21] =	ssyncadd.s32 $0xFFFFFFFF  }
0xab: {  	s24 =	simm.s32 $0x1B8E;
	s23 =	sld [smem:$0x0]  }
0xac: {  	s25 =	simm.s32 $execute0_lowered;
	[smem:$0x3FD2] =	sst s24  }
0xad: {  	s8 =	sshll.u32 s25, $0x1;
	_ =	strace $0x8000004C;
	[dreg:$0x1] =	wrdreg $0xFFFFFFFF  }
0xae: {  	s9 =	simm.s32 $_size_execute0_lowered;
	s8 =	sadd.s32 s5, s8;
	[dreg:$0x0] =	wrdreg $0x0  }
0xaf: {  	s9 =	sshll.u32 s9, $0x1;
	[dreg:$0x2] =	wrdreg s8  }
0xb0: {  	[dreg:$0x3] =	wrdreg s9  }
0xb1: {  	[dreg:$0x4] =	wrdreg $0xC0  }
0xb2: {  	s26 =	simm.s32 $execute1_lowered;
	_ =	task [dreg:s20], $0x5FFFF  }
0xb3: {  	s8 =	sshll.u32 s26, $0x1;
	[dreg:$0x1] =	wrdreg $0xFFFFFFFF  }
0xb4: {  	s5 =	sadd.s32 s5, s8;
	[dreg:$0x0] =	wrdreg $0x60  }
0xb5: {  	[dreg:$0x2] =	wrdreg s5  }
0xb6: {  	[dreg:$0x3] =	wrdreg s22  }
0xb7: {  	[dreg:$0x4] =	wrdreg $0x9  }
0xb8: {  	_ =	task.clear_ibuf [dreg:s20], $0x5FFFF;
	_ =	strace $0x9000004C  }
0xb9: {  	s28 =	simm.s32 $0x9;
	_ =	strace $0x8000004E  }
0xba: {  	_ =	swait.ge [sflag:s28], $0x1  }
0xbb: {  	[sflag:s28] =	ssyncadd.s32 $0xFFFFFFFF  }
0xbc: {  	_ =	strace $0x9000004E  }
0xbd: {  	s5 =	sld [smem:$0x0]  }
0xbe: {  	s8 =	sand.u32 $0xFFFFFFFE, s1  }
0xbf: {  	p0 =	sne.s32 s1, s8  }
0xc0: {  	s8 =	sshll.u32 @p0 s8, $0xE  }
0xc1: {  	s8 =	sadd.s32 @p0 $0x11BF3, s8;
	s9 =	sshll.u32 @p0 s5, $0x11  }
0xc2: {  	s8 =	sor.u32 @p0 s9, s8  }
0xc3: {  	[sflag:s8] =	ssyncadd.remote.s32 @p0 $0x1;
	_ =	sdelay $0x1  }
0xc4: {  	s8 =	simm.s32 @p0 $0x1BF3  }
0xc5: {  	_ =	swait.eq @p0 [sflag:s8], $0x1  }
0xc6: {  	[sflag:s8] =	ssyncadd.s32 @p0 $0xFFFFFFFF  }
0xc7: {  	s9 =	sshll.u32 @!p0 s1, $0xE  }
0xc8: {  	s9 =	sor.u32 @!p0 $0x4000, s9;
	s8 =	simm.s32 @!p0 $0x1BF3  }
0xc9: {  	s5 =	sshll.u32 @!p0 s5, $0x11;
	s9 =	sadd.s32 @!p0 $0x11BF3, s9;
	_ =	swait.eq @!p0 [sflag:s8], $0x1  }
0xca: {  	s5 =	sor.u32 @!p0 s5, s9;
	[sflag:s8] =	ssyncadd.s32 @!p0 $0xFFFFFFFF  }
0xcb: {  	[sflag:s5] =	ssyncadd.remote.s32 @!p0 $0x1  }
0xcc: {  	_ =	strace $0x8000004F;
	[dreg:$0x1] =	wrdreg $0xFFFFFFFF  }
0xcd: {  	[dreg:$0x0] =	wrdreg $0x2030  }
0xce: {  	[dreg:$0x2] =	wrdreg s22  }
0xcf: {  	[dreg:$0x3] =	wrdreg s15  }
0xd0: {  	[dreg:$0x4] =	wrdreg s16  }
0xd1: {  	[dreg:$0x5] =	wrdreg s1  }
0xd2: {  	[dreg:$0x6] =	wrdreg s23  }
0xd3: {  	[dreg:$0x7] =	wrdreg $0xA  }
0xd4: {  	_ =	task.clear_ibuf [dreg:s20], $0x8FFFF;
	_ =	strace $0x9000004F  }
0xd5: {  	s29 =	simm.s32 $0xA;
	_ =	strace $0x80000051  }
0xd6: {  	_ =	swait.ge [sflag:s29], $0x1  }
0xd7: {  	[sflag:s29] =	ssyncadd.s32 $0xFFFFFFFF  }
0xd8: {  	_ =	strace $0x90000051  }
0xd9: {  	_ =	sfence  }
0xda: {  	s30 =	sld [smem:$0x0];
	_ =	sdelay $0x2  }
0xdb: {  	s31 =	sshll.u32 s1, $0xD;
	s1 =	sshrl.u32 s1, $0x2  }
0xdc: {  	s4 =	sand.u32 $0x4000, s31;
	s1 =	sadd.s32 s1, s30  }
0xdd: {  	s0 =	sor.u32 s4, s0;
	s1 =	sshll.u32 s1, $0x11  }
0xde: {  	s0 =	sor.u32 s1, s0  }
0xdf: {  	s0 =	sadd.s32 $0x8F2B, s0  }
0xe0: {  	[sflag:s0] =	ssyncadd.remote.s32 $0x1  }
0xe1: {  	_ =	sfence.sel $0xFFFF  }
0xe2: {  	[dreg:$0x0] =	wrdreg $0xFFFFFFFF;
	(pc) =	sbr.abs _section_cstart, $3  }
0xe3: {  	[dreg:$0x1] =	wrdreg $0xFFFFFFFF  }
0xe4: {  	_ =	task.clear_ibuf [dreg:s20], $0x2FFFF;
	_ =	strace $0x9FFFFFFF  }
0xe5: {  	(tm) =	ssettm $0x7FFFFFFF  }
tec
execute0_lowered:
.L_overlay_start_1:
0x0: {  	(tag) =	ssettag $0x1  }
0x1: {  	s2 =	rddreg [dreg:$0x0]  }
0x2: {  	s5 =	rddreg [dreg:$0x1]  }
0x3: {  	s0 =	rddreg [dreg:$0x2];
	s3 =	stileid.u32;
	[bflag:$0x3] =	sbarrier.arrive $0xFFFF  }
0x4: {  	s1 =	simm.s32 $_size_execute1_lowered;
	s29 =	srdreg.scid;
	s31 =	simm.s32 $0x2  }
0x5: {  	s13 =	simm.s32 $0x0;
	s8 =	simm.s32 $0x40;
	p0 =	sne.s32 s3, $0x0  }
0x6: {  	s1 =	sshll.u32 s1, $0x1;
	s4 =	simm.s32 @!p0 $0x1C3F;
	s6 =	simm.s32 @!p0 $0x4060  }
0x7: {  	[timem:s6], [sflag:s4] =	dma.local @!p0 [hbm:s2], s1  }
0x8: {  	s9 =	simm.s32 $0x80;
	s11 =	simm.s32 $0x0;
	s2 =	sshll.u32 s29, $0x8  }
.Ltmp0:
0x9: {  	s3 =	sshll.u32 s3, $0x9;
	s30 =	sand.u32 $0x100, s2;
	(pc) =	sbr.rel .LBB2_1-.Ltmp0, $4  }
0xa: {  	s12 =	simm.s32 $0x0;
	s4 =	simm.s32 $0x1;
	s3 =	sor.u32 s3, s30  }
0xb: {  	_ =	strace $0x8000004D;
	s2 =	sadd.s32 $0x19800, s5;
	s7 =	ssub.s32 $0xC300, s3  }
0xc: {  	s5 =	sadd.s32 $0xD11E00, s5;
	[sflag:s4] =	ssyncpa.u1 $0x0;
	s6 =	sshrl.u32 s7, $0xD  }
0xd: {  	[sflag:s31] =	ssyncpa.u1 $0x0;
	s10 =	smov.u32 s3;
	s7 =	sadd.s32 $0x2, s6  }
.LBB2_5:
0xe: {  	_ =	sdelay $0x3  }
0xf: {  	[tilespmem:v3+s18+$0x0 ss:$0x1] =	vst.idx.msk $0xffff, v1  }
0x10: {  	[tilespmem:v3+s17+$0x0 ss:$0x1] =	vst.idx.msk $0xffff, v2  }
0x11: {  	[tilespmem:v3+s16+$0x0 ss:$0x1] =	vst.idx.msk $0xffff, v4  }
0x12: {  	[tilespmem:v3+s19+$0x0 ss:$0x1] =	vst.idx.msk $0xffff, v5  }
.LBB2_6:
0x13: {  	s16 =	sand.u32 $0x1FFFFFF, s11  }
0x14: {  	s17 =	smulhi.u32 $0x14F8B59, s16;
	_ =	sdelay $0x1  }
0x15: {  	s17 =	sshrl.u32 s17, $0x8  }
0x16: {  	s17 =	smul.u32 $0xC350, s17;
	_ =	sdelay $0x1  }
0x17: {  	s16 =	ssub.s32 s16, s17  }
0x18: {  	s16 =	sshll.u32 s16, $0x4  }
0x19: {  	s16 =	sadd.s32 s5, s16  }
0x1a: {  	[hbm4b:s16+s8] =	stream.strided.scatter [tilespmem:s15], [sflag:$0x2], s14, s9, s8, $0x38;
	[tilespmem:$0x10000] =	vst v63  }
.LBB2_7:
0x1b: {  	p1 =	slt.u32 s12, $0x2  }
0x1c: {  	p2 =	sgt.s32 @!p1 s13, $0xC250  }
0x1d: {  	s14 =	smov.u32 s13;
	s15 =	sshra.s32 @!p1 s13, $0x1F;
	p2 =	por !p2, p1  }
0x1e: {  	s13 =	sand.u32 @!p1 s15, s13;
	s14 =	simm.s32 @p2 $0xC250  }
0x1f: {  	s13 =	ssub.s32 @!p1 s14, s13  }
0x20: {  	s13 =	sadd.s32 @!p1 $0xFFFF3DB0, s13  }
0x21: {  	s14 =	sshll.u32 @!p1 s13, $0x8  }
0x22: {  	p2 =	sgt.s32 @!p1 s13, $0xFF;
	s13 =	ssub.s32 @!p1 $0x10000, s14  }
0x23: {  	s15 =	sadd.s32 $0x2000, s10;
	p2 =	por !p2, p1;
	s13 =	sshrl.u32 @!p1 s13, $0x2  }
0x24: {  	s13 =	simm.s32 @!p2 $0x0;
	p2 =	sgt.s32 s15, $0xC34F  }
0x25: {  	s15 =	smov.u32 @p2 s3;
	p2 =	sne.s32 s12, s7  }
.Ltmp1:
0x26: {  	_ = 	snop;
	(pc) =	sbr.rel @!p2 .LBB2_8-.Ltmp1, $4  }
0x27: {  	s14 =	simm.s32 @!p1 $0x2  }
0x28: {  	_ =	swait.ge @!p1 [sflag:s14], s13;
	s16 =	ssub.s32 @!p1 $0x0, s13  }
0x29: {  	s13 =	smov.u32 s11;
	s12 =	sadd.s32 $0x1, s12;
	[sflag:s14] =	ssyncset.done @!p1 $0x0  }
0x2a: {  	s11 =	smov.u32 s10;
	s10 =	smov.u32 s15;
	[sflag:s14] =	ssyncadd.s32 @!p1 s16  }
.LBB2_1:
0x2b: {  	p1 =	sgt.u32 s12, s6  }
0x2c: {  	s15 =	smov.u32 s10;
	p2 =	sgt.s32 @!p1 s10, $0xC250  }
0x2d: {  	s14 =	sand.u32 @!p1 $0x1FFFFFF, s10;
	s16 =	sshra.s32 @!p1 s10, $0x1F;
	p2 =	por !p2, p1  }
0x2e: {  	s17 =	smulhi.u32 @!p1 $0x14F8B59, s14;
	s16 =	sand.u32 @!p1 s16, s10;
	s15 =	simm.s32 @p2 $0xC250  }
0x2f: {  	s15 =	ssub.s32 @!p1 s15, s16  }
0x30: {  	s16 =	sshrl.u32 @!p1 s17, $0x8;
	s15 =	sadd.s32 @!p1 $0xFFFF3DB0, s15  }
0x31: {  	s17 =	sxor.u32 @!p1 $0xFFFFFFFF, s12;
	s16 =	smul.u32 @!p1 $0xC350, s16;
	s18 =	sshll.u32 @!p1 s15, $0x8  }
0x32: {  	s17 =	sshll.u32 @!p1 s17, $0xE;
	p2 =	sgt.s32 @!p1 s15, $0xFF;
	s15 =	ssub.s32 @!p1 $0x10000, s18  }
0x33: {  	s14 =	ssub.s32 @!p1 s14, s16;
	p2 =	por !p2, p1;
	s16 =	sand.u32 @!p1 $0x4000, s17  }
0x34: {  	s17 =	simm.s32 @!p1 $0x40;
	s15 =	sshrl.u32 @!p1 s15, $0x2;
	s14 =	sshll.u32 @!p1 s14, $0x4  }
0x35: {  	s18 =	simm.s32 @!p1 $0x80;
	s15 =	simm.s32 @!p2 $0x0;
	s14 =	sadd.s32 @!p1 s2, s14  }
0x36: {  	[tilespmem:s16], [sflag:$0x1] =	stream.strided.gather @!p1 [hbm4b:s14+s17], s15, s18, s17, $0x38;
	[tilespmem:$0x10000] =	vst v63  }
0x37: {  	p1 =	seq.s32 s12, $0x0  }
0x38: {  	p2 =	sge.u32 @!p1 s12, s7  }
0x39: {  	p1 =	por p1, p2  }
.Ltmp2:
0x3a: {  	_ = 	snop;
	(pc) =	sbr.rel @p1 .LBB2_7-.Ltmp2, $1  }
0x3b: {  	_ =	sdelay $0x3  }
0x3c: {  	p1 =	sgt.s32 s11, $0xC250;
	s14 =	smov.u32 s11;
	s15 =	sshra.s32 s11, $0x1F  }
0x3d: {  	s14 =	simm.s32 @!p1 $0xC250;
	s15 =	sand.u32 s15, s11  }
0x3e: {  	s14 =	ssub.s32 s14, s15  }
0x3f: {  	s14 =	sadd.s32 $0xFFFF3DB0, s14  }
0x40: {  	s31 =	sshll.u32 s14, $0x8  }
0x41: {  	s15 =	ssub.s32 $0x10000, s31  }
0x42: {  	p1 =	sgt.s32 s14, $0xFF;
	s14 =	sshrl.u32 s15, $0x2;
	s15 =	sadd.s32 $0x100, s11  }
0x43: {  	s14 =	simm.s32 @p1 $0x0;
	p1 =	slt.s32 s15, $0xC350  }
0x44: {  	s15 =	simm.s32 @!p1 $0xC350  }
0x45: {  	s20 =	ssub.s32 s15, s11  }
0x46: {  	p1 =	slt.s32 s20, $0x1  }
.Ltmp3:
0x47: {  	_ = 	snop;
	(pc) =	sbr.rel @p1 .LBB2_6-.Ltmp3, $4  }
0x48: {  	_ = 	snop  }
0x49: {  	s16 =	sshll.u32 s12, $0xE;
	_ =	swait.ge [sflag:s4], s14  }
0x4a: {  	s16 =	sand.u32 $0x4000, s16;
	s17 =	ssub.s32 $0x0, s14;
	[sflag:s4] =	ssyncset.done $0x0  }
0x4b: {  	s15 =	sor.u32 $0x8000, s16;
	[sflag:s4] =	ssyncadd.s32 s17  }
0x4c: {  	v0 =	vmov s16;
	_ =	sdelay $0x2  }
0x4d: {  	s31 =	simm.s32 $0x0;
	p1 =	sne.s32 s20, $0x1  }
.Ltmp4:
0x4e: {  	s18 =	sand.u32 $0x3FC0, s31;
	(pc) =	sbr.rel @!p1 .LBB2_5-.Ltmp4, $4  }
0x4f: {  	s17 =	sor.u32 $0x30, s18;
	v1 =	vld.idx.msk [tilespmem:v0+s18+$0x0 ss:$0x1], $0xffff  }
0x50: {  	v3 =	vmov s15;
	s16 =	sor.u32 $0x10, s18;
	v2 =	vld.idx.msk [tilespmem:v0+s17+$0x0 ss:$0x1], $0xffff  }
0x51: {  	s19 =	sor.u32 $0x20, s18;
	v4 =	vld.idx.msk [tilespmem:v0+s16+$0x0 ss:$0x1], $0xffff  }
0x52: {  	s20 =	sadd.s32 $0xFFFFFFFF, s20;
	s21 =	simm.s32 $0x40;
	v5 =	vld.idx.msk [tilespmem:v0+s19+$0x0 ss:$0x1], $0xffff  }
.LBB2_4:
0x53: {  	s22 =	sand.u32 $0x3FC0, s21  }
0x54: {  	p1 =	sne.s32 s20, $0x1;
	s20 =	sadd.s32 $0xFFFFFFFF, s20;
	s23 =	sor.u32 $0x10, s22  }
.Ltmp5:
0x55: {  	s24 =	sor.u32 $0x20, s22;
	s25 =	sor.u32 $0x30, s22;
	[tilespmem:v3+s18+$0x0 ss:$0x1] =	vst.idx.msk $0xffff, v1;
	v1 =	vld.idx.msk [tilespmem:v0+s22+$0x0 ss:$0x1], $0xffff;
	(pc) =	sbr.rel @p1 .LBB2_4-.Ltmp5, $4  }
0x56: {  	s18 =	smov.u32 s22;
	[tilespmem:v3+s17+$0x0 ss:$0x1] =	vst.idx.msk $0xffff, v2;
	v2 =	vld.idx.msk [tilespmem:v0+s25+$0x0 ss:$0x1], $0xffff;
	s17 =	smov.u32 s25  }
0x57: {  	[tilespmem:v3+s16+$0x0 ss:$0x1] =	vst.idx.msk $0xffff, v4;
	v4 =	vld.idx.msk [tilespmem:v0+s23+$0x0 ss:$0x1], $0xffff;
	s16 =	smov.u32 s23  }
0x58: {  	[tilespmem:v3+s19+$0x0 ss:$0x1] =	vst.idx.msk $0xffff, v5;
	v5 =	vld.idx.msk [tilespmem:v0+s24+$0x0 ss:$0x1], $0xffff;
	s19 =	smov.u32 s24  }
0x59: {  	s21 =	sadd.s32 $0x40, s21  }
.Ltmp6:
0x5a: {  	_ = 	snop;
	(pc) =	sbr.rel .LBB2_5-.Ltmp6, $1  }
0x5b: {  	_ =	sdelay $0x3  }
.LBB2_8:
0x5c: {  	_ =	sfence.sel $0x180000  }
0x5d: {  	s2 =	simm.s32 $0x1;
	[bflag:$0x0] =	sbarrier.arrive $0xFFFF  }
0x5e: {  	s31 =	simm.s32 $0x2;
	[sflag:s2] =	ssyncpa.u1 $0x1  }
0x5f: {  	[sflag:s31] =	ssyncpa.u1 $0x1  }
0x60: {  	_ =	strace $0x9000004D  }
0x61: {  	s0 =	sadd.s32 @!p0 $0x100000, s0;
	[bflag:$0x2] =	sbarrier.arrive $0xFFFF  }
0x62: {  	[sflag:s0] =	ssyncadd.tile.s32 @!p0 $0x1;
	s0 =	simm.s32 @!p0 $0x3F  }
0x63: {  	_ =	swait.ge @!p0 [sflag:s0], s1  }
0x64: {  	s1 =	ssub.s32 @!p0 $0x0, s1;
	[sflag:s0] =	ssyncset.done @!p0 $0x0  }
0x65: {  	[sflag:s0] =	ssyncadd.s32 @!p0 s1  }
0x66: {  	[bflag:$0x3] =	sbarrier.arrive $0xFFFF  }
0x67: {  	_ =	shalt  }
.Lfunc_end2:
execute1_lowered:
.L_overlay_start_2:
0x68: {  	(tag) =	ssettag $0x2  }
0x69: {  	s4 =	rddreg [dreg:$0x0]  }
0x6a: {  	s0 =	rddreg [dreg:$0x1]  }
0x6b: {  	s2 =	rddreg [dreg:$0x2]  }
0x6c: {  	s5 =	rddreg [dreg:$0x3];
	_ =	strace $0x80000050;
	s1 =	simm.s32 $0x1  }
0x6d: {  	s3 =	simm.s32 $0x88;
	v0 =	vimm.s32 $0x0;
	[sflag:s1] =	ssyncpa.u1 $0x0  }
0x6e: {  	[tilespmem:s3+$0x30] =	vst v0  }
0x6f: {  	s1 =	sadd.s32 $0xD11E00, s4;
	[tilespmem:s3+$0x20] =	vst v0  }
0x70: {  	s6 =	sadd.s32 $0x1ACDA00, s4;
	s7 =	sand.u32 $0x1, s5;
	s4 =	simm.s32 $0x40;
	[tilespmem:s3+$0x10] =	vst v0  }
.LBB3_1:
0x71: {  	s4 =	sadd.s32 $0x40, s4  }
0x72: {  	[tilespmem:s3+$0x0] =	vst v0;
	s3 =	sadd.s32 $0x40, s3;
	p0 =	slt.u32 s4, $0x5040  }
.Ltmp7:
0x73: {  	(pc) =	sbr.rel @p0 .LBB3_1-.Ltmp7, $4  }
0x74: {  	_ = 	snop  }
0x75: {  	[tilespmem:s3+$0x30] =	vst v0  }
0x76: {  	[tilespmem:s3+$0x20] =	vst v0  }
0x77: {  	[tilespmem:s3+$0x10] =	vst v0  }
0x78: {  	s8 =	stileid.u32  }
0x79: {  	s4 =	smul.u32 $0x4E, s8  }
0x7a: {  	s5 =	smin.u32 s8, $0x2  }
0x7b: {  	s4 =	sadd.s32 s5, s4  }
0x7c: {  	p0 =	slt.u32 s8, $0x2;
	s12 =	smul.u32 $0x140, s4;
	s4 =	simm.s32 $0x62C0  }
0x7d: {  	s4 =	simm.s32 @!p0 $0x6180  }
0x7e: {  	s25 =	simm.s32 $0x2;
	s4 =	sadd.s32 s4, s12  }
0x7f: {  	s28 =	simm.s32 $0x9;
	s9 =	simm.s32 $0xA;
	s14 =	smin.u32 s4, $0x61A80  }
0x80: {  	s30 =	simm.s32 $0xB;
	[dreg:$0x6] =	wrdreg s7;
	s4 =	ssub.s32 s14, s12  }
0x81: {  	s31 =	smul.u32 $0xC350, s7;
	s13 =	simm.s32 $0x1;
	p0 =	sgt.s32 s4, $0x0  }
0x82: {  	s19 =	simm.s32 $0x0;
	s20 =	simm.s32 $0xA808;
	s4 =	simm.s32 @!p0 $0x0  }
0x83: {  	s21 =	simm.s32 $0xFFFFFFFF;
	p1 =	por $0x0, $0x0;
	s26 =	smulhi.u32 $0x66666667, s4  }
0x84: {  	[tilespmem:s3+$0x0] =	vst v0;
	s23 =	simm.s32 $0x0;
	[sflag:s25] =	ssyncpa.u1 $0x0;
	s18 =	sshll.u32 s8, $0x7  }
0x85: {  	s0 =	sadd.s32 s31, s0;
	[dreg:$0xc] =	wrdreg s18;
	s3 =	sshrl.u32 s26, $0x7  }
0x86: {  	v0 =	vimm.s32 $0xFFFFFFFF;
	s17 =	sadd.s32 s31, s2;
	[dreg:$0xb] =	wrdreg s0;
	s29 =	smul.u32 $0x140, s3  }
0x87: {  	s25 =	simm.s32 $0x0;
	[tilespmem:$0xA108] =	vst v0;
	[sflag:s28] =	ssyncpa.u1 $0x0;
	[dreg:$0xa] =	wrdreg s17  }
.Ltmp8:
0x88: {  	p0 =	sne.s32 s4, s29;
	s4 =	simm.s32 $0x1;
	(pc) =	sbr.rel .LBB3_3-.Ltmp8, $4  }
0x89: {  	[sflag:s9] =	ssyncpa.u1 $0x0;
	[dreg:$0x7] =	wrdreg s12;
	s4 =	simm.s32 @!p0 $0x0  }
0x8a: {  	[sflag:s30] =	ssyncpa.u1 $0x0;
	[dreg:$0x8] =	wrdreg s14;
	s15 =	sadd.s32 s4, s3  }
0x8b: {  	s24 =	smov.u32 s12;
	s22 =	sadd.s32 $0x1, s15;
	[dreg:$0x9] =	wrdreg s15  }
0x8c: {  	v0 =	vlaneseq.u32;
	s26 =	simm.s32 $0x0;
	p0 =	por $0x1, $0x1;
	[dreg:$0xd] =	wrdreg s22  }
.LBB3_22:
0x8d: {  	s0 =	sshrl.u32 s3, $0x2  }
.LBB3_24:
0x8e: {  	s3 =	simm.s32 $0xC  }
0x8f: {  	_ =	swait.ge [sflag:s3], s0  }
0x90: {  	s31 =	ssub.s32 $0x0, s0;
	v1 =	vmov s4;
	vm0 =	veq.s32 v0, $0x0;
	[sflag:s3] =	ssyncset.done $0x0  }
0x91: {  	vm15 =	veq.s32 v0, $0x2;
	v1 =	vsel vm0, s2, v1;
	[sflag:s3] =	ssyncadd.s32 s31  }
0x92: {  	v1 =	vsel vm15, s26, v1;
	[sflag:s3] =	ssyncpa.u1 $0x1  }
0x93: {  	[tilespmem:$0xA108] =	vst v1  }
.LBB3_25:
0x94: {  	s0 =	sadd.s32 $0x140, s24  }
0x95: {  	s2 =	smov.u32 s12;
	p2 =	slt.s32 s0, s14  }
0x96: {  	s2 =	smov.u32 @p2 s0;
	p2 =	sne.s32 s25, s22  }
.Ltmp9:
0x97: {  	_ = 	snop;
	(pc) =	sbr.rel @!p2 .LBB3_26-.Ltmp9, $4  }
0x98: {  	_ = 	snop  }
0x99: {  	s26 =	smov.u32 s23;
	s31 =	sadd.s32 $0x1, s25;
	p0 =	por !p0, !p0  }
0x9a: {  	s23 =	smov.u32 s24;
	s20 =	sadd.s32 $0x140, s20;
	s21 =	sadd.s32 $0x1, s21  }
0x9b: {  	p1 =	por !p1, !p1;
	s25 =	smov.u32 s31;
	s24 =	smov.u32 s2  }
.LBB3_3:
0x9c: {  	p2 =	sge.u32 s25, s15  }
0x9d: {  	s0 =	smulhi.u32 @!p2 $0xAAAAAAAB, s25  }
0x9e: {  	s2 =	smov.u32 s24;
	p3 =	sgt.s32 @!p2 s24, $0x61940  }
0x9f: {  	s3 =	sshra.s32 @!p2 s24, $0x1F;
	p3 =	por !p3, p2;
	s0 =	sshrl.u32 @!p2 s0, $0x1  }
0xa0: {  	s3 =	sand.u32 @!p2 s3, s24;
	s2 =	simm.s32 @p3 $0x61940;
	s0 =	smul.u32 @!p2 $0x3, s0  }
0xa1: {  	s2 =	ssub.s32 @!p2 s2, s3  }
0xa2: {  	s2 =	sadd.s32 @!p2 $0xFFF9E6C0, s2;
	s0 =	ssub.s32 @!p2 s25, s0  }
0xa3: {  	s3 =	sshll.u32 @!p2 s2, $0x2;
	p3 =	sgt.s32 @!p2 s2, $0x13F;
	s0 =	smul.u32 @!p2 $0x500, s0  }
0xa4: {  	s4 =	sand.u32 @!p2 $0x7, s24;
	s2 =	ssub.s32 @!p2 $0x500, s3;
	p3 =	por !p3, p2  }
0xa5: {  	s3 =	sshrl.u32 @!p2 s24, $0x3;
	s2 =	sshrl.u32 @!p2 s2, $0x2;
	s0 =	sshrl.u32 @!p2 s0, $0x2  }
0xa6: {  	s3 =	sadd.s32 @!p2 s3, s17;
	s2 =	simm.s32 @!p3 $0x0;
	s0 =	sadd.s32 @!p2 $0xA948, s0  }
0xa7: {  	[tilespmem:s0], [sflag:$0xA] =	stream.linear.gather @!p2 [hbm4b:s3+s4], s2, $0x38;
	[tilespmem:$0x1EF88] =	vst v63  }
0xa8: {  	s0 =	sadd.s32 $0xFFFFFFFF, s25  }
0xa9: {  	p2 =	sge.u32 s0, s15  }
.Ltmp10:
0xaa: {  	_ = 	snop;
	(pc) =	sbr.rel @p2 .LBB3_7-.Ltmp10, $1  }
0xab: {  	_ =	sdelay $0x3  }
0xac: {  	p2 =	sgt.s32 s23, $0x61940;
	s2 =	smov.u32 s23;
	s3 =	sshra.s32 s23, $0x1F  }
0xad: {  	s2 =	simm.s32 @!p2 $0x61940;
	s3 =	sand.u32 s3, s23  }
0xae: {  	s17 =	smulhi.u32 $0xAAAAAAAB, s21;
	s2 =	ssub.s32 s2, s3  }
0xaf: {  	s0 =	sand.u32 $0x1, s0;
	s2 =	sadd.s32 $0xFFF9E6C0, s2  }
0xb0: {  	s5 =	simm.s32 $0xA;
	s3 =	sshrl.u32 s17, $0x1;
	s4 =	sshll.u32 s2, $0x2  }
0xb1: {  	s7 =	sshrl.u32 s23, $0x3;
	s3 =	smul.u32 $0xFFFFF100, s3;
	s4 =	ssub.s32 $0x500, s4  }
0xb2: {  	s18 =	smul.u32 $0x500, s0;
	p2 =	sgt.s32 s2, $0x13F;
	s2 =	sshrl.u32 s4, $0x2  }
0xb3: {  	s9 =	sand.u32 $0x7, s23;
	s3 =	sshra.s32 s3, $0x2;
	s2 =	simm.s32 @p2 $0x0  }
0xb4: {  	s0 =	sadd.s32 s3, s20;
	s4 =	sshrl.u32 s18, $0x2;
	_ =	swait.ge [sflag:s5], s2  }
0xb5: {  	s22 =	ssub.s32 $0x0, s2;
	[sflag:s5] =	ssyncset.done $0x0;
	s8 =	rddreg [dreg:$0xb]  }
0xb6: {  	s4 =	sadd.s32 $0xAD08, s4;
	[sflag:s5] =	ssyncadd.s32 s22;
	s3 =	sadd.s32 s7, s8  }
0xb7: {  	[tilespmem:s4], [sflag:$0xB] =	stream.linear.gather [hbm4b:s3+s9], s2, $0x38;
	[tilespmem:$0x1EF88] =	vst v63  }
0xb8: {  	v1 =	vld.msk [tilespmem:s0+$0x0], $0xffff;
	_ =	sdelay $0x4  }
0xb9: {  	v1 =	vshll.u32 v1, $0x4  }
0xba: {  	(v2sf) =	vpush v1, $0x0  }
0xbb: {  	(v2sf) =	vpush v1, $0x1  }
0xbc: {  	(v2sf) =	vpush v1, $0x2;
	_ =	sdelay $0x3  }
0xbd: {  	(v2sf) =	vpush v1, $0x3;
	_ =	sdelay $0x1  }
0xbe: {  	(v2sf) =	vpush v1, $0x4  }
0xbf: {  	s2 =	simm.s32 $0x1;
	(v2sf) =	vpush v1, $0x5  }
0xc0: {  	s2 =	simm.s32 @!p0 $0x0  }
0xc1: {  	s2 =	smul.u32 $0x28000, s2;
	(v2sf) =	vpush v1, $0x6;
	_ =	sdelay $0x1  }
0xc2: {  	s2 =	sshrl.u32 s2, $0x2  }
0xc3: {  	s28 =	sadd.s32 $0xB708, s2  }
0xc4: {  	s12 =	sadd.s32 $0xFFFFF880, s28;
	s17 =	sadd.s32 $0xFFFFF900, s28;
	s10 =	spop (v2sf);
	(v2sf) =	vpush v1, $0x7  }
0xc5: {  	s18 =	sadd.s32 $0xFFFFF980, s28;
	s11 =	sand.u32 $0x1FFFFFF0, s10;
	s14 =	spop (v2sf)  }
0xc6: {  	(v2sf) =	vpush v1, $0x8;
	s2 =	sadd.s32 s6, s11;
	s15 =	sand.u32 $0x1FFFFFF0, s14;
	s16 =	spop (v2sf)  }
0xc7: {  	[tilespmem:s12], [sflag:$0x9] =	stream.linear.gather [hbm4b:s2+s19], $0x40, $0x38;
	[tilespmem:$0x1EF88] =	vst v63  }
0xc8: {  	s5 =	sadd.s32 $0xFFFFFA00, s28;
	s2 =	sadd.s32 s6, s15;
	s3 =	sand.u32 $0x1FFFFFF0, s16  }
0xc9: {  	(v2sf) =	vpush v1, $0x9;
	[tilespmem:s17], [sflag:$0x9] =	stream.linear.gather [hbm4b:s2+s19], $0x40, $0x38;
	[tilespmem:$0x1EF88] =	vst v63  }
0xca: {  	s7 =	sadd.s32 $0xFFFFFA80, s28;
	s22 =	spop (v2sf);
	s3 =	sadd.s32 s6, s3  }
0xcb: {  	(v2sf) =	vpush v1, $0xA;
	[tilespmem:s18], [sflag:$0x9] =	stream.linear.gather [hbm4b:s3+s19], $0x40, $0x38;
	[tilespmem:$0x1EF88] =	vst v63  }
0xcc: {  	s11 =	sadd.s32 $0xFFFFFB00, s28;
	s4 =	spop (v2sf);
	(v2sf) =	vpush v1, $0xB;
	s3 =	sand.u32 $0x1FFFFFF0, s22  }
0xcd: {  	s8 =	spop (v2sf);
	s2 =	sadd.s32 s6, s3;
	s3 =	sand.u32 $0x1FFFFFF0, s4  }
0xce: {  	(v2sf) =	vpush v1, $0xC;
	[tilespmem:s5], [sflag:$0x9] =	stream.linear.gather [hbm4b:s2+s19], $0x40, $0x38;
	[tilespmem:$0x1EF88] =	vst v63  }
0xcf: {  	s9 =	sand.u32 $0x1FFFFFF0, s8;
	s10 =	spop (v2sf);
	s3 =	sadd.s32 s6, s3  }
0xd0: {  	(v2sf) =	vpush v1, $0xD;
	[tilespmem:s7], [sflag:$0x9] =	stream.linear.gather [hbm4b:s3+s19], $0x40, $0x38;
	[tilespmem:$0x1EF88] =	vst v63  }
0xd1: {  	s12 =	sadd.s32 $0xFFFFFB80, s28;
	s2 =	sadd.s32 s6, s9;
	s3 =	sand.u32 $0x1FFFFFF0, s10  }
0xd2: {  	[tilespmem:s11], [sflag:$0x9] =	stream.linear.gather [hbm4b:s2+s19], $0x40, $0x38;
	[tilespmem:$0x1EF88] =	vst v63  }
0xd3: {  	s17 =	sadd.s32 $0xFFFFFC00, s28;
	s3 =	sadd.s32 s6, s3;
	s14 =	spop (v2sf)  }
0xd4: {  	[tilespmem:s12], [sflag:$0x9] =	stream.linear.gather [hbm4b:s3+s19], $0x40, $0x38;
	(v2sf) =	vpush v1, $0xE;
	[tilespmem:$0x1EF88] =	vst v63  }
0xd5: {  	s18 =	sadd.s32 $0xFFFFFC80, s28;
	s15 =	sand.u32 $0x1FFFFFF0, s14;
	s16 =	spop (v2sf)  }
0xd6: {  	s5 =	sadd.s32 $0xFFFFFD00, s28;
	(v2sf) =	vpush v1, $0xF;
	s2 =	sadd.s32 s6, s15;
	s3 =	sand.u32 $0x1FFFFFF0, s16  }
0xd7: {  	[tilespmem:s17], [sflag:$0x9] =	stream.linear.gather [hbm4b:s2+s19], $0x40, $0x38;
	[tilespmem:$0x1EF88] =	vst v63  }
0xd8: {  	s7 =	sadd.s32 $0xFFFFFD80, s28;
	s22 =	spop (v2sf);
	s3 =	sadd.s32 s6, s3  }
0xd9: {  	[tilespmem:s18], [sflag:$0x9] =	stream.linear.gather [hbm4b:s3+s19], $0x40, $0x38;
	[tilespmem:$0x1EF88] =	vst v63  }
0xda: {  	s11 =	sadd.s32 $0xFFFFFE00, s28;
	s4 =	spop (v2sf);
	s3 =	sand.u32 $0x1FFFFFF0, s22  }
0xdb: {  	s8 =	spop (v2sf);
	s2 =	sadd.s32 s6, s3;
	s3 =	sand.u32 $0x1FFFFFF0, s4  }
0xdc: {  	[tilespmem:s5], [sflag:$0x9] =	stream.linear.gather [hbm4b:s2+s19], $0x40, $0x38;
	[tilespmem:$0x1EF88] =	vst v63  }
0xdd: {  	s9 =	sand.u32 $0x1FFFFFF0, s8;
	s10 =	spop (v2sf);
	s3 =	sadd.s32 s6, s3  }
0xde: {  	[tilespmem:s7], [sflag:$0x9] =	stream.linear.gather [hbm4b:s3+s19], $0x40, $0x38;
	[tilespmem:$0x1EF88] =	vst v63  }
0xdf: {  	s14 =	spop (v2sf);
	s2 =	sadd.s32 s6, s9;
	s3 =	sand.u32 $0x1FFFFFF0, s10  }
0xe0: {  	[tilespmem:s11], [sflag:$0x9] =	stream.linear.gather [hbm4b:s2+s19], $0x40, $0x38;
	[tilespmem:$0x1EF88] =	vst v63  }
0xe1: {  	s12 =	sadd.s32 $0xFFFFFE80, s28;
	s15 =	sand.u32 $0x1FFFFFF0, s14;
	s3 =	sadd.s32 s6, s3  }
0xe2: {  	[tilespmem:s12], [sflag:$0x9] =	stream.linear.gather [hbm4b:s3+s19], $0x40, $0x38;
	[tilespmem:$0x1EF88] =	vst v63  }
0xe3: {  	s17 =	sadd.s32 $0xFFFFFF00, s28;
	s2 =	sadd.s32 s6, s15;
	s16 =	spop (v2sf)  }
0xe4: {  	[tilespmem:s17], [sflag:$0x9] =	stream.linear.gather [hbm4b:s2+s19], $0x40, $0x38;
	[tilespmem:$0x1EF88] =	vst v63  }
0xe5: {  	s29 =	simm.s32 $0x0;
	s3 =	sand.u32 $0x1FFFFFF0, s16;
	s18 =	spop (v2sf)  }
0xe6: {  	s22 =	sadd.s32 $0xFFFFFF80, s28;
	s3 =	sadd.s32 s6, s3;
	s2 =	sand.u32 $0x1FFFFFF0, s18  }
0xe7: {  	[tilespmem:s22], [sflag:$0x9] =	stream.linear.gather [hbm4b:s3+s19], $0x40, $0x38;
	[tilespmem:$0x1EF88] =	vst v63  }
0xe8: {  	s31 =	sadd.s32 $0x10, s0;
	s30 =	sadd.s32 $0x800, s28;
	s2 =	sadd.s32 s6, s2  }
.LBB3_5:
0xe9: {  	[tilespmem:s28], [sflag:$0x9] =	stream.linear.gather [hbm4b:s2+s19], $0x40, $0x38;
	[tilespmem:$0x1EF88] =	vst v63  }
0xea: {  	s29 =	sadd.s32 $0x10, s29;
	s28 =	smov.u32 s30  }
0xeb: {  	p2 =	slt.u32 s29, $0x130;
	v1 =	vld.msk [tilespmem:s31+$0x0], $0xffff;
	_ =	sdelay $0x4  }
0xec: {  	v1 =	vshll.u32 v1, $0x4  }
0xed: {  	(v2sf) =	vpush v1, $0x0  }
0xee: {  	(v2sf) =	vpush v1, $0x1  }
0xef: {  	(v2sf) =	vpush v1, $0x2;
	_ =	sdelay $0x1  }
0xf0: {  	(v2sf) =	vpush v1, $0x3;
	_ =	sdelay $0x1  }
0xf1: {  	(v2sf) =	vpush v1, $0x4;
	_ =	sdelay $0x1  }
0xf2: {  	(v2sf) =	vpush v1, $0x5;
	_ =	sdelay $0x1  }
0xf3: {  	(v2sf) =	vpush v1, $0x6  }
0xf4: {  	s4 =	sadd.s32 $0xFFFFFE80, s30;
	s0 =	sadd.s32 $0xFFFFFF00, s30  }
0xf5: {  	s3 =	sadd.s32 $0xFFFFFD00, s30;
	s2 =	sadd.s32 $0xFFFFFD80, s30;
	s5 =	sadd.s32 $0xFFFFFE00, s30;
	(v2sf) =	vpush v1, $0x7  }
0xf6: {  	s10 =	sadd.s32 $0xFFFFFB80, s30;
	s9 =	sadd.s32 $0xFFFFFC00, s30;
	s16 =	sadd.s32 $0xFFFFFC80, s30  }
0xf7: {  	s11 =	sadd.s32 $0xFFFFFA00, s30;
	s12 =	sadd.s32 $0xFFFFFA80, s30;
	s15 =	sadd.s32 $0xFFFFFB00, s30;
	(v2sf) =	vpush v1, $0x8  }
0xf8: {  	s18 =	sadd.s32 $0xFFFFF900, s30;
	s7 =	sadd.s32 $0xFFFFF980, s30;
	s22 =	spop (v2sf)  }
0xf9: {  	s8 =	sadd.s32 $0xFFFFF880, s30;
	s22 =	sand.u32 $0x1FFFFFF0, s22;
	s14 =	spop (v2sf);
	(v2sf) =	vpush v1, $0x9  }
0xfa: {  	s22 =	sadd.s32 s6, s22;
	s14 =	sand.u32 $0x1FFFFFF0, s14;
	s17 =	spop (v2sf)  }
0xfb: {  	[tilespmem:s8], [sflag:$0x9] =	stream.linear.gather [hbm4b:s22+s19], $0x40, $0x38;
	(v2sf) =	vpush v1, $0xA;
	[tilespmem:$0x1EF88] =	vst v63  }
0xfc: {  	s8 =	sadd.s32 s6, s14;
	s14 =	sand.u32 $0x1FFFFFF0, s17;
	s17 =	spop (v2sf)  }
0xfd: {  	[tilespmem:s18], [sflag:$0x9] =	stream.linear.gather [hbm4b:s8+s19], $0x40, $0x38;
	(v2sf) =	vpush v1, $0xB;
	[tilespmem:$0x1EF88] =	vst v63  }
0xfe: {  	s8 =	sadd.s32 s6, s14;
	s14 =	sand.u32 $0x1FFFFFF0, s17;
	s17 =	spop (v2sf)  }
0xff: {  	[tilespmem:s7], [sflag:$0x9] =	stream.linear.gather [hbm4b:s8+s19], $0x40, $0x38;
	(v2sf) =	vpush v1, $0xC;
	[tilespmem:$0x1EF88] =	vst v63  }
0x100: {  	s7 =	sadd.s32 s6, s14;
	s8 =	sand.u32 $0x1FFFFFF0, s17;
	s14 =	spop (v2sf)  }
0x101: {  	[tilespmem:s11], [sflag:$0x9] =	stream.linear.gather [hbm4b:s7+s19], $0x40, $0x38;
	(v2sf) =	vpush v1, $0xD;
	[tilespmem:$0x1EF88] =	vst v63  }
0x102: {  	s7 =	sadd.s32 s6, s8;
	s8 =	sand.u32 $0x1FFFFFF0, s14;
	s11 =	spop (v2sf)  }
0x103: {  	[tilespmem:s12], [sflag:$0x9] =	stream.linear.gather [hbm4b:s7+s19], $0x40, $0x38;
	(v2sf) =	vpush v1, $0xE;
	[tilespmem:$0x1EF88] =	vst v63  }
0x104: {  	s7 =	sadd.s32 s6, s8;
	s8 =	sand.u32 $0x1FFFFFF0, s11;
	s11 =	spop (v2sf)  }
0x105: {  	[tilespmem:s15], [sflag:$0x9] =	stream.linear.gather [hbm4b:s7+s19], $0x40, $0x38;
	(v2sf) =	vpush v1, $0xF;
	[tilespmem:$0x1EF88] =	vst v63  }
0x106: {  	s7 =	sadd.s32 s6, s8;
	s8 =	sand.u32 $0x1FFFFFF0, s11;
	s11 =	spop (v2sf)  }
0x107: {  	[tilespmem:s10], [sflag:$0x9] =	stream.linear.gather [hbm4b:s7+s19], $0x40, $0x38;
	[tilespmem:$0x1EF88] =	vst v63  }
0x108: {  	s7 =	sadd.s32 s6, s8;
	s8 =	sand.u32 $0x1FFFFFF0, s11;
	s10 =	spop (v2sf)  }
0x109: {  	[tilespmem:s9], [sflag:$0x9] =	stream.linear.gather [hbm4b:s7+s19], $0x40, $0x38;
	[tilespmem:$0x1EF88] =	vst v63  }
0x10a: {  	s7 =	sadd.s32 s6, s8;
	s8 =	sand.u32 $0x1FFFFFF0, s10;
	s9 =	spop (v2sf)  }
0x10b: {  	[tilespmem:s16], [sflag:$0x9] =	stream.linear.gather [hbm4b:s7+s19], $0x40, $0x38;
	[tilespmem:$0x1EF88] =	vst v63  }
0x10c: {  	s7 =	sadd.s32 s6, s8;
	s8 =	sand.u32 $0x1FFFFFF0, s9;
	s9 =	spop (v2sf)  }
0x10d: {  	[tilespmem:s3], [sflag:$0x9] =	stream.linear.gather [hbm4b:s7+s19], $0x40, $0x38;
	[tilespmem:$0x1EF88] =	vst v63  }
0x10e: {  	s3 =	sadd.s32 s6, s8;
	s7 =	sand.u32 $0x1FFFFFF0, s9;
	s8 =	spop (v2sf)  }
0x10f: {  	[tilespmem:s2], [sflag:$0x9] =	stream.linear.gather [hbm4b:s3+s19], $0x40, $0x38;
	[tilespmem:$0x1EF88] =	vst v63  }
0x110: {  	s2 =	sadd.s32 s6, s7;
	s3 =	sand.u32 $0x1FFFFFF0, s8;
	s7 =	spop (v2sf)  }
0x111: {  	[tilespmem:s5], [sflag:$0x9] =	stream.linear.gather [hbm4b:s2+s19], $0x40, $0x38;
	[tilespmem:$0x1EF88] =	vst v63  }
0x112: {  	s2 =	sadd.s32 s6, s3;
	s3 =	sand.u32 $0x1FFFFFF0, s7;
	s5 =	spop (v2sf)  }
0x113: {  	[tilespmem:s4], [sflag:$0x9] =	stream.linear.gather [hbm4b:s2+s19], $0x40, $0x38;
	[tilespmem:$0x1EF88] =	vst v63  }
0x114: {  	s2 =	sadd.s32 s6, s3  }
.Ltmp11:
0x115: {  	s3 =	sand.u32 $0x1FFFFFF0, s5;
	s4 =	spop (v2sf);
	(pc) =	sbr.rel @p2 .LBB3_5-.Ltmp11, $4  }
0x116: {  	[tilespmem:s0], [sflag:$0x9] =	stream.linear.gather [hbm4b:s2+s19], $0x40, $0x38;
	[tilespmem:$0x1EF88] =	vst v63  }
0x117: {  	s0 =	sadd.s32 s6, s3;
	s2 =	sadd.s32 $0xFFFFFF80, s30;
	s3 =	sand.u32 $0x1FFFFFF0, s4  }
0x118: {  	[tilespmem:s2], [sflag:$0x9] =	stream.linear.gather [hbm4b:s0+s19], $0x40, $0x38;
	[tilespmem:$0x1EF88] =	vst v63  }
0x119: {  	s31 =	sadd.s32 $0x10, s31;
	s30 =	sadd.s32 $0x800, s30;
	s2 =	sadd.s32 s6, s3  }
0x11a: {  	[tilespmem:s28], [sflag:$0x9] =	stream.linear.gather [hbm4b:s2+s19], $0x40, $0x38;
	[tilespmem:$0x1EF88] =	vst v63  }
0x11b: {  	s12 =	rddreg [dreg:$0x7]  }
0x11c: {  	s14 =	rddreg [dreg:$0x8]  }
0x11d: {  	s15 =	rddreg [dreg:$0x9]  }
0x11e: {  	s17 =	rddreg [dreg:$0xa]  }
0x11f: {  	s18 =	rddreg [dreg:$0xc]  }
0x120: {  	s22 =	rddreg [dreg:$0xd]  }
.LBB3_7:
0x121: {  	p2 =	slt.u32 s25, $0x2  }
.Ltmp12:
0x122: {  	_ = 	snop;
	(pc) =	sbr.rel @p2 .LBB3_25-.Ltmp12, $1  }
0x123: {  	_ =	sdelay $0x3  }
0x124: {  	p2 =	sgt.s32 s26, $0x61940;
	s0 =	smov.u32 s26;
	s2 =	sshra.s32 s26, $0x1F  }
0x125: {  	s0 =	simm.s32 @!p2 $0x61940;
	s2 =	sand.u32 s2, s26  }
0x126: {  	s0 =	ssub.s32 s0, s2  }
0x127: {  	s0 =	sadd.s32 $0xFFF9E6C0, s0  }
0x128: {  	s3 =	simm.s32 $0x9;
	s29 =	sshll.u32 s0, $0x2  }
0x129: {  	_ =	swait.ge [sflag:s3], $0x5000;
	s2 =	ssub.s32 $0x500, s29  }
0x12a: {  	[sflag:s3] =	ssyncset.done $0x0;
	p2 =	sgt.s32 s0, $0x13F;
	s0 =	sshrl.u32 s2, $0x2  }
0x12b: {  	s30 =	simm.s32 $0xB;
	[sflag:s3] =	ssyncadd.s32 $0xFFFFB000;
	s0 =	simm.s32 @p2 $0x0  }
0x12c: {  	_ =	swait.ge [sflag:s30], s0  }
0x12d: {  	s0 =	ssub.s32 $0x0, s0;
	[sflag:s30] =	ssyncset.done $0x0  }
0x12e: {  	[sflag:s30] =	ssyncadd.s32 s0  }
0x12f: {  	v1 =	vld [tilespmem:$0xA108];
	_ =	sdelay $0x4  }
0x130: {  	(v2sf) =	vpush v1, $0x0  }
0x131: {  	(v2sf) =	vpush v1, $0x1  }
0x132: {  	(v2sf) =	vpush v1, $0x2;
	_ =	sdelay $0x3  }
0x133: {  	s0 =	sadd.s32 $0x140, s26  }
0x134: {  	s4 =	ssub.s32 $0xC3500, s26;
	p2 =	slt.s32 s14, s0  }
0x135: {  	s0 =	smov.u32 @p2 s14;
	p2 =	sgt.s32 s4, $0x0  }
0x136: {  	s0 =	ssub.s32 s0, s26;
	s4 =	simm.s32 @!p2 $0x0  }
0x137: {  	p2 =	slt.s32 s4, s0  }
0x138: {  	s0 =	smov.u32 @p2 s4  }
0x139: {  	s2 =	simm.s32 $0x1;
	p2 =	slt.s32 s0, $0x1  }
.Ltmp13:
0x13a: {  	s2 =	simm.s32 @!p1 $0x0;
	(pc) =	sbr.rel @p2 .LBB3_12-.Ltmp13, $4  }
0x13b: {  	s7 =	smul.u32 $0x500, s2  }
0x13c: {  	s3 =	spop (v2sf)  }
0x13d: {  	s31 =	sshrl.u32 s7, $0x2;
	s5 =	spop (v2sf)  }
0x13e: {  	s28 =	sadd.s32 $0xAD08, s31;
	s26 =	spop (v2sf)  }
0x13f: {  	s4 =	smin.u32 s0, $0x10  }
0x140: {  	v1 =	vmov s4  }
0x141: {  	p3 =	sgt.s32 s0, $0x10;
	vm1 =	vgt.u32 v1, v0  }
.Ltmp14:
0x142: {  	_ = 	snop;
	(pc) =	sbr.rel @!p3 .LBB3_11-.Ltmp14, $2  }
0x143: {  	_ =	sdelay $0x2  }
0x144: {  	s9 =	simm.s32 $0x10;
	s10 =	sadd.s32 $0xFFFFFFF0, s0;
	s4 =	smov.u32 s28;
	vm0 =	vmmov vm1  }
.LBB3_10:
0x145: {  	s7 =	smin.u32 s10, $0x10;
	s9 =	sadd.s32 $0x10, s9;
	v1 =	vld.msk [tilespmem:s4+$0x0 ss:$0x1], vm1  }
0x146: {  	v2 =	vmov s7;
	p3 =	slt.s32 s9, s0  }
0x147: {  	vm1 =	vgt.u32 v2, v0  }
.Ltmp15:
0x148: {  	(pc) =	sbr.rel @p3 .LBB3_10-.Ltmp15, $3  }
0x149: {  	_ =	sdelay $0x1  }
0x14a: {  	v1 =	vshll.u32 v1, $0x4  }
0x14b: {  	s10 =	sadd.s32 $0xFFFFFFF0, s10;
	[tilespmem:s4+$0x0] =	vst.msk vm0, v1;
	s4 =	sadd.s32 $0x10, s4;
	vm0 =	vmmov vm1  }
.LBB3_11:
0x14c: {  	_ =	sdelay $0x4  }
0x14d: {  	v1 =	vld.msk [tilespmem:s4+$0x0 ss:$0x1], vm1;
	_ =	sdelay $0x4  }
0x14e: {  	v1 =	vshll.u32 v1, $0x4  }
0x14f: {  	[tilespmem:s4+$0x0] =	vst.msk vm0, v1  }
.LBB3_12:
0x150: {  	s4 =	sand.u32 $0x1, s25  }
0x151: {  	s4 =	smul.u32 $0x140, s4  }
0x152: {  	p3 =	sne.s32 s5, $0xFFFFFFFF  }
0x153: {  	v1 =	vld.msk @!p3 [tilespmem:s4+$0xAD08], $0x1;
	_ =	sdelay $0x4  }
0x154: {  	(v2sf) =	vpush @!p3 v1, $0x0;
	_ =	sdelay $0xc  }
.Ltmp16:
0x155: {  	_ = 	snop;
	(pc) =	sbr.rel @p2 .LBB3_23-.Ltmp16, $4  }
0x156: {  	_ = 	snop  }
0x157: {  	s29 =	spop @!p3 (v2sf)  }
0x158: {  	s31 =	simm.s32 $0xC;
	s26 =	simm.s32 @!p3 $0x0;
	s4 =	smov.u32 s29  }
0x159: {  	[sflag:s31] =	ssyncpa.u1 $0x0;
	s29 =	smov.u32 @p3 s3;
	s4 =	smov.u32 @p3 s5  }
0x15a: {  	v1 =	vld.msk [tilespmem:s28+$0x0], $0x1;
	_ =	sdelay $0x4  }
0x15b: {  	(v2sf) =	vpush v1, $0x0;
	_ =	sdelay $0xe  }
0x15c: {  	s2 =	smul.u32 $0x28000, s2;
	s5 =	spop (v2sf)  }
0x15d: {  	s31 =	ssub.s32 $0x0, s0;
	p2 =	seq.s32 s29, s5  }
0x15e: {  	s3 =	smov.u32 s29;
	s2 =	sshrl.u32 s2, $0x2;
	p3 =	sgt.s32 @!p2 s29, $0x0  }
0x15f: {  	s30 =	sadd.s32 $0xAFA8, s2;
	s2 =	sadd.s32 $0x1, s31;
	p3 =	por !p3, p2  }
0x160: {  	s3 =	simm.s32 @p3 $0x0;
	p3 =	seq.s32 s2, $0x0  }
.Ltmp17:
0x161: {  	_ = 	snop;
	(pc) =	sbr.rel @p3 .LBB3_15-.Ltmp17, $4  }
0x162: {  	_ = 	snop  }
0x163: {  	s0 =	simm.s32 $0x0;
	s9 =	simm.s32 @!p2 $0x1;
	s3 =	smin.u32 @!p2 s3, $0xC34F8  }
0x164: {  	s10 =	simm.s32 @!p2 $0x50C8;
	s9 =	smov.u32 @p2 s0;
	s7 =	sand.u32 @!p2 $0xFFFF8, s3  }
0x165: {  	s16 =	sand.u32 @!p2 $0x7, s3;
	s3 =	sadd.s32 $0x1, s28;
	s11 =	sadd.s32 @!p2 s1, s7  }
.LBB3_14:
0x166: {  	s7 =	smov.u32 s9  }
0x167: {  	[tilespmem:s10], [sflag:$0x2] =	stream.linear.gather @!p2 [hbm4b:s11+s16], $0x40, $0x38;
	[tilespmem:$0x1EF88] =	vst v63  }
0x168: {  	s2 =	sadd.s32 $0x1, s2;
	s8 =	smov.u32 s5;
	v1 =	vld.msk [tilespmem:s3+$0x0], $0x1  }
0x169: {  	p3 =	seq.s32 s2, $0x0;
	_ =	sdelay $0x3  }
0x16a: {  	(v2sf) =	vpush v1, $0x0;
	_ =	sdelay $0xe  }
0x16b: {  	s5 =	spop (v2sf)  }
0x16c: {  	p2 =	seq.s32 s8, s5  }
0x16d: {  	p4 =	sgt.s32 @!p2 s8, $0x0;
	s10 =	sshll.u32 @!p2 s9, $0x8;
	s9 =	sadd.s32 @!p2 $0x1, s9  }
.Ltmp18:
0x16e: {  	p4 =	por !p4, p2;
	s10 =	sshra.s32 @!p2 s10, $0x2;
	(pc) =	sbr.rel @!p3 .LBB3_14-.Ltmp18, $4  }
0x16f: {  	s9 =	smov.u32 @p2 s7;
	s8 =	simm.s32 @p4 $0x0;
	s10 =	sadd.s32 @!p2 $0x50C8, s10  }
0x170: {  	s7 =	smin.u32 @!p2 s8, $0xC34F8  }
0x171: {  	s8 =	sand.u32 @!p2 $0xFFFF8, s7;
	s16 =	sand.u32 @!p2 $0x7, s7  }
0x172: {  	s3 =	sadd.s32 $0x1, s3;
	s11 =	sadd.s32 @!p2 s1, s8  }
.LBB3_15:
0x173: {  	[tilespmem:s10], [sflag:$0x2] =	stream.linear.gather @!p2 [hbm4b:s11+s16], $0x40, $0x38;
	[tilespmem:$0x1EF88] =	vst v63  }
.Ltmp19:
0x174: {  	s2 =	sshll.u32 s9, $0x6;
	(pc) =	sbr.rel .LBB3_16-.Ltmp19, $4  }
0x175: {  	s3 =	simm.s32 $0x2;
	s2 =	sand.u32 $0x3FFFFFC0, s2  }
0x176: {  	_ =	swait.ge [sflag:s3], s2  }
0x177: {  	s2 =	ssub.s32 $0x0, s2;
	[sflag:s3] =	ssyncset.done $0x0  }
0x178: {  	[sflag:s3] =	ssyncadd.s32 s2;
	s3 =	simm.s32 $0x0  }
.LBB3_17:
0x179: {  	v1 =	vld [tilespmem:s30+$0xFFFFFFE0];
	_ =	sdelay $0x4  }
0x17a: {  	[tilespmem:s5+$0x88] =	vst.add.f32.msk $0xffff, v1  }
0x17b: {  	v1 =	vld [tilespmem:s30+$0xFFFFFFF0];
	_ =	sdelay $0x4  }
0x17c: {  	[tilespmem:s5+$0x98] =	vst.add.f32.msk $0xffff, v1  }
0x17d: {  	v1 =	vld [tilespmem:s30+$0x0];
	_ =	sdelay $0x4  }
0x17e: {  	[tilespmem:s5+$0xA8] =	vst.add.f32.msk $0xffff, v1  }
0x17f: {  	v1 =	vld [tilespmem:s30+$0x10];
	_ =	sdelay $0x4  }
0x180: {  	[tilespmem:s5+$0xB8] =	vst.add.f32.msk $0xffff, v1  }
.LBB3_21:
0x181: {  	s31 =	sadd.s32 $0x1, s31  }
0x182: {  	p2 =	seq.s32 s31, $0x0  }
.Ltmp20:
0x183: {  	_ = 	snop;
	(pc) =	sbr.rel @p2 .LBB3_22-.Ltmp20, $2  }
0x184: {  	_ =	sdelay $0x2  }
0x185: {  	s30 =	sadd.s32 $0x80, s30;
	s28 =	sadd.s32 $0x1, s28;
	s29 =	smov.u32 s2  }
.LBB3_16:
0x186: {  	v1 =	vld.msk [tilespmem:s28+$0x0], $0x1;
	_ =	sdelay $0x4  }
0x187: {  	(v2sf) =	vpush v1, $0x0;
	_ =	sdelay $0xe  }
0x188: {  	s2 =	spop (v2sf)  }
0x189: {  	p2 =	sne.s32 s29, s2  }
.Ltmp21:
0x18a: {  	_ = 	snop;
	(pc) =	sbr.rel @!p2 .LBB3_17-.Ltmp21, $3  }
0x18b: {  	_ =	sdelay $0x1  }
0x18c: {  	s5 =	sshll.u32 s26, $0x8  }
0x18d: {  	s5 =	sshra.s32 s5, $0x2  }
0x18e: {  	p2 =	seq.s32 s29, s4  }
.Ltmp22:
0x18f: {  	_ = 	snop;
	(pc) =	sbr.rel @!p2 .LBB3_19-.Ltmp22, $1  }
0x190: {  	_ =	sdelay $0x3  }
.Ltmp23:
0x191: {  	s5 =	sadd.s32 $0x88, s5;
	(pc) =	sbr.rel .LBB3_20-.Ltmp23, $4  }
0x192: {  	[spmem:s18] =	stream.linear.scatter [tilespmem:s5], [sflag:$0x1], $0x40, $0x38;
	[tilespmem:$0x1EF88] =	vst v63  }
0x193: {  	_ =	swait.ge [sflag:s13], $0x40  }
0x194: {  	[sflag:s13] =	ssyncset.done $0x0  }
0x195: {  	[sflag:s13] =	ssyncadd.s32 $0xFFFFFFC0  }
.LBB3_19:
0x196: {  	s7 =	sshll.u32 s0, $0x8  }
0x197: {  	s7 =	sshra.s32 s7, $0x2  }
0x198: {  	v1 =	vld [tilespmem:s7+$0x50C8];
	_ =	sdelay $0x4  }
0x199: {  	[tilespmem:s5+$0x88] =	vst.add.f32.msk $0xffff, v1  }
0x19a: {  	v1 =	vld [tilespmem:s7+$0x50D8];
	_ =	sdelay $0x4  }
0x19b: {  	[tilespmem:s5+$0x98] =	vst.add.f32.msk $0xffff, v1  }
0x19c: {  	v1 =	vld [tilespmem:s7+$0x50E8];
	_ =	sdelay $0x4  }
0x19d: {  	[tilespmem:s5+$0xA8] =	vst.add.f32.msk $0xffff, v1  }
0x19e: {  	v1 =	vld [tilespmem:s7+$0x50F8];
	_ =	sdelay $0x2  }
0x19f: {  	p2 =	sgt.u32 s29, $0xC34F8  }
0x1a0: {  	s7 =	sand.u32 @!p2 $0xFFFF8, s29  }
0x1a1: {  	s8 =	sadd.s32 $0x88, s5;
	[tilespmem:s5+$0xB8] =	vst.add.f32.msk $0xffff, v1;
	s5 =	sadd.s32 @!p2 s1, s7;
	s7 =	sand.u32 @!p2 $0x7, s29  }
0x1a2: {  	[hbm4b:s5+s7] =	stream.linear.scatter @!p2 [tilespmem:s8], [sflag:$0xC], $0x40, $0x38;
	[tilespmem:$0x1EF88] =	vst v63  }
0x1a3: {  	s5 =	simm.s32 $0x0  }
0x1a4: {  	s5 =	simm.s32 @!p2 $0x100  }
0x1a5: {  	s3 =	sadd.s32 s5, s3  }
.LBB3_20:
0x1a6: {  	s5 =	sadd.s32 $0x1, s26  }
0x1a7: {  	s7 =	smulhi.u32 $0xCCCCCCCD, s5;
	_ =	sdelay $0x1  }
0x1a8: {  	v1 =	vld [tilespmem:s30+$0xFFFFFFE0];
	s7 =	sshrl.u32 s7, $0x8  }
0x1a9: {  	s7 =	smul.u32 $0x140, s7;
	_ =	sdelay $0x1  }
0x1aa: {  	s26 =	ssub.s32 s5, s7  }
0x1ab: {  	s5 =	sshll.u32 s26, $0x6  }
0x1ac: {  	[tilespmem:s5+$0x88] =	vst v1  }
0x1ad: {  	v1 =	vld [tilespmem:s30+$0xFFFFFFF0];
	_ =	sdelay $0x4  }
0x1ae: {  	[tilespmem:s5+$0x98] =	vst v1  }
0x1af: {  	v1 =	vld [tilespmem:s30+$0x0];
	_ =	sdelay $0x4  }
0x1b0: {  	[tilespmem:s5+$0xA8] =	vst v1  }
0x1b1: {  	v1 =	vld [tilespmem:s30+$0x10]  }
.Ltmp24:
0x1b2: {  	_ = 	snop;
	(pc) =	sbr.rel .LBB3_21-.Ltmp24, $2  }
0x1b3: {  	_ =	sdelay $0x2  }
0x1b4: {  	s0 =	sadd.s32 $0x1, s0;
	[tilespmem:s5+$0xB8] =	vst v1  }
.LBB3_23:
.Ltmp25:
0x1b5: {  	(pc) =	sbr.rel .LBB3_24-.Ltmp25, $4  }
0x1b6: {  	_ = 	snop  }
0x1b7: {  	s0 =	simm.s32 $0x2  }
0x1b8: {  	_ =	swait.ge [sflag:s0], $0x0  }
0x1b9: {  	s2 =	smov.u32 s29;
	[sflag:s0] =	ssyncset.done $0x0;
	s0 =	simm.s32 $0x0  }
.LBB3_26:
0x1ba: {  	_ =	sfence.sel $0x180000  }
0x1bb: {  	s0 =	simm.s32 $0x9;
	[bflag:$0x0] =	sbarrier.arrive $0xFFFF  }
0x1bc: {  	s24 =	simm.s32 $0xA;
	[sflag:s0] =	ssyncpa.u1 $0x1  }
0x1bd: {  	s25 =	simm.s32 $0xB;
	[sflag:s24] =	ssyncpa.u1 $0x1  }
0x1be: {  	s26 =	simm.s32 $0x2;
	[sflag:s25] =	ssyncpa.u1 $0x1  }
0x1bf: {  	[sflag:s26] =	ssyncpa.u1 $0x1  }
0x1c0: {  	v0 =	vld [tilespmem:$0xA108];
	_ =	sdelay $0x4  }
0x1c1: {  	(v2sf) =	vpush v0, $0x0  }
0x1c2: {  	(v2sf) =	vpush v0, $0x1;
	_ =	sdelay $0x1  }
0x1c3: {  	(v2sf) =	vpush v0, $0x2;
	_ =	sdelay $0xb  }
0x1c4: {  	s0 =	spop (v2sf)  }
0x1c5: {  	s2 =	spop (v2sf)  }
0x1c6: {  	s3 =	smov.u32 s0;
	p0 =	sne.s32 s0, s2  }
0x1c7: {  	s4 =	spop (v2sf);
	s3 =	simm.s32 @!p0 $0xFFFFFFFF  }
0x1c8: {  	v2 =	vimm.s32 $0x1;
	v3 =	vlaneseq.u32;
	p0 =	seq.s32 s4, $0xFFFFFFFF;
	v1 =	vmov s3  }
0x1c9: {  	s14 =	stileid.u32;
	v0 =	vperm.xlane v0, v2;
	p1 =	sne.s32 @!p0 s0, s2;
	v1 =	vperm.xlane v1, v3  }
0x1ca: {  	vm0 =	vcmask $0x3F04;
	s6 =	simm.s32 $0xA108;
	s0 =	simm.s32 @!p0 $0x1;
	p1 =	por !p1, p0  }
0x1cb: {  	s3 =	sshll.u32 s14, $0x1;
	s2 =	sshll.u32 @!p0 s4, $0x8;
	s0 =	simm.s32 @p1 $0x0;
	v0 =	vsel vm0, v1, v0  }
0x1cc: {  	s5 =	sor.u32 $0x800, s3;
	s2 =	sshra.s32 @!p0 s2, $0x2;
	s0 =	sor.u32 @!p0 s0, s3;
	[tilespmem:$0xA108] =	vst v0  }
0x1cd: {  	[spmem:s5] =	stream.linear.scatter [tilespmem:s6], [sflag:$0x1], $0x2, $0x38;
	[tilespmem:$0x1EF88] =	vst v63  }
0x1ce: {  	s2 =	sadd.s32 @!p0 $0x88, s2;
	s0 =	sshll.u32 @!p0 s0, $0x6  }
0x1cf: {  	[spmem:s0] =	stream.linear.scatter @!p0 [tilespmem:s2], [sflag:$0x1], $0x40, $0x38;
	[tilespmem:$0x1EF88] =	vst v63  }
0x1d0: {  	s0 =	simm.s32 @!p0 $0x42  }
0x1d1: {  	s28 =	simm.s32 $0x1;
	s0 =	simm.s32 @p0 $0x2  }
0x1d2: {  	_ =	swait.ge [sflag:s28], s0  }
0x1d3: {  	s0 =	ssub.s32 $0x0, s0;
	[sflag:s28] =	ssyncset.done $0x0  }
0x1d4: {  	p0 =	sne.s32 s14, $0x0;
	[sflag:s28] =	ssyncadd.s32 s0  }
.Ltmp26:
0x1d5: {  	_ =	sfence.stream.spmem;
	(pc) =	sbr.rel @p0 .LBB3_43-.Ltmp26, $4  }
0x1d6: {  	s29 =	simm.s32 $0x3;
	[bflag:$0x0] =	sbarrier.arrive $0xFFFF  }
0x1d7: {  	s30 =	simm.s32 $0x4;
	[sflag:s29] =	ssyncpa.u1 $0x1  }
0x1d8: {  	s31 =	simm.s32 $0x3C;
	[sflag:s30] =	ssyncpa.u1 $0x1  }
0x1d9: {  	s13 =	rddreg [dreg:$0x6];
	[sflag:s31] =	ssyncpa.u1 $0x1  }
0x1da: {  	_ =	sfence.stream.spmem;
	s0 =	simm.s32 $0x5  }
0x1db: {  	s2 =	simm.s32 $0x800;
	s3 =	simm.s32 $0xA118;
	[sflag:s0] =	ssyncpa.u1 $0x0  }
0x1dc: {  	[tilespmem:s3], [sflag:$0x5] =	stream.linear.gather [spmem:s2], $0x20, $0x38;
	[tilespmem:$0x1EF88] =	vst v63  }
0x1dd: {  	s26 =	simm.s32 $0x0;
	s28 =	simm.s32 $0xA138  }
0x1de: {  	[tilespmem:s28], [sflag:$0x5] =	stream.linear.gather [spmem:s26], $0x800, $0x38;
	[tilespmem:$0x1EF88] =	vst v63  }
0x1df: {  	_ =	swait.ge [sflag:s0], $0x820  }
0x1e0: {  	[sflag:s0] =	ssyncset.done $0x0  }
0x1e1: {  	s29 =	simm.s32 $0x0;
	[sflag:s0] =	ssyncadd.s32 $0xFFFFF7E0  }
0x1e2: {  	v0 =	vld.msk [tilespmem:s29+$0xA118], $0x1;
	_ =	sdelay $0x1  }
0x1e3: {  	s30 =	simm.s32 $0x1  }
0x1e4: {  	v1 =	vld.msk [tilespmem:s30+$0xA118], $0x1;
	_ =	sdelay $0x1  }
0x1e5: {  	(v2sf) =	vpush v0, $0x0;
	_ =	sdelay $0x2  }
0x1e6: {  	(v2sf) =	vpush v1, $0x0;
	_ =	sdelay $0x2  }
0x1e7: {  	s31 =	simm.s32 $0x2  }
0x1e8: {  	v0 =	vld.msk [tilespmem:s31+$0xA118], $0x1;
	_ =	sdelay $0x2  }
0x1e9: {  	s2 =	simm.s32 $0xFFFFFFFF;
	s3 =	simm.s32 $0xFFFFFFFF;
	s0 =	simm.s32 $0xC  }
.LBB3_28:
0x1ea: {  	s4 =	smov.u32 s3;
	s5 =	smov.u32 s2  }
0x1eb: {  	s2 =	sshra.s32 s0, $0x2;
	p1 =	sne.s32 s0, $0x7C;
	s0 =	sadd.s32 $0x4, s0;
	(v2sf) =	vpush v0, $0x0  }
0x1ec: {  	v0 =	vld.msk [tilespmem:s2+$0xA118], $0x1  }
.Ltmp27:
0x1ed: {  	(pc) =	sbr.rel @p1 .LBB3_28-.Ltmp27, $4  }
0x1ee: {  	s3 =	spop (v2sf)  }
0x1ef: {  	p2 =	sne.s32 s5, $0xFFFFFFFF;
	s2 =	smov.u32 s3  }
0x1f0: {  	p3 =	seq.s32 s3, $0xFFFFFFFF;
	s2 =	smov.u32 @p2 s5  }
0x1f1: {  	s3 =	smov.u32 @p3 s4;
	s2 =	smov.u32 @p3 s5  }
0x1f2: {  	(v2sf) =	vpush v0, $0x0;
	_ =	sdelay $0x8  }
0x1f3: {  	s0 =	spop (v2sf)  }
0x1f4: {  	p1 =	sne.s32 s2, $0xFFFFFFFF;
	s4 =	smov.u32 s0  }
0x1f5: {  	s6 =	simm.s32 $0x0;
	p2 =	seq.s32 s0, $0xFFFFFFFF;
	s4 =	smov.u32 @p1 s2  }
0x1f6: {  	s9 =	simm.s32 $0xA0C8;
	s4 =	smov.u32 @p2 s2;
	s2 =	spop (v2sf)  }
0x1f7: {  	s0 =	smov.u32 @p2 s3;
	p1 =	sne.s32 s4, $0xFFFFFFFF;
	s5 =	smov.u32 s2  }
.Ltmp28:
0x1f8: {  	p2 =	seq.s32 s2, $0xFFFFFFFF;
	s5 =	smov.u32 @p1 s4;
	(pc) =	sbr.rel .LBB3_30-.Ltmp28, $4  }
0x1f9: {  	s10 =	simm.s32 $0x0;
	s5 =	smov.u32 @p2 s4;
	s7 =	spop (v2sf)  }
0x1fa: {  	s2 =	smov.u32 @p2 s0;
	p1 =	sne.s32 s5, $0xFFFFFFFF;
	s8 =	smov.u32 s7  }
0x1fb: {  	s0 =	simm.s32 $0x6;
	p2 =	seq.s32 s7, $0xFFFFFFFF;
	s8 =	smov.u32 @p1 s5  }
0x1fc: {  	[sflag:s0] =	ssyncpa.u1 $0x0;
	s7 =	smov.u32 @p2 s2;
	s8 =	smov.u32 @p2 s5  }
.LBB3_36:
0x1fd: {  	p1 =	sgt.u32 s2, $0xC34F8  }
0x1fe: {  	p2 =	seq.s32 @!p1 s2, s8  }
0x1ff: {  	p1 =	por p1, p2  }
0x200: {  	p2 =	sne.s32 @!p1 s2, s7  }
0x201: {  	p1 =	por p1, !p2  }
0x202: {  	s2 =	sshll.u32 @p1 s10, $0x8  }
0x203: {  	s3 =	sand.u32 @!p1 $0xFFFF8, s2  }
0x204: {  	s2 =	sand.u32 @!p1 $0x7, s2;
	s3 =	sadd.s32 @!p1 s1, s3  }
0x205: {  	[tilespmem:s9], [sflag:$0x6] =	stream.linear.gather @!p1 [hbm4b:s3+s2], $0x40, $0x38;
	[tilespmem:$0x1EF88] =	vst v63  }
0x206: {  	_ =	swait.ge @!p1 [sflag:s0], $0x40  }
0x207: {  	[sflag:s0] =	ssyncset.done @!p1 $0x0  }
0x208: {  	[sflag:s0] =	ssyncadd.s32 @!p1 $0xFFFFFFC0  }
0x209: {  	v1 =	vld @!p1 [tilespmem:$0xA0C8];
	_ =	sdelay $0x2  }
0x20a: {  	s2 =	sshll.u32 @!p1 s10, $0x8  }
0x20b: {  	s3 =	sshrl.u32 @!p1 s2, $0x2  }
0x20c: {  	[tilespmem:s3+$0xA138] =	vst.add.f32.msk @!p1 $0xffff, v1  }
0x20d: {  	v1 =	vld @!p1 [tilespmem:$0xA0D8];
	_ =	sdelay $0x4  }
0x20e: {  	[tilespmem:s3+$0xA148] =	vst.add.f32.msk @!p1 $0xffff, v1  }
0x20f: {  	v1 =	vld @!p1 [tilespmem:$0xA0E8];
	_ =	sdelay $0x4  }
0x210: {  	[tilespmem:s3+$0xA158] =	vst.add.f32.msk @!p1 $0xffff, v1  }
0x211: {  	v1 =	vld @!p1 [tilespmem:$0xA0F8];
	_ =	sdelay $0x4  }
0x212: {  	[tilespmem:s3+$0xA168] =	vst.add.f32.msk @!p1 $0xffff, v1  }
0x213: {  	s2 =	sshrl.u32 s2, $0x2;
	[tilespmem:s6+$0xA118] =	vst.msk $0x1, v0  }
0x214: {  	v0 =	vld [tilespmem:s2+$0xA138];
	_ =	sdelay $0x2  }
0x215: {  	s31 =	sshll.u32 s6, $0x8  }
0x216: {  	s3 =	sshra.s32 s31, $0x2  }
0x217: {  	[tilespmem:s3+$0xA138] =	vst v0  }
0x218: {  	v0 =	vld [tilespmem:s2+$0xA148];
	_ =	sdelay $0x4  }
0x219: {  	[tilespmem:s3+$0xA148] =	vst v0  }
0x21a: {  	v0 =	vld [tilespmem:s2+$0xA158];
	_ =	sdelay $0x4  }
0x21b: {  	[tilespmem:s3+$0xA158] =	vst v0  }
0x21c: {  	v0 =	vld [tilespmem:s2+$0xA168];
	_ =	sdelay $0x4  }
0x21d: {  	s6 =	sadd.s32 $0x1, s6;
	[tilespmem:s3+$0xA168] =	vst v0  }
.LBB3_37:
0x21e: {  	s10 =	sadd.s32 $0x1, s10  }
0x21f: {  	p1 =	sne.s32 s10, $0x20  }
.Ltmp29:
0x220: {  	_ = 	snop;
	(pc) =	sbr.rel @!p1 .LBB3_38-.Ltmp29, $1  }
0x221: {  	_ =	sdelay $0x3  }
.LBB3_30:
0x222: {  	v0 =	vld.msk [tilespmem:s10+$0xA118], $0x1;
	_ =	sdelay $0x4  }
0x223: {  	(v2sf) =	vpush v0, $0x0;
	_ =	sdelay $0xe  }
0x224: {  	s2 =	spop (v2sf)  }
0x225: {  	p1 =	seq.s32 s2, $0xFFFFFFFF  }
.Ltmp30:
0x226: {  	_ = 	snop;
	(pc) =	sbr.rel @p1 .LBB3_37-.Ltmp30, $1  }
0x227: {  	_ =	sdelay $0x3  }
0x228: {  	p1 =	slt.s32 s6, $0x1  }
.Ltmp31:
0x229: {  	_ = 	snop;
	(pc) =	sbr.rel @p1 .LBB3_36-.Ltmp31, $1  }
0x22a: {  	_ =	sdelay $0x3  }
0x22b: {  	s3 =	simm.s32 $0xA118;
	p1 =	por $0x0, $0x0  }
0x22c: {  	v1 =	vld.msk @!p1 [tilespmem:s3+$0x0], $0x1;
	_ =	sdelay $0x4  }
0x22d: {  	(v2sf) =	vpush @!p1 v1, $0x0;
	_ =	sdelay $0xd  }
0x22e: {  	p3 =	sne.s32 s6, $0x1  }
.Ltmp32:
0x22f: {  	s4 =	spop @!p1 (v2sf);
	(pc) =	sbr.rel @!p3 .LBB3_34-.Ltmp32, $4  }
0x230: {  	p2 =	seq.s32 @!p1 s2, s4  }
0x231: {  	s4 =	simm.s32 $0x0;
	p2 =	por !p2, p1  }
0x232: {  	s11 =	simm.s32 $0xFFFFFFFF;
	s4 =	simm.s32 @p2 $0xFFFFFFFF  }
0x233: {  	s5 =	simm.s32 $0x1;
	s4 =	smov.u32 @p1 s11  }
.LBB3_33:
0x234: {  	s11 =	smov.u32 s4;
	p1 =	sne.s32 s4, $0xFFFFFFFF  }
0x235: {  	s3 =	sadd.s32 $0x1, s3;
	s4 =	smov.u32 s5;
	s5 =	sadd.s32 $0x1, s5  }
0x236: {  	p2 =	sne.s32 s6, s5;
	v1 =	vld.msk @!p1 [tilespmem:s3+$0x0], $0x1;
	_ =	sdelay $0x4  }
0x237: {  	(v2sf) =	vpush @!p1 v1, $0x0;
	_ =	sdelay $0xe  }
.Ltmp33:
0x238: {  	s12 =	spop @!p1 (v2sf);
	(pc) =	sbr.rel @p2 .LBB3_33-.Ltmp33, $4  }
0x239: {  	p3 =	seq.s32 @!p1 s2, s12  }
0x23a: {  	p3 =	por !p3, p1  }
0x23b: {  	s4 =	simm.s32 @p3 $0xFFFFFFFF  }
0x23c: {  	s4 =	smov.u32 @p1 s11  }
.LBB3_34:
0x23d: {  	p1 =	seq.s32 s4, $0xFFFFFFFF  }
.Ltmp34:
0x23e: {  	_ = 	snop;
	(pc) =	sbr.rel @p1 .LBB3_36-.Ltmp34, $1  }
0x23f: {  	_ =	sdelay $0x3  }
0x240: {  	s2 =	sshll.u32 s10, $0x6  }
0x241: {  	s2 =	sand.u32 $0x3FFFFFC0, s2  }
0x242: {  	v0 =	vld [tilespmem:s2+$0xA138];
	_ =	sdelay $0x2  }
0x243: {  	s3 =	sshll.u32 s4, $0x8  }
0x244: {  	s3 =	sshra.s32 s3, $0x2  }
0x245: {  	[tilespmem:s3+$0xA138] =	vst.add.f32.msk $0xffff, v0  }
0x246: {  	v0 =	vld [tilespmem:s2+$0xA148];
	_ =	sdelay $0x4  }
0x247: {  	[tilespmem:s3+$0xA148] =	vst.add.f32.msk $0xffff, v0  }
0x248: {  	v0 =	vld [tilespmem:s2+$0xA158];
	_ =	sdelay $0x4  }
0x249: {  	[tilespmem:s3+$0xA158] =	vst.add.f32.msk $0xffff, v0  }
0x24a: {  	v0 =	vld [tilespmem:s2+$0xA168]  }
.Ltmp35:
0x24b: {  	_ = 	snop;
	(pc) =	sbr.rel .LBB3_37-.Ltmp35, $2  }
0x24c: {  	_ =	sdelay $0x2  }
0x24d: {  	[tilespmem:s3+$0xA168] =	vst.add.f32.msk $0xffff, v0  }
.LBB3_38:
0x24e: {  	s0 =	simm.s32 $0x6;
	p1 =	seq.s32 s6, $0x0  }
0x24f: {  	[sflag:s0] =	ssyncpa.u1 $0x1;
	v0 =	vimm.s32 @p1 $0xFFFFFFFF  }
0x250: {  	s0 =	sadd.s32 $0xFFFFFFFF, s6;
	[tilespmem:$0xA938] =	vst @p1 v0  }
0x251: {  	v0 =	vld.msk @!p1 [tilespmem:s0+$0xA118], $0x1;
	_ =	sdelay $0x1  }
0x252: {  	v1 =	vld.msk @!p1 [tilespmem:$0xA118], $0x1;
	_ =	sdelay $0x2  }
0x253: {  	p2 =	seq.s32 @!p1 s0, $0x0;
	v0 =	vbroadcast @!p1 v0, $0x0  }
0x254: {  	vm0 =	vmmov @!p1 $0x1;
	p2 =	por !p2, p1  }
0x255: {  	v1 =	vnsel @!p1 vm0, $0xFFFFFFFF, v1;
	vm0 =	vcmask @!p1 $0x308;
	v0 =	vpsel !p2, $0xFFFFFFFF, v0  }
0x256: {  	p2 =	sne.s32 @!p1 s8, s7;
	v0 =	vsel @!p1 vm0, v1, v0  }
0x257: {  	s2 =	simm.s32 @!p1 $0xA138;
	s3 =	simm.s32 @!p1 $0x0;
	p3 =	por !p2, p1;
	[tilespmem:$0xA938] =	vst @!p1 v0  }
0x258: {  	[spmem:s3] =	stream.linear.scatter @!p1 [tilespmem:s2], [sflag:$0x1], $0x40, $0x38;
	[tilespmem:$0x1EF88] =	vst v63  }
0x259: {  	s2 =	sshll.u32 @!p3 s0, $0x8  }
0x25a: {  	s2 =	sshra.s32 @!p3 s2, $0x2  }
0x25b: {  	s3 =	simm.s32 @!p3 $0x40;
	s2 =	sadd.s32 @!p3 $0xA138, s2  }
0x25c: {  	[spmem:s3] =	stream.linear.scatter @!p3 [tilespmem:s2], [sflag:$0x1], $0x40, $0x38;
	[tilespmem:$0x1EF88] =	vst v63  }
0x25d: {  	s2 =	simm.s32 @!p3 $0x1  }
0x25e: {  	_ =	swait.ge @!p3 [sflag:s2], $0x80  }
0x25f: {  	p1 =	por p2, p1;
	[sflag:s2] =	ssyncset.done @!p3 $0x0  }
0x260: {  	[sflag:s2] =	ssyncadd.s32 @!p3 $0xFFFFFF80;
	s2 =	simm.s32 @!p1 $0x1  }
0x261: {  	_ =	swait.ge @!p1 [sflag:s2], $0x40  }
0x262: {  	s29 =	simm.s32 $0xA938;
	[sflag:s2] =	ssyncset.done @!p1 $0x0  }
0x263: {  	s30 =	simm.s32 $0x800;
	s31 =	simm.s32 $0x1;
	[sflag:s2] =	ssyncadd.s32 @!p1 $0xFFFFFFC0  }
0x264: {  	[spmem:s30] =	stream.linear.scatter [tilespmem:s29], [sflag:$0x1], $0x10, $0x38;
	[tilespmem:$0x1EF88] =	vst v63  }
0x265: {  	_ =	swait.ge [sflag:s31], $0x10  }
0x266: {  	[sflag:s31] =	ssyncset.done $0x0  }
0x267: {  	p1 =	seq.s32 s13, $0x0;
	s9 =	rddreg [dreg:$0x3];
	[sflag:s31] =	ssyncadd.s32 $0xFFFFFFF0  }
0x268: {  	s3 =	sshll.u32 @p1 s9, $0xE;
	s8 =	rddreg [dreg:$0x4]  }
0x269: {  	s2 =	sadd.s32 @p1 $0x15C3C, s3;
	s3 =	sshll.u32 @p1 s8, $0x11  }
0x26a: {  	_ =	sfence.stream.spmem;
	s2 =	sor.u32 @p1 s3, s2  }
0x26b: {  	[sflag:s2] =	ssyncadd.remote.s32 @p1 $0x1;
	s2 =	simm.s32 @p1 $0x4  }
0x26c: {  	s4 =	simm.s32 @!p1 $0x3C;
	s3 =	sand.u32 $0xFFFFFFFE, s9;
	_ =	swait.ge @p1 [sflag:s2], $0x12  }
0x26d: {  	s5 =	simm.s32 @!p1 $0x0;
	s3 =	sadd.s32 @!p1 $0x4, s3;
	[sflag:s2] =	ssyncset.done @p1 $0x0  }
0x26e: {  	s7 =	simm.s32 @!p1 $0x80;
	[sflag:s2] =	ssyncadd.s32 @p1 $0xFFFFFFEE;
	s2 =	sshll.u32 @!p1 s3, $0x1A  }
0x26f: {  	s3 =	sshll.u32 @!p1 s3, $0xD;
	s2 =	sor.u32 @!p1 s2, s8;
	_ =	swait.eq @!p1 [sflag:s4], $0x1  }
0x270: {  	s3 =	sor.u32 @!p1 $0x1C04, s3;
	s4 =	simm.s32 @!p1 $0x1C03;
	s2 =	sor.u32 @!p1 $0x80004000, s2  }
0x271: {  	[spmem:s7], [sflag:s3] =	dma.general @!p1 [spmem:s5], [sflag:s4], length:$0x10, [dreg:$0x0], stride_count:$0x0, ici_dest:s2, dma_misc:DstOpCode:WRITE  }
0x272: {  	p2 =	slt.s32 s0, $0x2;
	s5 =	simm.s32 @!p1 $0x100;
	s7 =	simm.s32 @!p1 $0x102  }
0x273: {  	[spmem:s7], [sflag:s3] =	dma.general @!p1 [spmem:s5], [sflag:s4], length:$0x2, [dreg:$0x0], stride_count:$0x0, ici_dest:s2, dma_misc:DstOpCode:WRITE  }
.Ltmp36:
0x274: {  	s2 =	simm.s32 @!p1 $0x3;
	(pc) =	sbr.rel @p2 .LBB3_42-.Ltmp36, $4  }
0x275: {  	s3 =	sshll.u32 @!p1 s9, $0xE;
	_ =	swait.ge @!p1 [sflag:s2], $0x12  }
0x276: {  	s4 =	sshll.u32 @!p1 s8, $0x11;
	s3 =	sadd.s32 @!p1 $0x11C3C, s3;
	[sflag:s2] =	ssyncset.done @!p1 $0x0  }
0x277: {  	[sflag:s2] =	ssyncadd.s32 @!p1 $0xFFFFFFEE;
	s2 =	sor.u32 @!p1 s4, s3  }
0x278: {  	s0 =	simm.s32 $0x0;
	[sflag:s2] =	ssyncadd.remote.s32 @!p1 $0xFFFFFFFF  }
0x279: {  	s0 =	simm.s32 $0xA119  }
0x27a: {  	v0 =	vld.msk [tilespmem:s0+$0x0], $0x1;
	_ =	sdelay $0x4  }
0x27b: {  	(v2sf) =	vpush v0, $0x0;
	_ =	sdelay $0xc  }
0x27c: {  	s2 =	sadd.s32 $0xFFFFFFFE, s6  }
0x27d: {  	s2 =	sadd.s32 $0xFFFFFFFF, s2  }
0x27e: {  	p2 =	sne.s32 s2, $0x0;
	s3 =	spop (v2sf)  }
.Ltmp37:
0x27f: {  	p1 =	sgt.u32 s3, $0xC34F8;
	(pc) =	sbr.rel @!p2 .LBB3_41-.Ltmp37, $4  }
0x280: {  	s5 =	simm.s32 $0x0;
	s4 =	sand.u32 @!p1 $0xFFFF8, s3  }
0x281: {  	s0 =	simm.s32 $0xA178;
	s3 =	sand.u32 @!p1 $0x7, s3;
	s4 =	sadd.s32 @!p1 s1, s4  }
0x282: {  	[hbm4b:s4+s3] =	stream.linear.scatter @!p1 [tilespmem:s0], [sflag:$0x5], $0x40, $0x38;
	[tilespmem:$0x1EF88] =	vst v63  }
0x283: {  	s5 =	simm.s32 @!p1 $0x100;
	s3 =	simm.s32 $0x0;
	s4 =	simm.s32 $0xA11A  }
.LBB3_40:
0x284: {  	v0 =	vld.msk [tilespmem:s4+$0x0], $0x1;
	s2 =	sadd.s32 $0xFFFFFFFF, s2;
	s3 =	sadd.s32 s3, s5  }
0x285: {  	p1 =	sne.s32 s2, $0x0;
	_ =	sdelay $0x3  }
0x286: {  	(v2sf) =	vpush v0, $0x0;
	_ =	sdelay $0xe  }
.Ltmp38:
0x287: {  	s6 =	spop (v2sf);
	(pc) =	sbr.rel @p1 .LBB3_40-.Ltmp38, $4  }
0x288: {  	s5 =	simm.s32 $0x0;
	p2 =	sgt.u32 s6, $0xC34F8  }
0x289: {  	s0 =	sadd.s32 $0x40, s0;
	s5 =	simm.s32 @!p2 $0x100;
	s7 =	sand.u32 @!p2 $0xFFFF8, s6  }
0x28a: {  	s4 =	sadd.s32 $0x1, s4;
	s6 =	sand.u32 @!p2 $0x7, s6;
	s7 =	sadd.s32 @!p2 s1, s7  }
0x28b: {  	[hbm4b:s7+s6] =	stream.linear.scatter @!p2 [tilespmem:s0], [sflag:$0x5], $0x40, $0x38;
	[tilespmem:$0x1EF88] =	vst v63  }
.LBB3_41:
0x28c: {  	s0 =	sadd.s32 s3, s5  }
0x28d: {  	s0 =	sshrl.u32 s0, $0x2  }
.LBB3_42:
0x28e: {  	s2 =	simm.s32 $0x5  }
0x28f: {  	_ =	swait.ge [sflag:s2], s0  }
0x290: {  	s31 =	ssub.s32 $0x0, s0;
	[sflag:s2] =	ssyncset.done $0x0  }
0x291: {  	[sflag:s2] =	ssyncadd.s32 s31  }
0x292: {  	[sflag:s2] =	ssyncpa.u1 $0x1  }
.LBB3_43:
0x293: {  	s0 =	sor.u32 s13, s14  }
0x294: {  	p1 =	sne.s32 s0, $0x0  }
.Ltmp39:
0x295: {  	_ = 	snop;
	(pc) =	sbr.rel @p1 .LBB3_58-.Ltmp39, $3  }
0x296: {  	_ =	sdelay $0x1  }
0x297: {  	[bflag:$0x0] =	sbarrier.arrive $0xFFFF  }
0x298: {  	_ =	sfence  }
0x299: {  	s2 =	simm.s32 $0x7  }
0x29a: {  	s0 =	simm.s32 $0x800;
	s3 =	simm.s32 $0xA118;
	[sflag:s2] =	ssyncpa.u1 $0x0  }
0x29b: {  	[tilespmem:s3], [sflag:$0x7] =	stream.linear.gather [spmem:s0], $0x20, $0x38;
	[tilespmem:$0x1EF88] =	vst v63  }
0x29c: {  	s30 =	simm.s32 $0xA138;
	s0 =	simm.s32 $0x0  }
0x29d: {  	[tilespmem:s30], [sflag:$0x7] =	stream.linear.gather [spmem:s0], $0x800, $0x38;
	[tilespmem:$0x1EF88] =	vst v63  }
.Ltmp40:
0x29e: {  	_ = 	snop;
	(pc) =	sbr.rel .LBB3_45-.Ltmp40, $4  }
0x29f: {  	_ =	swait.ge [sflag:s2], $0x820  }
0x2a0: {  	[sflag:s2] =	ssyncset.done $0x0  }
0x2a1: {  	s31 =	simm.s32 $0x8;
	[sflag:s2] =	ssyncadd.s32 $0xFFFFF7E0  }
0x2a2: {  	s2 =	simm.s32 $0x0;
	[sflag:s31] =	ssyncpa.u1 $0x0  }
.LBB3_51:
0x2a3: {  	p1 =	slt.u32 s3, $0xC34F9  }
0x2a4: {  	s4 =	sand.u32 @p1 $0xFFFF8, s3  }
0x2a5: {  	s3 =	sand.u32 @p1 $0x7, s3;
	s5 =	simm.s32 @p1 $0xA0C8;
	s4 =	sadd.s32 @p1 s1, s4  }
0x2a6: {  	[tilespmem:s5], [sflag:$0x8] =	stream.linear.gather @p1 [hbm4b:s4+s3], $0x40, $0x38;
	[tilespmem:$0x1EF88] =	vst v63  }
0x2a7: {  	s3 =	simm.s32 @p1 $0x8  }
0x2a8: {  	_ =	swait.ge @p1 [sflag:s3], $0x40  }
0x2a9: {  	[sflag:s3] =	ssyncset.done @p1 $0x0  }
0x2aa: {  	[sflag:s3] =	ssyncadd.s32 @p1 $0xFFFFFFC0  }
0x2ab: {  	v1 =	vld @p1 [tilespmem:$0xA0C8];
	_ =	sdelay $0x2  }
0x2ac: {  	s3 =	sshll.u32 @p1 s2, $0x8  }
0x2ad: {  	s4 =	sshrl.u32 @p1 s3, $0x2  }
0x2ae: {  	[tilespmem:s4+$0xA138] =	vst.add.f32.msk @p1 $0xffff, v1  }
0x2af: {  	v1 =	vld @p1 [tilespmem:$0xA0D8];
	_ =	sdelay $0x4  }
0x2b0: {  	[tilespmem:s4+$0xA148] =	vst.add.f32.msk @p1 $0xffff, v1  }
0x2b1: {  	v1 =	vld @p1 [tilespmem:$0xA0E8];
	_ =	sdelay $0x4  }
0x2b2: {  	[tilespmem:s4+$0xA158] =	vst.add.f32.msk @p1 $0xffff, v1  }
0x2b3: {  	v1 =	vld @p1 [tilespmem:$0xA0F8];
	_ =	sdelay $0x3  }
0x2b4: {  	s5 =	sshll.u32 @!p1 s2, $0x8  }
0x2b5: {  	s5 =	smov.u32 @p1 s3;
	[tilespmem:s4+$0xA168] =	vst.add.f32.msk @p1 $0xffff, v1  }
0x2b6: {  	s3 =	sshrl.u32 s5, $0x2;
	[tilespmem:s0+$0xA118] =	vst.msk $0x1, v0  }
0x2b7: {  	v0 =	vld [tilespmem:s3+$0xA138];
	_ =	sdelay $0x2  }
0x2b8: {  	s31 =	sshll.u32 s0, $0x8  }
0x2b9: {  	s4 =	sshra.s32 s31, $0x2  }
0x2ba: {  	[tilespmem:s4+$0xA138] =	vst v0  }
0x2bb: {  	v0 =	vld [tilespmem:s3+$0xA148];
	_ =	sdelay $0x4  }
0x2bc: {  	[tilespmem:s4+$0xA148] =	vst v0  }
0x2bd: {  	v0 =	vld [tilespmem:s3+$0xA158];
	_ =	sdelay $0x4  }
0x2be: {  	[tilespmem:s4+$0xA158] =	vst v0  }
0x2bf: {  	v0 =	vld [tilespmem:s3+$0xA168];
	_ =	sdelay $0x4  }
0x2c0: {  	s0 =	sadd.s32 $0x1, s0;
	[tilespmem:s4+$0xA168] =	vst v0  }
.LBB3_52:
0x2c1: {  	s2 =	sadd.s32 $0x1, s2  }
0x2c2: {  	p1 =	sne.s32 s2, $0x20  }
.Ltmp41:
0x2c3: {  	_ = 	snop;
	(pc) =	sbr.rel @!p1 .LBB3_53-.Ltmp41, $1  }
0x2c4: {  	_ =	sdelay $0x3  }
.LBB3_45:
0x2c5: {  	v0 =	vld.msk [tilespmem:s2+$0xA118], $0x1;
	_ =	sdelay $0x4  }
0x2c6: {  	(v2sf) =	vpush v0, $0x0;
	_ =	sdelay $0xe  }
0x2c7: {  	s3 =	spop (v2sf)  }
0x2c8: {  	p1 =	seq.s32 s3, $0xFFFFFFFF  }
.Ltmp42:
0x2c9: {  	_ = 	snop;
	(pc) =	sbr.rel @p1 .LBB3_52-.Ltmp42, $1  }
0x2ca: {  	_ =	sdelay $0x3  }
0x2cb: {  	p1 =	slt.s32 s0, $0x1  }
.Ltmp43:
0x2cc: {  	_ = 	snop;
	(pc) =	sbr.rel @p1 .LBB3_51-.Ltmp43, $1  }
0x2cd: {  	_ =	sdelay $0x3  }
0x2ce: {  	s4 =	simm.s32 $0xA118;
	p1 =	por $0x0, $0x0  }
0x2cf: {  	v1 =	vld.msk @!p1 [tilespmem:s4+$0x0], $0x1;
	_ =	sdelay $0x4  }
0x2d0: {  	(v2sf) =	vpush @!p1 v1, $0x0;
	_ =	sdelay $0xd  }
0x2d1: {  	p3 =	sne.s32 s0, $0x1  }
.Ltmp44:
0x2d2: {  	s5 =	spop @!p1 (v2sf);
	(pc) =	sbr.rel @!p3 .LBB3_49-.Ltmp44, $4  }
0x2d3: {  	p2 =	seq.s32 @!p1 s3, s5  }
0x2d4: {  	s5 =	simm.s32 $0x0;
	p2 =	por !p2, p1  }
0x2d5: {  	s7 =	simm.s32 $0xFFFFFFFF;
	s5 =	simm.s32 @p2 $0xFFFFFFFF  }
0x2d6: {  	s6 =	simm.s32 $0x1;
	s5 =	smov.u32 @p1 s7  }
.LBB3_48:
0x2d7: {  	s7 =	smov.u32 s5;
	p1 =	sne.s32 s5, $0xFFFFFFFF  }
0x2d8: {  	s4 =	sadd.s32 $0x1, s4;
	s5 =	smov.u32 s6;
	s6 =	sadd.s32 $0x1, s6  }
0x2d9: {  	p2 =	sne.s32 s0, s6;
	v1 =	vld.msk @!p1 [tilespmem:s4+$0x0], $0x1;
	_ =	sdelay $0x4  }
0x2da: {  	(v2sf) =	vpush @!p1 v1, $0x0;
	_ =	sdelay $0xe  }
.Ltmp45:
0x2db: {  	s8 =	spop @!p1 (v2sf);
	(pc) =	sbr.rel @p2 .LBB3_48-.Ltmp45, $4  }
0x2dc: {  	p3 =	seq.s32 @!p1 s3, s8  }
0x2dd: {  	p3 =	por !p3, p1  }
0x2de: {  	s5 =	simm.s32 @p3 $0xFFFFFFFF  }
0x2df: {  	s5 =	smov.u32 @p1 s7  }
.LBB3_49:
0x2e0: {  	p1 =	seq.s32 s5, $0xFFFFFFFF  }
.Ltmp46:
0x2e1: {  	_ = 	snop;
	(pc) =	sbr.rel @p1 .LBB3_51-.Ltmp46, $1  }
0x2e2: {  	_ =	sdelay $0x3  }
0x2e3: {  	s3 =	sshll.u32 s2, $0x6  }
0x2e4: {  	s3 =	sand.u32 $0x3FFFFFC0, s3  }
0x2e5: {  	v0 =	vld [tilespmem:s3+$0xA138];
	_ =	sdelay $0x2  }
0x2e6: {  	s4 =	sshll.u32 s5, $0x8  }
0x2e7: {  	s4 =	sshra.s32 s4, $0x2  }
0x2e8: {  	[tilespmem:s4+$0xA138] =	vst.add.f32.msk $0xffff, v0  }
0x2e9: {  	v0 =	vld [tilespmem:s3+$0xA148];
	_ =	sdelay $0x4  }
0x2ea: {  	[tilespmem:s4+$0xA148] =	vst.add.f32.msk $0xffff, v0  }
0x2eb: {  	v0 =	vld [tilespmem:s3+$0xA158];
	_ =	sdelay $0x4  }
0x2ec: {  	[tilespmem:s4+$0xA158] =	vst.add.f32.msk $0xffff, v0  }
0x2ed: {  	v0 =	vld [tilespmem:s3+$0xA168]  }
.Ltmp47:
0x2ee: {  	_ = 	snop;
	(pc) =	sbr.rel .LBB3_52-.Ltmp47, $2  }
0x2ef: {  	_ =	sdelay $0x2  }
0x2f0: {  	[tilespmem:s4+$0xA168] =	vst.add.f32.msk $0xffff, v0  }
.LBB3_53:
0x2f1: {  	p1 =	slt.s32 s0, $0x1  }
.Ltmp48:
0x2f2: {  	_ = 	snop;
	(pc) =	sbr.rel @p1 .LBB3_57-.Ltmp48, $3  }
0x2f3: {  	_ =	sdelay $0x1  }
0x2f4: {  	s2 =	simm.s32 $0x8  }
0x2f5: {  	[sflag:s2] =	ssyncpa.u1 $0x1;
	s2 =	simm.s32 $0x0  }
0x2f6: {  	s3 =	simm.s32 $0xA118  }
0x2f7: {  	v0 =	vld.msk [tilespmem:s3+$0x0], $0x1;
	_ =	sdelay $0x4  }
0x2f8: {  	(v2sf) =	vpush v0, $0x0;
	_ =	sdelay $0xe  }
0x2f9: {  	s0 =	sadd.s32 $0xFFFFFFFF, s0;
	s4 =	spop (v2sf)  }
0x2fa: {  	p2 =	sne.s32 s0, $0x0;
	p1 =	sgt.u32 s4, $0xC34F8  }
.Ltmp49:
0x2fb: {  	s5 =	sand.u32 @!p1 $0xFFFF8, s4;
	(pc) =	sbr.rel @!p2 .LBB3_56-.Ltmp49, $4  }
0x2fc: {  	s3 =	simm.s32 $0xA138;
	s4 =	sand.u32 @!p1 $0x7, s4;
	s5 =	sadd.s32 @!p1 s1, s5  }
0x2fd: {  	[hbm4b:s5+s4] =	stream.linear.scatter @!p1 [tilespmem:s3], [sflag:$0x7], $0x40, $0x38;
	[tilespmem:$0x1EF88] =	vst v63  }
0x2fe: {  	s5 =	simm.s32 $0x0  }
0x2ff: {  	s4 =	simm.s32 $0xA119;
	s5 =	simm.s32 @!p1 $0x100  }
.LBB3_55:
0x300: {  	v0 =	vld.msk [tilespmem:s4+$0x0], $0x1;
	s0 =	sadd.s32 $0xFFFFFFFF, s0;
	s2 =	sadd.s32 s2, s5  }
0x301: {  	p1 =	sne.s32 s0, $0x0;
	_ =	sdelay $0x3  }
0x302: {  	(v2sf) =	vpush v0, $0x0;
	_ =	sdelay $0xe  }
.Ltmp50:
0x303: {  	s6 =	spop (v2sf);
	(pc) =	sbr.rel @p1 .LBB3_55-.Ltmp50, $4  }
0x304: {  	s5 =	simm.s32 $0x0;
	p2 =	sgt.u32 s6, $0xC34F8  }
0x305: {  	s3 =	sadd.s32 $0x40, s3;
	s5 =	simm.s32 @!p2 $0x100;
	s7 =	sand.u32 @!p2 $0xFFFF8, s6  }
0x306: {  	s4 =	sadd.s32 $0x1, s4;
	s6 =	sand.u32 @!p2 $0x7, s6;
	s7 =	sadd.s32 @!p2 s1, s7  }
0x307: {  	[hbm4b:s7+s6] =	stream.linear.scatter @!p2 [tilespmem:s3], [sflag:$0x7], $0x40, $0x38;
	[tilespmem:$0x1EF88] =	vst v63  }
.LBB3_56:
0x308: {  	s0 =	sadd.s32 s2, s5  }
0x309: {  	s2 =	sshrl.u32 s0, $0x2  }
.LBB3_57:
0x30a: {  	s0 =	simm.s32 $0x7  }
0x30b: {  	_ =	swait.ge [sflag:s0], s2  }
0x30c: {  	s1 =	ssub.s32 $0x0, s2;
	[sflag:s0] =	ssyncset.done $0x0  }
0x30d: {  	[sflag:s0] =	ssyncadd.s32 s1  }
0x30e: {  	[sflag:s0] =	ssyncpa.u1 $0x1  }
.LBB3_58:
0x30f: {  	_ =	sfence;
	s0 =	simm.s32 $0x1  }
0x310: {  	[sflag:s0] =	ssyncpa.u1 $0x1  }
0x311: {  	_ =	strace $0x90000050  }
0x312: {  	[bflag:$0x2] =	sbarrier.arrive $0xFFFF  }
0x313: {  	s0 =	rddreg [dreg:$0x5]  }
0x314: {  	s0 =	sadd.s32 @!p0 $0x100000, s0  }
0x315: {  	[sflag:s0] =	ssyncadd.tile.s32 @!p0 $0x1;
	_ =	shalt  }
.Lfunc_end3:
_tile_overlayer_lowered:
.L_overlay_start_3:
0x316: {  	(tag) =	ssettag $0x3  }
0x317: {  	s0 =	rddreg [dreg:$0x0];
	s2 =	stileid.u32  }
0x318: {  	s1 =	rddreg [dreg:$0x1];
	p0 =	sne.s32 s2, $0x0  }
0x319: {  	s3 =	rddreg [dreg:$0x2];
	[bflag:$0x3] =	sbarrier.arrive $0xFFFF;
	s2 =	simm.s32 @!p0 $0x1C01  }
0x31a: {  	[timem:s3], [sflag:s2] =	dma.local @!p0 [hbm:s0], s1  }
0x31b: {  	s0 =	simm.s32 @!p0 $0x1  }
0x31c: {  	_ =	swait.ge @!p0 [sflag:s0], s1  }
0x31d: {  	s1 =	ssub.s32 @!p0 $0x0, s1;
	[sflag:s0] =	ssyncset.done @!p0 $0x0  }
0x31e: {  	[sflag:s0] =	ssyncadd.s32 @!p0 s1  }
0x31f: {  	[bflag:$0x3] =	sbarrier.arrive $0xFFFF  }
0x320: {  	_ =	shalt  }

// kernel: scatter_offload_async_start.2
scs
__scs_entry_jumppad:
0x0: {  	(pc) =	sbr.rel $0x88, $3  }
0x1: {  	(tag) =	ssettag $0x0;
	lr =	simm.s32 $0x1  }
0x2: {  	[smem:$0x3F97] =	sst lr;
	_ =	strace $0xD0000000  }
0x3: {  	_ = 	snop  }
0x4: {  	_ = 	snop  }
0x5: {  	_ = 	snop  }
0x6: {  	_ = 	snop  }
0x7: {  	_ = 	snop  }
__scs_overlays_trampoline_lowered:
0x8: {  	[smem:$0x3FA6] =	sst s0  }
0x9: {  	[smem:$0x3FA7] =	sst s1  }
0xa: {  	[smem:$0x3FA8] =	sst s2  }
0xb: {  	[smem:$0x3FA9] =	sst s3  }
0xc: {  	[smem:$0x3FAA] =	sst s4  }
0xd: {  	[smem:$0x3FAB] =	sst s5  }
0xe: {  	[smem:$0x3FAC] =	sst s6  }
0xf: {  	[smem:$0x3FAD] =	sst s7  }
0x10: {  	[smem:$0x3FAE] =	sst s8  }
0x11: {  	[smem:$0x3FAF] =	sst s9;
	s0 =	simm.s32 @!p0 $0x0  }
0x12: {  	s1 =	sld [smem:$0x3F95];
	s0 =	simm.s32 @p0 $0x1  }
0x13: {  	[smem:$0x3FB0] =	sst s0;
	s0 =	simm.s32 @!p1 $0x0  }
0x14: {  	s2 =	sld [smem:$0x3F94];
	s0 =	simm.s32 @p1 $0x1  }
0x15: {  	[smem:$0x3FB1] =	sst s0;
	s0 =	simm.s32 @!p2 $0x0  }
0x16: {  	s3 =	sld [smem:$0x3FDB];
	s0 =	simm.s32 @p2 $0x1  }
0x17: {  	s4 =	simm.s32 $0x1BF5;
	[smem:$0x3FB3] =	sst s0  }
0x18: {  	s0 =	sld [smem:$0x3F96];
	_ =	swait.ge [sflag:s4], $0x0  }
0x19: {  	s7 =	sld [smem:$0x3F97]  }
0x1a: {  	s8 =	sadd.s32 $0xFFFFE003, lr  }
0x1b: {  	s9 =	sadd.s32 $0xFFFFFEF7, lr;
	s5 =	simm.s32 $0xFFFFFFFF;
	p2 =	slt.u32 s8, $0xFFFFF086  }
0x1c: {  	p1 =	slt.u32 s9, $0xF7A;
	s5 =	simm.s32 @!p2 $0x0  }
0x1d: {  	s5 =	simm.s32 @p1 $0x1;
	p0 =	seq.s32 s7, s2  }
0x1e: {  	s7 =	smul.u32 @!p0 $0xF7A, s2;
	p2 =	seq.s32 @!p0 s5, $0x0  }
0x1f: {  	s9 =	smul.u32 $0xF7A, s1;
	s8 =	simm.s32 @!p0 $0x1BF5;
	p2 =	por !p2, p0  }
0x20: {  	[sflag:s8] =	ssyncset.s32 @!p0 $0xFFFFF086;
	s6 =	sadd.s32 @!p0 s3, s7;
	s7 =	simm.s32 @!p0 $0x108  }
0x21: {  	s3 =	sadd.s32 s3, s9;
	s6 =	sadd.s32 @!p0 $0x88, s6;
	s7 =	simm.s32 @p2 $0x1082  }
0x22: {  	[simem:s7], [sflag:s8] =	dma.local @!p0 [hbm:s6], $0xF7A  }
0x23: {  	s9 =	sor.u32 $0xD0000000, s2;
	s6 =	simm.s32 $0x108;
	_ =	swait.ge @!p0 [sflag:s8], $0x0  }
0x24: {  	s3 =	sadd.s32 $0x88, s3;
	s6 =	simm.s32 @!p1 $0x1082;
	[sflag:s4] =	ssyncset.s32 $0xFFFFF086  }
0x25: {  	[simem:s6], [sflag:s4] =	dma.local [hbm:s3], $0xF7A  }
0x26: {  	[smem:$0x3F97] =	sst s1;
	(tag) =	ssettag s2;
	_ =	strace s9  }
0x27: {  	s1 =	sld [smem:$0x3FA7]  }
0x28: {  	s2 =	sld [smem:$0x3FA8]  }
0x29: {  	s4 =	sld [smem:$0x3FAA]  }
0x2a: {  	p0 =	seq.s32 s5, $0x0;
	s5 =	sld [smem:$0x3FAB]  }
0x2b: {  	s6 =	sld [smem:$0x3FAC]  }
0x2c: {  	s7 =	sld [smem:$0x3FAD]  }
0x2d: {  	s3 =	simm.s32 $0x108;
	s8 =	sld [smem:$0x3FAE]  }
0x2e: {  	s3 =	simm.s32 @!p0 $0x1082;
	s9 =	sld [smem:$0x3FAF]  }
0x2f: {  	lr =	sadd.s32 s0, s3;
	s0 =	sld [smem:$0x3FA6]  }
0x30: {  	s3 =	sld [smem:$0x3FA9]  }
0x31: {  	[smem:$0x3FB2] =	sst s10  }
0x32: {  	s10 =	sld [smem:$0x3FB0];
	_ =	sdelay $0x3  }
0x33: {  	p0 =	seq.s32 s10, $0x1;
	s10 =	sld [smem:$0x3FB2];
	_ =	sdelay $0x3  }
0x34: {  	[smem:$0x3FB2] =	sst s10  }
0x35: {  	s10 =	sld [smem:$0x3FB1];
	_ =	sdelay $0x3  }
0x36: {  	p1 =	seq.s32 s10, $0x1;
	s10 =	sld [smem:$0x3FB2];
	_ =	sdelay $0x3  }
0x37: {  	[smem:$0x3FB2] =	sst s10  }
0x38: {  	s10 =	sld [smem:$0x3FB3]  }
0x39: {  	_ = 	snop;
	(pc) =	sbr.ind lr, $3  }
0x3a: {  	_ = 	snop  }
0x3b: {  	_ = 	snop  }
0x3c: {  	p2 =	seq.s32 s10, $0x1;
	s10 =	sld [smem:$0x3FB2]  }
0x3d: {  	_ =	shalt  }
0x3e: {  	_ =	shalt  }
0x3f: {  	_ =	shalt  }
0x40: {  	_ =	shalt  }
0x41: {  	_ =	shalt  }
0x42: {  	_ =	shalt  }
0x43: {  	_ =	shalt  }
0x44: {  	_ =	shalt  }
0x45: {  	_ =	shalt  }
0x46: {  	_ =	shalt  }
0x47: {  	_ =	shalt  }
0x48: {  	_ =	shalt  }
0x49: {  	_ =	shalt  }
0x4a: {  	_ =	shalt  }
0x4b: {  	_ =	shalt  }
0x4c: {  	_ =	shalt  }
0x4d: {  	_ =	shalt  }
0x4e: {  	_ =	shalt  }
0x4f: {  	_ =	shalt  }
0x50: {  	_ =	shalt  }
0x51: {  	_ =	shalt  }
0x52: {  	_ =	shalt  }
0x53: {  	_ =	shalt  }
0x54: {  	_ =	shalt  }
0x55: {  	_ =	shalt  }
0x56: {  	_ =	shalt  }
0x57: {  	_ =	shalt  }
0x58: {  	_ =	shalt  }
0x59: {  	_ =	shalt  }
0x5a: {  	_ =	shalt  }
0x5b: {  	_ =	shalt  }
0x5c: {  	_ =	shalt  }
0x5d: {  	_ =	shalt  }
0x5e: {  	_ =	shalt  }
0x5f: {  	_ =	shalt  }
0x60: {  	_ =	shalt  }
0x61: {  	_ =	shalt  }
0x62: {  	_ =	shalt  }
0x63: {  	_ =	shalt  }
0x64: {  	_ =	shalt  }
0x65: {  	_ =	shalt  }
0x66: {  	_ =	shalt  }
0x67: {  	_ =	shalt  }
0x68: {  	_ =	shalt  }
0x69: {  	_ =	shalt  }
0x6a: {  	_ =	shalt  }
0x6b: {  	_ =	shalt  }
0x6c: {  	_ =	shalt  }
0x6d: {  	_ =	shalt  }
0x6e: {  	_ =	shalt  }
0x6f: {  	_ =	shalt  }
0x70: {  	_ =	shalt  }
0x71: {  	_ =	shalt  }
0x72: {  	_ =	shalt  }
0x73: {  	_ =	shalt  }
0x74: {  	_ =	shalt  }
0x75: {  	_ =	shalt  }
0x76: {  	_ =	shalt  }
0x77: {  	_ =	shalt  }
0x78: {  	_ =	shalt  }
0x79: {  	_ =	shalt  }
0x7a: {  	_ =	shalt  }
0x7b: {  	_ =	shalt  }
0x7c: {  	_ =	shalt  }
0x7d: {  	_ =	shalt  }
0x7e: {  	_ =	shalt  }
0x7f: {  	_ =	shalt  }
0x80: {  	_ =	shalt  }
0x81: {  	_ =	shalt  }
0x82: {  	_ =	shalt  }
0x83: {  	_ =	shalt  }
0x84: {  	_ =	shalt  }
0x85: {  	_ =	shalt  }
0x86: {  	_ =	shalt  }
0x87: {  	_ =	shalt  }
.Lfunc_end0:
.L_simem_size_0:
called_computation.2_lowered:
.L_overlay_start_0:
0x88: {  	s2 =	sld [smem:$0x3FD9]  }
0x89: {  	s3 =	sld [smem:$0x3FFE];
	_ =	sdelay $0x1  }
0x8a: {  	s1 =	srdreg.scid  }
0x8b: {  	s0 =	sand.u32 $0x1, s1  }
0x8c: {  	s13 =	sshll.u32 s0, $0xA;
	s2 =	sadd.s32 s3, s2  }
0x8d: {  	s2 =	sadd.s32 s2, s13  }
0x8e: {  	[smem:$0x3FBE] =	sst s2  }
0x8f: {  	_ = 	snop  }
0x90: {  	s2 =	sld [smem:$0x3FD0];
	_ =	sdelay $0x2  }
0x91: {  	s14 =	simm.s32 $0xB;
	s4 =	simm.s32 $0x10  }
0x92: {  	[smem:s4], [sflag:s14] =	dma.local [hbm:s2], $0x1  }
0x93: {  	_ =	swait.eq [sflag:s14], $0x1  }
0x94: {  	[sflag:s14] =	ssyncset.done $0x0  }
0x95: {  	s15 =	sld [smem:$0x10];
	[sflag:s14] =	ssyncadd.s32 $0xFFFFFFFF  }
0x96: {  	s16 =	sld [smem:$0x11];
	(tm) =	ssettm $0x1  }
0x97: {  	s17 =	sld [smem:$0x3FFB];
	_ =	sdelay $0x3  }
0x98: {  	_ =	strace s17  }
0x99: {  	s4 =	sld [smem:$0x3FFC];
	_ =	sdelay $0x3  }
0x9a: {  	_ =	strace s4  }
0x9b: {  	s4 =	sld [smem:$0x3FFD];
	_ =	sdelay $0x3  }
0x9c: {  	_ =	strace s4  }
0x9d: {  	_ =	strace $0x8FFFFFFF  }
0x9e: {  	s18 =	sld [smem:$0x3FDB];
	_ =	sdelay $0x1  }
0x9f: {  	s5 =	simm.s32 $_scs_section_size  }
0xa0: {  	s6 =	simm.s32 $_size__tile_overlayer_lowered;
	s7 =	simm.s32 $_tile_overlayer_lowered  }
0xa1: {  	s21 =	simm.s32 $0x1BFF;
	s20 =	sshll.u32 s7, $0x1;
	s4 =	sadd.s32 s5, s18  }
0xa2: {  	s8 =	simm.s32 $0x0;
	s19 =	sshll.u32 s6, $0x1;
	s6 =	sadd.s32 s20, s4  }
0xa3: {  	[timem:s8], [sflag:s21] =	dma.local [hbm:s6], s19  }
0xa4: {  	_ =	swait.ge [sflag:s21], s19  }
0xa5: {  	s5 =	ssub.s32 $0x0, s19;
	[sflag:s21] =	ssyncset.done $0x0  }
0xa6: {  	[sflag:s21] =	ssyncadd.s32 s5;
	_ =	sdelay $0x1  }
0xa7: {  	s22 =	simm.s32 $0x1B8B  }
0xa8: {  	_ =	swait.ge [sflag:s22], $0x1  }
0xa9: {  	[sflag:s22] =	ssyncset.done $0x0  }
0xaa: {  	s23 =	sld [smem:$0x3FFE];
	[sflag:s22] =	ssyncadd.s32 $0xFFFFFFFF  }
0xab: {  	s25 =	simm.s32 $0x1B8E;
	s24 =	sld [smem:$0x0]  }
0xac: {  	s26 =	simm.s32 $execute0_lowered;
	[smem:$0x3FD2] =	sst s25  }
0xad: {  	s7 =	sshll.u32 s26, $0x1;
	_ =	strace $0x80000052;
	[dreg:$0x1] =	wrdreg $0xFFFFFFFF  }
0xae: {  	s28 =	simm.s32 $_size_execute0_lowered;
	s4 =	sadd.s32 s4, s7;
	[dreg:$0x0] =	wrdreg $0x0  }
0xaf: {  	s7 =	sshll.u32 s28, $0x1;
	[dreg:$0x2] =	wrdreg s4  }
0xb0: {  	[dreg:$0x3] =	wrdreg s7  }
0xb1: {  	[dreg:$0x4] =	wrdreg $0xC0  }
0xb2: {  	_ =	task [dreg:s8], $0x5FFFF  }
0xb3: {  	[dreg:$0x1] =	wrdreg $0xFFFFFFFF  }
0xb4: {  	[dreg:$0x0] =	wrdreg $0x60  }
0xb5: {  	[dreg:$0x2] =	wrdreg s23  }
0xb6: {  	[dreg:$0x3] =	wrdreg s15  }
0xb7: {  	[dreg:$0x4] =	wrdreg s16  }
0xb8: {  	[dreg:$0x5] =	wrdreg s1  }
0xb9: {  	[dreg:$0x6] =	wrdreg s24  }
0xba: {  	[dreg:$0x7] =	wrdreg $0x9  }
0xbb: {  	_ =	task.clear_ibuf [dreg:s8], $0x8FFFF;
	_ =	strace $0x90000052  }
0xbc: {  	s29 =	simm.s32 $0x9;
	_ =	strace $0x80000054  }
0xbd: {  	_ =	swait.ge [sflag:s29], $0x1  }
0xbe: {  	[sflag:s29] =	ssyncadd.s32 $0xFFFFFFFF  }
0xbf: {  	_ =	strace $0x90000054  }
0xc0: {  	_ =	sfence  }
0xc1: {  	s30 =	sld [smem:$0x0];
	_ =	sdelay $0x2  }
0xc2: {  	s31 =	sshll.u32 s1, $0xD;
	s1 =	sshrl.u32 s1, $0x2  }
0xc3: {  	s3 =	sand.u32 $0x4000, s31;
	s1 =	sadd.s32 s1, s30  }
0xc4: {  	s0 =	sor.u32 s3, s0;
	s1 =	sshll.u32 s1, $0x11  }
0xc5: {  	s0 =	sor.u32 s1, s0  }
0xc6: {  	s0 =	sadd.s32 $0x8F2B, s0  }
0xc7: {  	[sflag:s0] =	ssyncadd.remote.s32 $0x1  }
0xc8: {  	_ =	sfence.sel $0xFFFF  }
0xc9: {  	[dreg:$0x0] =	wrdreg $0xFFFFFFFF;
	(pc) =	sbr.abs _section_cstart, $3  }
0xca: {  	[dreg:$0x1] =	wrdreg $0xFFFFFFFF  }
0xcb: {  	_ =	task.clear_ibuf [dreg:s8], $0x2FFFF;
	_ =	strace $0x9FFFFFFF  }
0xcc: {  	(tm) =	ssettm $0x7FFFFFFF  }
0xcd: {  	_ =	shalt  }
tec
execute0_lowered:
.L_overlay_start_1:
0x0: {  	(tag) =	ssettag $0x1  }
0x1: {  	s4 =	rddreg [dreg:$0x0]  }
0x2: {  	s0 =	rddreg [dreg:$0x1]  }
0x3: {  	s2 =	rddreg [dreg:$0x2]  }
0x4: {  	s5 =	rddreg [dreg:$0x3];
	_ =	strace $0x80000053;
	s1 =	simm.s32 $0x1  }
0x5: {  	s3 =	simm.s32 $0x88;
	v0 =	vimm.s32 $0x0;
	[sflag:s1] =	ssyncpa.u1 $0x0  }
0x6: {  	[tilespmem:s3+$0x30] =	vst v0  }
0x7: {  	s1 =	sadd.s32 $0x19800, s4;
	[tilespmem:s3+$0x20] =	vst v0  }
0x8: {  	s6 =	sadd.s32 $0x1ACDA00, s4;
	s7 =	sand.u32 $0x1, s5;
	s4 =	simm.s32 $0x40;
	[tilespmem:s3+$0x10] =	vst v0  }
.LBB2_1:
0x9: {  	s4 =	sadd.s32 $0x40, s4  }
0xa: {  	[tilespmem:s3+$0x0] =	vst v0;
	s3 =	sadd.s32 $0x40, s3;
	p0 =	slt.u32 s4, $0x5040  }
.Ltmp0:
0xb: {  	(pc) =	sbr.rel @p0 .LBB2_1-.Ltmp0, $4  }
0xc: {  	_ = 	snop  }
0xd: {  	[tilespmem:s3+$0x30] =	vst v0  }
0xe: {  	[tilespmem:s3+$0x20] =	vst v0  }
0xf: {  	[tilespmem:s3+$0x10] =	vst v0  }
0x10: {  	s8 =	stileid.u32  }
0x11: {  	s4 =	smul.u32 $0x4E, s8  }
0x12: {  	s5 =	smin.u32 s8, $0x2  }
0x13: {  	s4 =	sadd.s32 s5, s4  }
0x14: {  	p0 =	slt.u32 s8, $0x2;
	s12 =	smul.u32 $0x140, s4;
	s4 =	simm.s32 $0x62C0  }
0x15: {  	s4 =	simm.s32 @!p0 $0x6180  }
0x16: {  	s25 =	simm.s32 $0x2;
	s4 =	sadd.s32 s4, s12  }
0x17: {  	s28 =	simm.s32 $0x9;
	s9 =	simm.s32 $0xA;
	s14 =	smin.u32 s4, $0x61A80  }
0x18: {  	s30 =	simm.s32 $0xB;
	[dreg:$0x6] =	wrdreg s7;
	s4 =	ssub.s32 s14, s12  }
0x19: {  	s31 =	smul.u32 $0xC350, s7;
	s13 =	simm.s32 $0x1;
	p0 =	sgt.s32 s4, $0x0  }
0x1a: {  	s19 =	simm.s32 $0x0;
	s20 =	simm.s32 $0xA808;
	s4 =	simm.s32 @!p0 $0x0  }
0x1b: {  	s21 =	simm.s32 $0xFFFFFFFF;
	p1 =	por $0x0, $0x0;
	s26 =	smulhi.u32 $0x66666667, s4  }
0x1c: {  	[tilespmem:s3+$0x0] =	vst v0;
	s23 =	simm.s32 $0x0;
	[sflag:s25] =	ssyncpa.u1 $0x0;
	s18 =	sshll.u32 s8, $0x7  }
0x1d: {  	s0 =	sadd.s32 s31, s0;
	[dreg:$0xc] =	wrdreg s18;
	s3 =	sshrl.u32 s26, $0x7  }
0x1e: {  	v0 =	vimm.s32 $0xFFFFFFFF;
	s17 =	sadd.s32 s31, s2;
	[dreg:$0xb] =	wrdreg s0;
	s29 =	smul.u32 $0x140, s3  }
0x1f: {  	s25 =	simm.s32 $0x0;
	[tilespmem:$0xA108] =	vst v0;
	[sflag:s28] =	ssyncpa.u1 $0x0;
	[dreg:$0xa] =	wrdreg s17  }
.Ltmp1:
0x20: {  	p0 =	sne.s32 s4, s29;
	s4 =	simm.s32 $0x1;
	(pc) =	sbr.rel .LBB2_3-.Ltmp1, $4  }
0x21: {  	[sflag:s9] =	ssyncpa.u1 $0x0;
	[dreg:$0x7] =	wrdreg s12;
	s4 =	simm.s32 @!p0 $0x0  }
0x22: {  	[sflag:s30] =	ssyncpa.u1 $0x0;
	[dreg:$0x8] =	wrdreg s14;
	s15 =	sadd.s32 s4, s3  }
0x23: {  	s24 =	smov.u32 s12;
	s22 =	sadd.s32 $0x1, s15;
	[dreg:$0x9] =	wrdreg s15  }
0x24: {  	v0 =	vlaneseq.u32;
	s26 =	simm.s32 $0x0;
	p0 =	por $0x1, $0x1;
	[dreg:$0xd] =	wrdreg s22  }
.LBB2_22:
0x25: {  	s0 =	sshrl.u32 s3, $0x2  }
.LBB2_24:
0x26: {  	s3 =	simm.s32 $0xC  }
0x27: {  	_ =	swait.ge [sflag:s3], s0  }
0x28: {  	s31 =	ssub.s32 $0x0, s0;
	v1 =	vmov s4;
	vm0 =	veq.s32 v0, $0x0;
	[sflag:s3] =	ssyncset.done $0x0  }
0x29: {  	vm15 =	veq.s32 v0, $0x2;
	v1 =	vsel vm0, s2, v1;
	[sflag:s3] =	ssyncadd.s32 s31  }
0x2a: {  	v1 =	vsel vm15, s26, v1;
	[sflag:s3] =	ssyncpa.u1 $0x1  }
0x2b: {  	[tilespmem:$0xA108] =	vst v1  }
.LBB2_25:
0x2c: {  	s0 =	sadd.s32 $0x140, s24  }
0x2d: {  	s2 =	smov.u32 s12;
	p2 =	slt.s32 s0, s14  }
0x2e: {  	s2 =	smov.u32 @p2 s0;
	p2 =	sne.s32 s25, s22  }
.Ltmp2:
0x2f: {  	_ = 	snop;
	(pc) =	sbr.rel @!p2 .LBB2_26-.Ltmp2, $4  }
0x30: {  	_ = 	snop  }
0x31: {  	s26 =	smov.u32 s23;
	s31 =	sadd.s32 $0x1, s25;
	p0 =	por !p0, !p0  }
0x32: {  	s23 =	smov.u32 s24;
	s20 =	sadd.s32 $0x140, s20;
	s21 =	sadd.s32 $0x1, s21  }
0x33: {  	p1 =	por !p1, !p1;
	s25 =	smov.u32 s31;
	s24 =	smov.u32 s2  }
.LBB2_3:
0x34: {  	p2 =	sge.u32 s25, s15  }
0x35: {  	s0 =	smulhi.u32 @!p2 $0xAAAAAAAB, s25  }
0x36: {  	s2 =	smov.u32 s24;
	p3 =	sgt.s32 @!p2 s24, $0x61940  }
0x37: {  	s3 =	sshra.s32 @!p2 s24, $0x1F;
	p3 =	por !p3, p2;
	s0 =	sshrl.u32 @!p2 s0, $0x1  }
0x38: {  	s3 =	sand.u32 @!p2 s3, s24;
	s2 =	simm.s32 @p3 $0x61940;
	s0 =	smul.u32 @!p2 $0x3, s0  }
0x39: {  	s2 =	ssub.s32 @!p2 s2, s3  }
0x3a: {  	s2 =	sadd.s32 @!p2 $0xFFF9E6C0, s2;
	s0 =	ssub.s32 @!p2 s25, s0  }
0x3b: {  	s3 =	sshll.u32 @!p2 s2, $0x2;
	p3 =	sgt.s32 @!p2 s2, $0x13F;
	s0 =	smul.u32 @!p2 $0x500, s0  }
0x3c: {  	s4 =	sand.u32 @!p2 $0x7, s24;
	s2 =	ssub.s32 @!p2 $0x500, s3;
	p3 =	por !p3, p2  }
0x3d: {  	s3 =	sshrl.u32 @!p2 s24, $0x3;
	s2 =	sshrl.u32 @!p2 s2, $0x2;
	s0 =	sshrl.u32 @!p2 s0, $0x2  }
0x3e: {  	s3 =	sadd.s32 @!p2 s3, s17;
	s2 =	simm.s32 @!p3 $0x0;
	s0 =	sadd.s32 @!p2 $0xA948, s0  }
0x3f: {  	[tilespmem:s0], [sflag:$0xA] =	stream.linear.gather @!p2 [hbm4b:s3+s4], s2, $0x38;
	[tilespmem:$0x1EF88] =	vst v63  }
0x40: {  	s0 =	sadd.s32 $0xFFFFFFFF, s25  }
0x41: {  	p2 =	sge.u32 s0, s15  }
.Ltmp3:
0x42: {  	_ = 	snop;
	(pc) =	sbr.rel @p2 .LBB2_7-.Ltmp3, $1  }
0x43: {  	_ =	sdelay $0x3  }
0x44: {  	p2 =	sgt.s32 s23, $0x61940;
	s2 =	smov.u32 s23;
	s3 =	sshra.s32 s23, $0x1F  }
0x45: {  	s2 =	simm.s32 @!p2 $0x61940;
	s3 =	sand.u32 s3, s23  }
0x46: {  	s17 =	smulhi.u32 $0xAAAAAAAB, s21;
	s2 =	ssub.s32 s2, s3  }
0x47: {  	s0 =	sand.u32 $0x1, s0;
	s2 =	sadd.s32 $0xFFF9E6C0, s2  }
0x48: {  	s5 =	simm.s32 $0xA;
	s3 =	sshrl.u32 s17, $0x1;
	s4 =	sshll.u32 s2, $0x2  }
0x49: {  	s7 =	sshrl.u32 s23, $0x3;
	s3 =	smul.u32 $0xFFFFF100, s3;
	s4 =	ssub.s32 $0x500, s4  }
0x4a: {  	s18 =	smul.u32 $0x500, s0;
	p2 =	sgt.s32 s2, $0x13F;
	s2 =	sshrl.u32 s4, $0x2  }
0x4b: {  	s9 =	sand.u32 $0x7, s23;
	s3 =	sshra.s32 s3, $0x2;
	s2 =	simm.s32 @p2 $0x0  }
0x4c: {  	s0 =	sadd.s32 s3, s20;
	s4 =	sshrl.u32 s18, $0x2;
	_ =	swait.ge [sflag:s5], s2  }
0x4d: {  	s22 =	ssub.s32 $0x0, s2;
	[sflag:s5] =	ssyncset.done $0x0;
	s8 =	rddreg [dreg:$0xb]  }
0x4e: {  	s4 =	sadd.s32 $0xAD08, s4;
	[sflag:s5] =	ssyncadd.s32 s22;
	s3 =	sadd.s32 s7, s8  }
0x4f: {  	[tilespmem:s4], [sflag:$0xB] =	stream.linear.gather [hbm4b:s3+s9], s2, $0x38;
	[tilespmem:$0x1EF88] =	vst v63  }
0x50: {  	v1 =	vld.msk [tilespmem:s0+$0x0], $0xffff;
	_ =	sdelay $0x4  }
0x51: {  	v1 =	vshll.u32 v1, $0x4  }
0x52: {  	(v2sf) =	vpush v1, $0x0  }
0x53: {  	(v2sf) =	vpush v1, $0x1  }
0x54: {  	(v2sf) =	vpush v1, $0x2;
	_ =	sdelay $0x3  }
0x55: {  	(v2sf) =	vpush v1, $0x3;
	_ =	sdelay $0x1  }
0x56: {  	(v2sf) =	vpush v1, $0x4  }
0x57: {  	s2 =	simm.s32 $0x1;
	(v2sf) =	vpush v1, $0x5  }
0x58: {  	s2 =	simm.s32 @!p0 $0x0  }
0x59: {  	s2 =	smul.u32 $0x28000, s2;
	(v2sf) =	vpush v1, $0x6;
	_ =	sdelay $0x1  }
0x5a: {  	s2 =	sshrl.u32 s2, $0x2  }
0x5b: {  	s28 =	sadd.s32 $0xB708, s2  }
0x5c: {  	s12 =	sadd.s32 $0xFFFFF880, s28;
	s17 =	sadd.s32 $0xFFFFF900, s28;
	s10 =	spop (v2sf);
	(v2sf) =	vpush v1, $0x7  }
0x5d: {  	s18 =	sadd.s32 $0xFFFFF980, s28;
	s11 =	sand.u32 $0x1FFFFFF0, s10;
	s14 =	spop (v2sf)  }
0x5e: {  	(v2sf) =	vpush v1, $0x8;
	s2 =	sadd.s32 s6, s11;
	s15 =	sand.u32 $0x1FFFFFF0, s14;
	s16 =	spop (v2sf)  }
0x5f: {  	[tilespmem:s12], [sflag:$0x9] =	stream.linear.gather [hbm4b:s2+s19], $0x40, $0x38;
	[tilespmem:$0x1EF88] =	vst v63  }
0x60: {  	s5 =	sadd.s32 $0xFFFFFA00, s28;
	s2 =	sadd.s32 s6, s15;
	s3 =	sand.u32 $0x1FFFFFF0, s16  }
0x61: {  	(v2sf) =	vpush v1, $0x9;
	[tilespmem:s17], [sflag:$0x9] =	stream.linear.gather [hbm4b:s2+s19], $0x40, $0x38;
	[tilespmem:$0x1EF88] =	vst v63  }
0x62: {  	s7 =	sadd.s32 $0xFFFFFA80, s28;
	s22 =	spop (v2sf);
	s3 =	sadd.s32 s6, s3  }
0x63: {  	(v2sf) =	vpush v1, $0xA;
	[tilespmem:s18], [sflag:$0x9] =	stream.linear.gather [hbm4b:s3+s19], $0x40, $0x38;
	[tilespmem:$0x1EF88] =	vst v63  }
0x64: {  	s11 =	sadd.s32 $0xFFFFFB00, s28;
	s4 =	spop (v2sf);
	(v2sf) =	vpush v1, $0xB;
	s3 =	sand.u32 $0x1FFFFFF0, s22  }
0x65: {  	s8 =	spop (v2sf);
	s2 =	sadd.s32 s6, s3;
	s3 =	sand.u32 $0x1FFFFFF0, s4  }
0x66: {  	(v2sf) =	vpush v1, $0xC;
	[tilespmem:s5], [sflag:$0x9] =	stream.linear.gather [hbm4b:s2+s19], $0x40, $0x38;
	[tilespmem:$0x1EF88] =	vst v63  }
0x67: {  	s9 =	sand.u32 $0x1FFFFFF0, s8;
	s10 =	spop (v2sf);
	s3 =	sadd.s32 s6, s3  }
0x68: {  	(v2sf) =	vpush v1, $0xD;
	[tilespmem:s7], [sflag:$0x9] =	stream.linear.gather [hbm4b:s3+s19], $0x40, $0x38;
	[tilespmem:$0x1EF88] =	vst v63  }
0x69: {  	s12 =	sadd.s32 $0xFFFFFB80, s28;
	s2 =	sadd.s32 s6, s9;
	s3 =	sand.u32 $0x1FFFFFF0, s10  }
0x6a: {  	[tilespmem:s11], [sflag:$0x9] =	stream.linear.gather [hbm4b:s2+s19], $0x40, $0x38;
	[tilespmem:$0x1EF88] =	vst v63  }
0x6b: {  	s17 =	sadd.s32 $0xFFFFFC00, s28;
	s3 =	sadd.s32 s6, s3;
	s14 =	spop (v2sf)  }
0x6c: {  	[tilespmem:s12], [sflag:$0x9] =	stream.linear.gather [hbm4b:s3+s19], $0x40, $0x38;
	(v2sf) =	vpush v1, $0xE;
	[tilespmem:$0x1EF88] =	vst v63  }
0x6d: {  	s18 =	sadd.s32 $0xFFFFFC80, s28;
	s15 =	sand.u32 $0x1FFFFFF0, s14;
	s16 =	spop (v2sf)  }
0x6e: {  	s5 =	sadd.s32 $0xFFFFFD00, s28;
	(v2sf) =	vpush v1, $0xF;
	s2 =	sadd.s32 s6, s15;
	s3 =	sand.u32 $0x1FFFFFF0, s16  }
0x6f: {  	[tilespmem:s17], [sflag:$0x9] =	stream.linear.gather [hbm4b:s2+s19], $0x40, $0x38;
	[tilespmem:$0x1EF88] =	vst v63  }
0x70: {  	s7 =	sadd.s32 $0xFFFFFD80, s28;
	s22 =	spop (v2sf);
	s3 =	sadd.s32 s6, s3  }
0x71: {  	[tilespmem:s18], [sflag:$0x9] =	stream.linear.gather [hbm4b:s3+s19], $0x40, $0x38;
	[tilespmem:$0x1EF88] =	vst v63  }
0x72: {  	s11 =	sadd.s32 $0xFFFFFE00, s28;
	s4 =	spop (v2sf);
	s3 =	sand.u32 $0x1FFFFFF0, s22  }
0x73: {  	s8 =	spop (v2sf);
	s2 =	sadd.s32 s6, s3;
	s3 =	sand.u32 $0x1FFFFFF0, s4  }
0x74: {  	[tilespmem:s5], [sflag:$0x9] =	stream.linear.gather [hbm4b:s2+s19], $0x40, $0x38;
	[tilespmem:$0x1EF88] =	vst v63  }
0x75: {  	s9 =	sand.u32 $0x1FFFFFF0, s8;
	s10 =	spop (v2sf);
	s3 =	sadd.s32 s6, s3  }
0x76: {  	[tilespmem:s7], [sflag:$0x9] =	stream.linear.gather [hbm4b:s3+s19], $0x40, $0x38;
	[tilespmem:$0x1EF88] =	vst v63  }
0x77: {  	s14 =	spop (v2sf);
	s2 =	sadd.s32 s6, s9;
	s3 =	sand.u32 $0x1FFFFFF0, s10  }
0x78: {  	[tilespmem:s11], [sflag:$0x9] =	stream.linear.gather [hbm4b:s2+s19], $0x40, $0x38;
	[tilespmem:$0x1EF88] =	vst v63  }
0x79: {  	s12 =	sadd.s32 $0xFFFFFE80, s28;
	s15 =	sand.u32 $0x1FFFFFF0, s14;
	s3 =	sadd.s32 s6, s3  }
0x7a: {  	[tilespmem:s12], [sflag:$0x9] =	stream.linear.gather [hbm4b:s3+s19], $0x40, $0x38;
	[tilespmem:$0x1EF88] =	vst v63  }
0x7b: {  	s17 =	sadd.s32 $0xFFFFFF00, s28;
	s2 =	sadd.s32 s6, s15;
	s16 =	spop (v2sf)  }
0x7c: {  	[tilespmem:s17], [sflag:$0x9] =	stream.linear.gather [hbm4b:s2+s19], $0x40, $0x38;
	[tilespmem:$0x1EF88] =	vst v63  }
0x7d: {  	s29 =	simm.s32 $0x0;
	s3 =	sand.u32 $0x1FFFFFF0, s16;
	s18 =	spop (v2sf)  }
0x7e: {  	s22 =	sadd.s32 $0xFFFFFF80, s28;
	s3 =	sadd.s32 s6, s3;
	s2 =	sand.u32 $0x1FFFFFF0, s18  }
0x7f: {  	[tilespmem:s22], [sflag:$0x9] =	stream.linear.gather [hbm4b:s3+s19], $0x40, $0x38;
	[tilespmem:$0x1EF88] =	vst v63  }
0x80: {  	s31 =	sadd.s32 $0x10, s0;
	s30 =	sadd.s32 $0x800, s28;
	s2 =	sadd.s32 s6, s2  }
.LBB2_5:
0x81: {  	[tilespmem:s28], [sflag:$0x9] =	stream.linear.gather [hbm4b:s2+s19], $0x40, $0x38;
	[tilespmem:$0x1EF88] =	vst v63  }
0x82: {  	s29 =	sadd.s32 $0x10, s29;
	s28 =	smov.u32 s30  }
0x83: {  	p2 =	slt.u32 s29, $0x130;
	v1 =	vld.msk [tilespmem:s31+$0x0], $0xffff;
	_ =	sdelay $0x4  }
0x84: {  	v1 =	vshll.u32 v1, $0x4  }
0x85: {  	(v2sf) =	vpush v1, $0x0  }
0x86: {  	(v2sf) =	vpush v1, $0x1  }
0x87: {  	(v2sf) =	vpush v1, $0x2;
	_ =	sdelay $0x1  }
0x88: {  	(v2sf) =	vpush v1, $0x3;
	_ =	sdelay $0x1  }
0x89: {  	(v2sf) =	vpush v1, $0x4;
	_ =	sdelay $0x1  }
0x8a: {  	(v2sf) =	vpush v1, $0x5;
	_ =	sdelay $0x1  }
0x8b: {  	(v2sf) =	vpush v1, $0x6  }
0x8c: {  	s4 =	sadd.s32 $0xFFFFFE80, s30;
	s0 =	sadd.s32 $0xFFFFFF00, s30  }
0x8d: {  	s3 =	sadd.s32 $0xFFFFFD00, s30;
	s2 =	sadd.s32 $0xFFFFFD80, s30;
	s5 =	sadd.s32 $0xFFFFFE00, s30;
	(v2sf) =	vpush v1, $0x7  }
0x8e: {  	s10 =	sadd.s32 $0xFFFFFB80, s30;
	s9 =	sadd.s32 $0xFFFFFC00, s30;
	s16 =	sadd.s32 $0xFFFFFC80, s30  }
0x8f: {  	s11 =	sadd.s32 $0xFFFFFA00, s30;
	s12 =	sadd.s32 $0xFFFFFA80, s30;
	s15 =	sadd.s32 $0xFFFFFB00, s30;
	(v2sf) =	vpush v1, $0x8  }
0x90: {  	s18 =	sadd.s32 $0xFFFFF900, s30;
	s7 =	sadd.s32 $0xFFFFF980, s30;
	s22 =	spop (v2sf)  }
0x91: {  	s8 =	sadd.s32 $0xFFFFF880, s30;
	s22 =	sand.u32 $0x1FFFFFF0, s22;
	s14 =	spop (v2sf);
	(v2sf) =	vpush v1, $0x9  }
0x92: {  	s22 =	sadd.s32 s6, s22;
	s14 =	sand.u32 $0x1FFFFFF0, s14;
	s17 =	spop (v2sf)  }
0x93: {  	[tilespmem:s8], [sflag:$0x9] =	stream.linear.gather [hbm4b:s22+s19], $0x40, $0x38;
	(v2sf) =	vpush v1, $0xA;
	[tilespmem:$0x1EF88] =	vst v63  }
0x94: {  	s8 =	sadd.s32 s6, s14;
	s14 =	sand.u32 $0x1FFFFFF0, s17;
	s17 =	spop (v2sf)  }
0x95: {  	[tilespmem:s18], [sflag:$0x9] =	stream.linear.gather [hbm4b:s8+s19], $0x40, $0x38;
	(v2sf) =	vpush v1, $0xB;
	[tilespmem:$0x1EF88] =	vst v63  }
0x96: {  	s8 =	sadd.s32 s6, s14;
	s14 =	sand.u32 $0x1FFFFFF0, s17;
	s17 =	spop (v2sf)  }
0x97: {  	[tilespmem:s7], [sflag:$0x9] =	stream.linear.gather [hbm4b:s8+s19], $0x40, $0x38;
	(v2sf) =	vpush v1, $0xC;
	[tilespmem:$0x1EF88] =	vst v63  }
0x98: {  	s7 =	sadd.s32 s6, s14;
	s8 =	sand.u32 $0x1FFFFFF0, s17;
	s14 =	spop (v2sf)  }
0x99: {  	[tilespmem:s11], [sflag:$0x9] =	stream.linear.gather [hbm4b:s7+s19], $0x40, $0x38;
	(v2sf) =	vpush v1, $0xD;
	[tilespmem:$0x1EF88] =	vst v63  }
0x9a: {  	s7 =	sadd.s32 s6, s8;
	s8 =	sand.u32 $0x1FFFFFF0, s14;
	s11 =	spop (v2sf)  }
0x9b: {  	[tilespmem:s12], [sflag:$0x9] =	stream.linear.gather [hbm4b:s7+s19], $0x40, $0x38;
	(v2sf) =	vpush v1, $0xE;
	[tilespmem:$0x1EF88] =	vst v63  }
0x9c: {  	s7 =	sadd.s32 s6, s8;
	s8 =	sand.u32 $0x1FFFFFF0, s11;
	s11 =	spop (v2sf)  }
0x9d: {  	[tilespmem:s15], [sflag:$0x9] =	stream.linear.gather [hbm4b:s7+s19], $0x40, $0x38;
	(v2sf) =	vpush v1, $0xF;
	[tilespmem:$0x1EF88] =	vst v63  }
0x9e: {  	s7 =	sadd.s32 s6, s8;
	s8 =	sand.u32 $0x1FFFFFF0, s11;
	s11 =	spop (v2sf)  }
0x9f: {  	[tilespmem:s10], [sflag:$0x9] =	stream.linear.gather [hbm4b:s7+s19], $0x40, $0x38;
	[tilespmem:$0x1EF88] =	vst v63  }
0xa0: {  	s7 =	sadd.s32 s6, s8;
	s8 =	sand.u32 $0x1FFFFFF0, s11;
	s10 =	spop (v2sf)  }
0xa1: {  	[tilespmem:s9], [sflag:$0x9] =	stream.linear.gather [hbm4b:s7+s19], $0x40, $0x38;
	[tilespmem:$0x1EF88] =	vst v63  }
0xa2: {  	s7 =	sadd.s32 s6, s8;
	s8 =	sand.u32 $0x1FFFFFF0, s10;
	s9 =	spop (v2sf)  }
0xa3: {  	[tilespmem:s16], [sflag:$0x9] =	stream.linear.gather [hbm4b:s7+s19], $0x40, $0x38;
	[tilespmem:$0x1EF88] =	vst v63  }
0xa4: {  	s7 =	sadd.s32 s6, s8;
	s8 =	sand.u32 $0x1FFFFFF0, s9;
	s9 =	spop (v2sf)  }
0xa5: {  	[tilespmem:s3], [sflag:$0x9] =	stream.linear.gather [hbm4b:s7+s19], $0x40, $0x38;
	[tilespmem:$0x1EF88] =	vst v63  }
0xa6: {  	s3 =	sadd.s32 s6, s8;
	s7 =	sand.u32 $0x1FFFFFF0, s9;
	s8 =	spop (v2sf)  }
0xa7: {  	[tilespmem:s2], [sflag:$0x9] =	stream.linear.gather [hbm4b:s3+s19], $0x40, $0x38;
	[tilespmem:$0x1EF88] =	vst v63  }
0xa8: {  	s2 =	sadd.s32 s6, s7;
	s3 =	sand.u32 $0x1FFFFFF0, s8;
	s7 =	spop (v2sf)  }
0xa9: {  	[tilespmem:s5], [sflag:$0x9] =	stream.linear.gather [hbm4b:s2+s19], $0x40, $0x38;
	[tilespmem:$0x1EF88] =	vst v63  }
0xaa: {  	s2 =	sadd.s32 s6, s3;
	s3 =	sand.u32 $0x1FFFFFF0, s7;
	s5 =	spop (v2sf)  }
0xab: {  	[tilespmem:s4], [sflag:$0x9] =	stream.linear.gather [hbm4b:s2+s19], $0x40, $0x38;
	[tilespmem:$0x1EF88] =	vst v63  }
0xac: {  	s2 =	sadd.s32 s6, s3  }
.Ltmp4:
0xad: {  	s3 =	sand.u32 $0x1FFFFFF0, s5;
	s4 =	spop (v2sf);
	(pc) =	sbr.rel @p2 .LBB2_5-.Ltmp4, $4  }
0xae: {  	[tilespmem:s0], [sflag:$0x9] =	stream.linear.gather [hbm4b:s2+s19], $0x40, $0x38;
	[tilespmem:$0x1EF88] =	vst v63  }
0xaf: {  	s0 =	sadd.s32 s6, s3;
	s2 =	sadd.s32 $0xFFFFFF80, s30;
	s3 =	sand.u32 $0x1FFFFFF0, s4  }
0xb0: {  	[tilespmem:s2], [sflag:$0x9] =	stream.linear.gather [hbm4b:s0+s19], $0x40, $0x38;
	[tilespmem:$0x1EF88] =	vst v63  }
0xb1: {  	s31 =	sadd.s32 $0x10, s31;
	s30 =	sadd.s32 $0x800, s30;
	s2 =	sadd.s32 s6, s3  }
0xb2: {  	[tilespmem:s28], [sflag:$0x9] =	stream.linear.gather [hbm4b:s2+s19], $0x40, $0x38;
	[tilespmem:$0x1EF88] =	vst v63  }
0xb3: {  	s12 =	rddreg [dreg:$0x7]  }
0xb4: {  	s14 =	rddreg [dreg:$0x8]  }
0xb5: {  	s15 =	rddreg [dreg:$0x9]  }
0xb6: {  	s17 =	rddreg [dreg:$0xa]  }
0xb7: {  	s18 =	rddreg [dreg:$0xc]  }
0xb8: {  	s22 =	rddreg [dreg:$0xd]  }
.LBB2_7:
0xb9: {  	p2 =	slt.u32 s25, $0x2  }
.Ltmp5:
0xba: {  	_ = 	snop;
	(pc) =	sbr.rel @p2 .LBB2_25-.Ltmp5, $1  }
0xbb: {  	_ =	sdelay $0x3  }
0xbc: {  	p2 =	sgt.s32 s26, $0x61940;
	s0 =	smov.u32 s26;
	s2 =	sshra.s32 s26, $0x1F  }
0xbd: {  	s0 =	simm.s32 @!p2 $0x61940;
	s2 =	sand.u32 s2, s26  }
0xbe: {  	s0 =	ssub.s32 s0, s2  }
0xbf: {  	s0 =	sadd.s32 $0xFFF9E6C0, s0  }
0xc0: {  	s3 =	simm.s32 $0x9;
	s29 =	sshll.u32 s0, $0x2  }
0xc1: {  	_ =	swait.ge [sflag:s3], $0x5000;
	s2 =	ssub.s32 $0x500, s29  }
0xc2: {  	[sflag:s3] =	ssyncset.done $0x0;
	p2 =	sgt.s32 s0, $0x13F;
	s0 =	sshrl.u32 s2, $0x2  }
0xc3: {  	s30 =	simm.s32 $0xB;
	[sflag:s3] =	ssyncadd.s32 $0xFFFFB000;
	s0 =	simm.s32 @p2 $0x0  }
0xc4: {  	_ =	swait.ge [sflag:s30], s0  }
0xc5: {  	s0 =	ssub.s32 $0x0, s0;
	[sflag:s30] =	ssyncset.done $0x0  }
0xc6: {  	[sflag:s30] =	ssyncadd.s32 s0  }
0xc7: {  	v1 =	vld [tilespmem:$0xA108];
	_ =	sdelay $0x4  }
0xc8: {  	(v2sf) =	vpush v1, $0x0  }
0xc9: {  	(v2sf) =	vpush v1, $0x1  }
0xca: {  	(v2sf) =	vpush v1, $0x2;
	_ =	sdelay $0x3  }
0xcb: {  	s0 =	sadd.s32 $0x140, s26  }
0xcc: {  	s4 =	ssub.s32 $0xC3500, s26;
	p2 =	slt.s32 s14, s0  }
0xcd: {  	s0 =	smov.u32 @p2 s14;
	p2 =	sgt.s32 s4, $0x0  }
0xce: {  	s0 =	ssub.s32 s0, s26;
	s4 =	simm.s32 @!p2 $0x0  }
0xcf: {  	p2 =	slt.s32 s4, s0  }
0xd0: {  	s0 =	smov.u32 @p2 s4  }
0xd1: {  	s2 =	simm.s32 $0x1;
	p2 =	slt.s32 s0, $0x1  }
.Ltmp6:
0xd2: {  	s2 =	simm.s32 @!p1 $0x0;
	(pc) =	sbr.rel @p2 .LBB2_12-.Ltmp6, $4  }
0xd3: {  	s7 =	smul.u32 $0x500, s2  }
0xd4: {  	s3 =	spop (v2sf)  }
0xd5: {  	s31 =	sshrl.u32 s7, $0x2;
	s5 =	spop (v2sf)  }
0xd6: {  	s28 =	sadd.s32 $0xAD08, s31;
	s26 =	spop (v2sf)  }
0xd7: {  	s4 =	smin.u32 s0, $0x10  }
0xd8: {  	v1 =	vmov s4  }
0xd9: {  	p3 =	sgt.s32 s0, $0x10;
	vm1 =	vgt.u32 v1, v0  }
.Ltmp7:
0xda: {  	_ = 	snop;
	(pc) =	sbr.rel @!p3 .LBB2_11-.Ltmp7, $2  }
0xdb: {  	_ =	sdelay $0x2  }
0xdc: {  	s9 =	simm.s32 $0x10;
	s10 =	sadd.s32 $0xFFFFFFF0, s0;
	s4 =	smov.u32 s28;
	vm0 =	vmmov vm1  }
.LBB2_10:
0xdd: {  	s7 =	smin.u32 s10, $0x10;
	s9 =	sadd.s32 $0x10, s9;
	v1 =	vld.msk [tilespmem:s4+$0x0 ss:$0x1], vm1  }
0xde: {  	v2 =	vmov s7;
	p3 =	slt.s32 s9, s0  }
0xdf: {  	vm1 =	vgt.u32 v2, v0  }
.Ltmp8:
0xe0: {  	(pc) =	sbr.rel @p3 .LBB2_10-.Ltmp8, $3  }
0xe1: {  	_ =	sdelay $0x1  }
0xe2: {  	v1 =	vshll.u32 v1, $0x4  }
0xe3: {  	s10 =	sadd.s32 $0xFFFFFFF0, s10;
	[tilespmem:s4+$0x0] =	vst.msk vm0, v1;
	s4 =	sadd.s32 $0x10, s4;
	vm0 =	vmmov vm1  }
.LBB2_11:
0xe4: {  	_ =	sdelay $0x4  }
0xe5: {  	v1 =	vld.msk [tilespmem:s4+$0x0 ss:$0x1], vm1;
	_ =	sdelay $0x4  }
0xe6: {  	v1 =	vshll.u32 v1, $0x4  }
0xe7: {  	[tilespmem:s4+$0x0] =	vst.msk vm0, v1  }
.LBB2_12:
0xe8: {  	s4 =	sand.u32 $0x1, s25  }
0xe9: {  	s4 =	smul.u32 $0x140, s4  }
0xea: {  	p3 =	sne.s32 s5, $0xFFFFFFFF  }
0xeb: {  	v1 =	vld.msk @!p3 [tilespmem:s4+$0xAD08], $0x1;
	_ =	sdelay $0x4  }
0xec: {  	(v2sf) =	vpush @!p3 v1, $0x0;
	_ =	sdelay $0xc  }
.Ltmp9:
0xed: {  	_ = 	snop;
	(pc) =	sbr.rel @p2 .LBB2_23-.Ltmp9, $4  }
0xee: {  	_ = 	snop  }
0xef: {  	s29 =	spop @!p3 (v2sf)  }
0xf0: {  	s31 =	simm.s32 $0xC;
	s26 =	simm.s32 @!p3 $0x0;
	s4 =	smov.u32 s29  }
0xf1: {  	[sflag:s31] =	ssyncpa.u1 $0x0;
	s29 =	smov.u32 @p3 s3;
	s4 =	smov.u32 @p3 s5  }
0xf2: {  	v1 =	vld.msk [tilespmem:s28+$0x0], $0x1;
	_ =	sdelay $0x4  }
0xf3: {  	(v2sf) =	vpush v1, $0x0;
	_ =	sdelay $0xe  }
0xf4: {  	s2 =	smul.u32 $0x28000, s2;
	s5 =	spop (v2sf)  }
0xf5: {  	s31 =	ssub.s32 $0x0, s0;
	p2 =	seq.s32 s29, s5  }
0xf6: {  	s3 =	smov.u32 s29;
	s2 =	sshrl.u32 s2, $0x2;
	p3 =	sgt.s32 @!p2 s29, $0x0  }
0xf7: {  	s30 =	sadd.s32 $0xAFA8, s2;
	s2 =	sadd.s32 $0x1, s31;
	p3 =	por !p3, p2  }
0xf8: {  	s3 =	simm.s32 @p3 $0x0;
	p3 =	seq.s32 s2, $0x0  }
.Ltmp10:
0xf9: {  	_ = 	snop;
	(pc) =	sbr.rel @p3 .LBB2_15-.Ltmp10, $4  }
0xfa: {  	_ = 	snop  }
0xfb: {  	s0 =	simm.s32 $0x0;
	s9 =	simm.s32 @!p2 $0x1;
	s3 =	smin.u32 @!p2 s3, $0xC34F8  }
0xfc: {  	s10 =	simm.s32 @!p2 $0x50C8;
	s9 =	smov.u32 @p2 s0;
	s7 =	sand.u32 @!p2 $0xFFFF8, s3  }
0xfd: {  	s16 =	sand.u32 @!p2 $0x7, s3;
	s3 =	sadd.s32 $0x1, s28;
	s11 =	sadd.s32 @!p2 s1, s7  }
.LBB2_14:
0xfe: {  	s7 =	smov.u32 s9  }
0xff: {  	[tilespmem:s10], [sflag:$0x2] =	stream.linear.gather @!p2 [hbm4b:s11+s16], $0x40, $0x38;
	[tilespmem:$0x1EF88] =	vst v63  }
0x100: {  	s2 =	sadd.s32 $0x1, s2;
	s8 =	smov.u32 s5;
	v1 =	vld.msk [tilespmem:s3+$0x0], $0x1  }
0x101: {  	p3 =	seq.s32 s2, $0x0;
	_ =	sdelay $0x3  }
0x102: {  	(v2sf) =	vpush v1, $0x0;
	_ =	sdelay $0xe  }
0x103: {  	s5 =	spop (v2sf)  }
0x104: {  	p2 =	seq.s32 s8, s5  }
0x105: {  	p4 =	sgt.s32 @!p2 s8, $0x0;
	s10 =	sshll.u32 @!p2 s9, $0x8;
	s9 =	sadd.s32 @!p2 $0x1, s9  }
.Ltmp11:
0x106: {  	p4 =	por !p4, p2;
	s10 =	sshra.s32 @!p2 s10, $0x2;
	(pc) =	sbr.rel @!p3 .LBB2_14-.Ltmp11, $4  }
0x107: {  	s9 =	smov.u32 @p2 s7;
	s8 =	simm.s32 @p4 $0x0;
	s10 =	sadd.s32 @!p2 $0x50C8, s10  }
0x108: {  	s7 =	smin.u32 @!p2 s8, $0xC34F8  }
0x109: {  	s8 =	sand.u32 @!p2 $0xFFFF8, s7;
	s16 =	sand.u32 @!p2 $0x7, s7  }
0x10a: {  	s3 =	sadd.s32 $0x1, s3;
	s11 =	sadd.s32 @!p2 s1, s8  }
.LBB2_15:
0x10b: {  	[tilespmem:s10], [sflag:$0x2] =	stream.linear.gather @!p2 [hbm4b:s11+s16], $0x40, $0x38;
	[tilespmem:$0x1EF88] =	vst v63  }
.Ltmp12:
0x10c: {  	s2 =	sshll.u32 s9, $0x6;
	(pc) =	sbr.rel .LBB2_16-.Ltmp12, $4  }
0x10d: {  	s3 =	simm.s32 $0x2;
	s2 =	sand.u32 $0x3FFFFFC0, s2  }
0x10e: {  	_ =	swait.ge [sflag:s3], s2  }
0x10f: {  	s2 =	ssub.s32 $0x0, s2;
	[sflag:s3] =	ssyncset.done $0x0  }
0x110: {  	[sflag:s3] =	ssyncadd.s32 s2;
	s3 =	simm.s32 $0x0  }
.LBB2_17:
0x111: {  	v1 =	vld [tilespmem:s30+$0xFFFFFFE0];
	_ =	sdelay $0x4  }
0x112: {  	[tilespmem:s5+$0x88] =	vst.add.f32.msk $0xffff, v1  }
0x113: {  	v1 =	vld [tilespmem:s30+$0xFFFFFFF0];
	_ =	sdelay $0x4  }
0x114: {  	[tilespmem:s5+$0x98] =	vst.add.f32.msk $0xffff, v1  }
0x115: {  	v1 =	vld [tilespmem:s30+$0x0];
	_ =	sdelay $0x4  }
0x116: {  	[tilespmem:s5+$0xA8] =	vst.add.f32.msk $0xffff, v1  }
0x117: {  	v1 =	vld [tilespmem:s30+$0x10];
	_ =	sdelay $0x4  }
0x118: {  	[tilespmem:s5+$0xB8] =	vst.add.f32.msk $0xffff, v1  }
.LBB2_21:
0x119: {  	s31 =	sadd.s32 $0x1, s31  }
0x11a: {  	p2 =	seq.s32 s31, $0x0  }
.Ltmp13:
0x11b: {  	_ = 	snop;
	(pc) =	sbr.rel @p2 .LBB2_22-.Ltmp13, $2  }
0x11c: {  	_ =	sdelay $0x2  }
0x11d: {  	s30 =	sadd.s32 $0x80, s30;
	s28 =	sadd.s32 $0x1, s28;
	s29 =	smov.u32 s2  }
.LBB2_16:
0x11e: {  	v1 =	vld.msk [tilespmem:s28+$0x0], $0x1;
	_ =	sdelay $0x4  }
0x11f: {  	(v2sf) =	vpush v1, $0x0;
	_ =	sdelay $0xe  }
0x120: {  	s2 =	spop (v2sf)  }
0x121: {  	p2 =	sne.s32 s29, s2  }
.Ltmp14:
0x122: {  	_ = 	snop;
	(pc) =	sbr.rel @!p2 .LBB2_17-.Ltmp14, $3  }
0x123: {  	_ =	sdelay $0x1  }
0x124: {  	s5 =	sshll.u32 s26, $0x8  }
0x125: {  	s5 =	sshra.s32 s5, $0x2  }
0x126: {  	p2 =	seq.s32 s29, s4  }
.Ltmp15:
0x127: {  	_ = 	snop;
	(pc) =	sbr.rel @!p2 .LBB2_19-.Ltmp15, $1  }
0x128: {  	_ =	sdelay $0x3  }
.Ltmp16:
0x129: {  	s5 =	sadd.s32 $0x88, s5;
	(pc) =	sbr.rel .LBB2_20-.Ltmp16, $4  }
0x12a: {  	[spmem:s18] =	stream.linear.scatter [tilespmem:s5], [sflag:$0x1], $0x40, $0x38;
	[tilespmem:$0x1EF88] =	vst v63  }
0x12b: {  	_ =	swait.ge [sflag:s13], $0x40  }
0x12c: {  	[sflag:s13] =	ssyncset.done $0x0  }
0x12d: {  	[sflag:s13] =	ssyncadd.s32 $0xFFFFFFC0  }
.LBB2_19:
0x12e: {  	s7 =	sshll.u32 s0, $0x8  }
0x12f: {  	s7 =	sshra.s32 s7, $0x2  }
0x130: {  	v1 =	vld [tilespmem:s7+$0x50C8];
	_ =	sdelay $0x4  }
0x131: {  	[tilespmem:s5+$0x88] =	vst.add.f32.msk $0xffff, v1  }
0x132: {  	v1 =	vld [tilespmem:s7+$0x50D8];
	_ =	sdelay $0x4  }
0x133: {  	[tilespmem:s5+$0x98] =	vst.add.f32.msk $0xffff, v1  }
0x134: {  	v1 =	vld [tilespmem:s7+$0x50E8];
	_ =	sdelay $0x4  }
0x135: {  	[tilespmem:s5+$0xA8] =	vst.add.f32.msk $0xffff, v1  }
0x136: {  	v1 =	vld [tilespmem:s7+$0x50F8];
	_ =	sdelay $0x2  }
0x137: {  	p2 =	sgt.u32 s29, $0xC34F8  }
0x138: {  	s7 =	sand.u32 @!p2 $0xFFFF8, s29  }
0x139: {  	s8 =	sadd.s32 $0x88, s5;
	[tilespmem:s5+$0xB8] =	vst.add.f32.msk $0xffff, v1;
	s5 =	sadd.s32 @!p2 s1, s7;
	s7 =	sand.u32 @!p2 $0x7, s29  }
0x13a: {  	[hbm4b:s5+s7] =	stream.linear.scatter @!p2 [tilespmem:s8], [sflag:$0xC], $0x40, $0x38;
	[tilespmem:$0x1EF88] =	vst v63  }
0x13b: {  	s5 =	simm.s32 $0x0  }
0x13c: {  	s5 =	simm.s32 @!p2 $0x100  }
0x13d: {  	s3 =	sadd.s32 s5, s3  }
.LBB2_20:
0x13e: {  	s5 =	sadd.s32 $0x1, s26  }
0x13f: {  	s7 =	smulhi.u32 $0xCCCCCCCD, s5;
	_ =	sdelay $0x1  }
0x140: {  	v1 =	vld [tilespmem:s30+$0xFFFFFFE0];
	s7 =	sshrl.u32 s7, $0x8  }
0x141: {  	s7 =	smul.u32 $0x140, s7;
	_ =	sdelay $0x1  }
0x142: {  	s26 =	ssub.s32 s5, s7  }
0x143: {  	s5 =	sshll.u32 s26, $0x6  }
0x144: {  	[tilespmem:s5+$0x88] =	vst v1  }
0x145: {  	v1 =	vld [tilespmem:s30+$0xFFFFFFF0];
	_ =	sdelay $0x4  }
0x146: {  	[tilespmem:s5+$0x98] =	vst v1  }
0x147: {  	v1 =	vld [tilespmem:s30+$0x0];
	_ =	sdelay $0x4  }
0x148: {  	[tilespmem:s5+$0xA8] =	vst v1  }
0x149: {  	v1 =	vld [tilespmem:s30+$0x10]  }
.Ltmp17:
0x14a: {  	_ = 	snop;
	(pc) =	sbr.rel .LBB2_21-.Ltmp17, $2  }
0x14b: {  	_ =	sdelay $0x2  }
0x14c: {  	s0 =	sadd.s32 $0x1, s0;
	[tilespmem:s5+$0xB8] =	vst v1  }
.LBB2_23:
.Ltmp18:
0x14d: {  	(pc) =	sbr.rel .LBB2_24-.Ltmp18, $4  }
0x14e: {  	_ = 	snop  }
0x14f: {  	s0 =	simm.s32 $0x2  }
0x150: {  	_ =	swait.ge [sflag:s0], $0x0  }
0x151: {  	s2 =	smov.u32 s29;
	[sflag:s0] =	ssyncset.done $0x0;
	s0 =	simm.s32 $0x0  }
.LBB2_26:
0x152: {  	_ =	sfence.sel $0x180000  }
0x153: {  	s0 =	simm.s32 $0x9;
	[bflag:$0x0] =	sbarrier.arrive $0xFFFF  }
0x154: {  	s24 =	simm.s32 $0xA;
	[sflag:s0] =	ssyncpa.u1 $0x1  }
0x155: {  	s25 =	simm.s32 $0xB;
	[sflag:s24] =	ssyncpa.u1 $0x1  }
0x156: {  	s26 =	simm.s32 $0x2;
	[sflag:s25] =	ssyncpa.u1 $0x1  }
0x157: {  	[sflag:s26] =	ssyncpa.u1 $0x1  }
0x158: {  	v0 =	vld [tilespmem:$0xA108];
	_ =	sdelay $0x4  }
0x159: {  	(v2sf) =	vpush v0, $0x0  }
0x15a: {  	(v2sf) =	vpush v0, $0x1;
	_ =	sdelay $0x1  }
0x15b: {  	(v2sf) =	vpush v0, $0x2;
	_ =	sdelay $0xb  }
0x15c: {  	s0 =	spop (v2sf)  }
0x15d: {  	s2 =	spop (v2sf)  }
0x15e: {  	s3 =	smov.u32 s0;
	p0 =	sne.s32 s0, s2  }
0x15f: {  	s4 =	spop (v2sf);
	s3 =	simm.s32 @!p0 $0xFFFFFFFF  }
0x160: {  	v2 =	vimm.s32 $0x1;
	v3 =	vlaneseq.u32;
	p0 =	seq.s32 s4, $0xFFFFFFFF;
	v1 =	vmov s3  }
0x161: {  	s14 =	stileid.u32;
	v0 =	vperm.xlane v0, v2;
	p1 =	sne.s32 @!p0 s0, s2;
	v1 =	vperm.xlane v1, v3  }
0x162: {  	vm0 =	vcmask $0x3F04;
	s6 =	simm.s32 $0xA108;
	s0 =	simm.s32 @!p0 $0x1;
	p1 =	por !p1, p0  }
0x163: {  	s3 =	sshll.u32 s14, $0x1;
	s2 =	sshll.u32 @!p0 s4, $0x8;
	s0 =	simm.s32 @p1 $0x0;
	v0 =	vsel vm0, v1, v0  }
0x164: {  	s5 =	sor.u32 $0x800, s3;
	s2 =	sshra.s32 @!p0 s2, $0x2;
	s0 =	sor.u32 @!p0 s0, s3;
	[tilespmem:$0xA108] =	vst v0  }
0x165: {  	[spmem:s5] =	stream.linear.scatter [tilespmem:s6], [sflag:$0x1], $0x2, $0x38;
	[tilespmem:$0x1EF88] =	vst v63  }
0x166: {  	s2 =	sadd.s32 @!p0 $0x88, s2;
	s0 =	sshll.u32 @!p0 s0, $0x6  }
0x167: {  	[spmem:s0] =	stream.linear.scatter @!p0 [tilespmem:s2], [sflag:$0x1], $0x40, $0x38;
	[tilespmem:$0x1EF88] =	vst v63  }
0x168: {  	s0 =	simm.s32 @!p0 $0x42  }
0x169: {  	s28 =	simm.s32 $0x1;
	s0 =	simm.s32 @p0 $0x2  }
0x16a: {  	_ =	swait.ge [sflag:s28], s0  }
0x16b: {  	s0 =	ssub.s32 $0x0, s0;
	[sflag:s28] =	ssyncset.done $0x0  }
0x16c: {  	p0 =	sne.s32 s14, $0x0;
	[sflag:s28] =	ssyncadd.s32 s0  }
.Ltmp19:
0x16d: {  	_ =	sfence.stream.spmem;
	(pc) =	sbr.rel @p0 .LBB2_43-.Ltmp19, $4  }
0x16e: {  	s29 =	simm.s32 $0x3;
	[bflag:$0x0] =	sbarrier.arrive $0xFFFF  }
0x16f: {  	s30 =	simm.s32 $0x4;
	[sflag:s29] =	ssyncpa.u1 $0x1  }
0x170: {  	s31 =	simm.s32 $0x3C;
	[sflag:s30] =	ssyncpa.u1 $0x1  }
0x171: {  	s13 =	rddreg [dreg:$0x6];
	[sflag:s31] =	ssyncpa.u1 $0x1  }
0x172: {  	_ =	sfence.stream.spmem;
	s0 =	simm.s32 $0x5  }
0x173: {  	s2 =	simm.s32 $0x800;
	s3 =	simm.s32 $0xA118;
	[sflag:s0] =	ssyncpa.u1 $0x0  }
0x174: {  	[tilespmem:s3], [sflag:$0x5] =	stream.linear.gather [spmem:s2], $0x20, $0x38;
	[tilespmem:$0x1EF88] =	vst v63  }
0x175: {  	s26 =	simm.s32 $0x0;
	s28 =	simm.s32 $0xA138  }
0x176: {  	[tilespmem:s28], [sflag:$0x5] =	stream.linear.gather [spmem:s26], $0x800, $0x38;
	[tilespmem:$0x1EF88] =	vst v63  }
0x177: {  	_ =	swait.ge [sflag:s0], $0x820  }
0x178: {  	[sflag:s0] =	ssyncset.done $0x0  }
0x179: {  	s29 =	simm.s32 $0x0;
	[sflag:s0] =	ssyncadd.s32 $0xFFFFF7E0  }
0x17a: {  	v0 =	vld.msk [tilespmem:s29+$0xA118], $0x1;
	_ =	sdelay $0x1  }
0x17b: {  	s30 =	simm.s32 $0x1  }
0x17c: {  	v1 =	vld.msk [tilespmem:s30+$0xA118], $0x1;
	_ =	sdelay $0x1  }
0x17d: {  	(v2sf) =	vpush v0, $0x0;
	_ =	sdelay $0x2  }
0x17e: {  	(v2sf) =	vpush v1, $0x0;
	_ =	sdelay $0x2  }
0x17f: {  	s31 =	simm.s32 $0x2  }
0x180: {  	v0 =	vld.msk [tilespmem:s31+$0xA118], $0x1;
	_ =	sdelay $0x2  }
0x181: {  	s2 =	simm.s32 $0xFFFFFFFF;
	s3 =	simm.s32 $0xFFFFFFFF;
	s0 =	simm.s32 $0xC  }
.LBB2_28:
0x182: {  	s4 =	smov.u32 s3;
	s5 =	smov.u32 s2  }
0x183: {  	s2 =	sshra.s32 s0, $0x2;
	p1 =	sne.s32 s0, $0x7C;
	s0 =	sadd.s32 $0x4, s0;
	(v2sf) =	vpush v0, $0x0  }
0x184: {  	v0 =	vld.msk [tilespmem:s2+$0xA118], $0x1  }
.Ltmp20:
0x185: {  	(pc) =	sbr.rel @p1 .LBB2_28-.Ltmp20, $4  }
0x186: {  	s3 =	spop (v2sf)  }
0x187: {  	p2 =	sne.s32 s5, $0xFFFFFFFF;
	s2 =	smov.u32 s3  }
0x188: {  	p3 =	seq.s32 s3, $0xFFFFFFFF;
	s2 =	smov.u32 @p2 s5  }
0x189: {  	s3 =	smov.u32 @p3 s4;
	s2 =	smov.u32 @p3 s5  }
0x18a: {  	(v2sf) =	vpush v0, $0x0;
	_ =	sdelay $0x8  }
0x18b: {  	s0 =	spop (v2sf)  }
0x18c: {  	p1 =	sne.s32 s2, $0xFFFFFFFF;
	s4 =	smov.u32 s0  }
0x18d: {  	s6 =	simm.s32 $0x0;
	p2 =	seq.s32 s0, $0xFFFFFFFF;
	s4 =	smov.u32 @p1 s2  }
0x18e: {  	s9 =	simm.s32 $0xA0C8;
	s4 =	smov.u32 @p2 s2;
	s2 =	spop (v2sf)  }
0x18f: {  	s0 =	smov.u32 @p2 s3;
	p1 =	sne.s32 s4, $0xFFFFFFFF;
	s5 =	smov.u32 s2  }
.Ltmp21:
0x190: {  	p2 =	seq.s32 s2, $0xFFFFFFFF;
	s5 =	smov.u32 @p1 s4;
	(pc) =	sbr.rel .LBB2_30-.Ltmp21, $4  }
0x191: {  	s10 =	simm.s32 $0x0;
	s5 =	smov.u32 @p2 s4;
	s7 =	spop (v2sf)  }
0x192: {  	s2 =	smov.u32 @p2 s0;
	p1 =	sne.s32 s5, $0xFFFFFFFF;
	s8 =	smov.u32 s7  }
0x193: {  	s0 =	simm.s32 $0x6;
	p2 =	seq.s32 s7, $0xFFFFFFFF;
	s8 =	smov.u32 @p1 s5  }
0x194: {  	[sflag:s0] =	ssyncpa.u1 $0x0;
	s7 =	smov.u32 @p2 s2;
	s8 =	smov.u32 @p2 s5  }
.LBB2_36:
0x195: {  	p1 =	sgt.u32 s2, $0xC34F8  }
0x196: {  	p2 =	seq.s32 @!p1 s2, s8  }
0x197: {  	p1 =	por p1, p2  }
0x198: {  	p2 =	sne.s32 @!p1 s2, s7  }
0x199: {  	p1 =	por p1, !p2  }
0x19a: {  	s2 =	sshll.u32 @p1 s10, $0x8  }
0x19b: {  	s3 =	sand.u32 @!p1 $0xFFFF8, s2  }
0x19c: {  	s2 =	sand.u32 @!p1 $0x7, s2;
	s3 =	sadd.s32 @!p1 s1, s3  }
0x19d: {  	[tilespmem:s9], [sflag:$0x6] =	stream.linear.gather @!p1 [hbm4b:s3+s2], $0x40, $0x38;
	[tilespmem:$0x1EF88] =	vst v63  }
0x19e: {  	_ =	swait.ge @!p1 [sflag:s0], $0x40  }
0x19f: {  	[sflag:s0] =	ssyncset.done @!p1 $0x0  }
0x1a0: {  	[sflag:s0] =	ssyncadd.s32 @!p1 $0xFFFFFFC0  }
0x1a1: {  	v1 =	vld @!p1 [tilespmem:$0xA0C8];
	_ =	sdelay $0x2  }
0x1a2: {  	s2 =	sshll.u32 @!p1 s10, $0x8  }
0x1a3: {  	s3 =	sshrl.u32 @!p1 s2, $0x2  }
0x1a4: {  	[tilespmem:s3+$0xA138] =	vst.add.f32.msk @!p1 $0xffff, v1  }
0x1a5: {  	v1 =	vld @!p1 [tilespmem:$0xA0D8];
	_ =	sdelay $0x4  }
0x1a6: {  	[tilespmem:s3+$0xA148] =	vst.add.f32.msk @!p1 $0xffff, v1  }
0x1a7: {  	v1 =	vld @!p1 [tilespmem:$0xA0E8];
	_ =	sdelay $0x4  }
0x1a8: {  	[tilespmem:s3+$0xA158] =	vst.add.f32.msk @!p1 $0xffff, v1  }
0x1a9: {  	v1 =	vld @!p1 [tilespmem:$0xA0F8];
	_ =	sdelay $0x4  }
0x1aa: {  	[tilespmem:s3+$0xA168] =	vst.add.f32.msk @!p1 $0xffff, v1  }
0x1ab: {  	s2 =	sshrl.u32 s2, $0x2;
	[tilespmem:s6+$0xA118] =	vst.msk $0x1, v0  }
0x1ac: {  	v0 =	vld [tilespmem:s2+$0xA138];
	_ =	sdelay $0x2  }
0x1ad: {  	s31 =	sshll.u32 s6, $0x8  }
0x1ae: {  	s3 =	sshra.s32 s31, $0x2  }
0x1af: {  	[tilespmem:s3+$0xA138] =	vst v0  }
0x1b0: {  	v0 =	vld [tilespmem:s2+$0xA148];
	_ =	sdelay $0x4  }
0x1b1: {  	[tilespmem:s3+$0xA148] =	vst v0  }
0x1b2: {  	v0 =	vld [tilespmem:s2+$0xA158];
	_ =	sdelay $0x4  }
0x1b3: {  	[tilespmem:s3+$0xA158] =	vst v0  }
0x1b4: {  	v0 =	vld [tilespmem:s2+$0xA168];
	_ =	sdelay $0x4  }
0x1b5: {  	s6 =	sadd.s32 $0x1, s6;
	[tilespmem:s3+$0xA168] =	vst v0  }
.LBB2_37:
0x1b6: {  	s10 =	sadd.s32 $0x1, s10  }
0x1b7: {  	p1 =	sne.s32 s10, $0x20  }
.Ltmp22:
0x1b8: {  	_ = 	snop;
	(pc) =	sbr.rel @!p1 .LBB2_38-.Ltmp22, $1  }
0x1b9: {  	_ =	sdelay $0x3  }
.LBB2_30:
0x1ba: {  	v0 =	vld.msk [tilespmem:s10+$0xA118], $0x1;
	_ =	sdelay $0x4  }
0x1bb: {  	(v2sf) =	vpush v0, $0x0;
	_ =	sdelay $0xe  }
0x1bc: {  	s2 =	spop (v2sf)  }
0x1bd: {  	p1 =	seq.s32 s2, $0xFFFFFFFF  }
.Ltmp23:
0x1be: {  	_ = 	snop;
	(pc) =	sbr.rel @p1 .LBB2_37-.Ltmp23, $1  }
0x1bf: {  	_ =	sdelay $0x3  }
0x1c0: {  	p1 =	slt.s32 s6, $0x1  }
.Ltmp24:
0x1c1: {  	_ = 	snop;
	(pc) =	sbr.rel @p1 .LBB2_36-.Ltmp24, $1  }
0x1c2: {  	_ =	sdelay $0x3  }
0x1c3: {  	s3 =	simm.s32 $0xA118;
	p1 =	por $0x0, $0x0  }
0x1c4: {  	v1 =	vld.msk @!p1 [tilespmem:s3+$0x0], $0x1;
	_ =	sdelay $0x4  }
0x1c5: {  	(v2sf) =	vpush @!p1 v1, $0x0;
	_ =	sdelay $0xd  }
0x1c6: {  	p3 =	sne.s32 s6, $0x1  }
.Ltmp25:
0x1c7: {  	s4 =	spop @!p1 (v2sf);
	(pc) =	sbr.rel @!p3 .LBB2_34-.Ltmp25, $4  }
0x1c8: {  	p2 =	seq.s32 @!p1 s2, s4  }
0x1c9: {  	s4 =	simm.s32 $0x0;
	p2 =	por !p2, p1  }
0x1ca: {  	s11 =	simm.s32 $0xFFFFFFFF;
	s4 =	simm.s32 @p2 $0xFFFFFFFF  }
0x1cb: {  	s5 =	simm.s32 $0x1;
	s4 =	smov.u32 @p1 s11  }
.LBB2_33:
0x1cc: {  	s11 =	smov.u32 s4;
	p1 =	sne.s32 s4, $0xFFFFFFFF  }
0x1cd: {  	s3 =	sadd.s32 $0x1, s3;
	s4 =	smov.u32 s5;
	s5 =	sadd.s32 $0x1, s5  }
0x1ce: {  	p2 =	sne.s32 s6, s5;
	v1 =	vld.msk @!p1 [tilespmem:s3+$0x0], $0x1;
	_ =	sdelay $0x4  }
0x1cf: {  	(v2sf) =	vpush @!p1 v1, $0x0;
	_ =	sdelay $0xe  }
.Ltmp26:
0x1d0: {  	s12 =	spop @!p1 (v2sf);
	(pc) =	sbr.rel @p2 .LBB2_33-.Ltmp26, $4  }
0x1d1: {  	p3 =	seq.s32 @!p1 s2, s12  }
0x1d2: {  	p3 =	por !p3, p1  }
0x1d3: {  	s4 =	simm.s32 @p3 $0xFFFFFFFF  }
0x1d4: {  	s4 =	smov.u32 @p1 s11  }
.LBB2_34:
0x1d5: {  	p1 =	seq.s32 s4, $0xFFFFFFFF  }
.Ltmp27:
0x1d6: {  	_ = 	snop;
	(pc) =	sbr.rel @p1 .LBB2_36-.Ltmp27, $1  }
0x1d7: {  	_ =	sdelay $0x3  }
0x1d8: {  	s2 =	sshll.u32 s10, $0x6  }
0x1d9: {  	s2 =	sand.u32 $0x3FFFFFC0, s2  }
0x1da: {  	v0 =	vld [tilespmem:s2+$0xA138];
	_ =	sdelay $0x2  }
0x1db: {  	s3 =	sshll.u32 s4, $0x8  }
0x1dc: {  	s3 =	sshra.s32 s3, $0x2  }
0x1dd: {  	[tilespmem:s3+$0xA138] =	vst.add.f32.msk $0xffff, v0  }
0x1de: {  	v0 =	vld [tilespmem:s2+$0xA148];
	_ =	sdelay $0x4  }
0x1df: {  	[tilespmem:s3+$0xA148] =	vst.add.f32.msk $0xffff, v0  }
0x1e0: {  	v0 =	vld [tilespmem:s2+$0xA158];
	_ =	sdelay $0x4  }
0x1e1: {  	[tilespmem:s3+$0xA158] =	vst.add.f32.msk $0xffff, v0  }
0x1e2: {  	v0 =	vld [tilespmem:s2+$0xA168]  }
.Ltmp28:
0x1e3: {  	_ = 	snop;
	(pc) =	sbr.rel .LBB2_37-.Ltmp28, $2  }
0x1e4: {  	_ =	sdelay $0x2  }
0x1e5: {  	[tilespmem:s3+$0xA168] =	vst.add.f32.msk $0xffff, v0  }
.LBB2_38:
0x1e6: {  	s0 =	simm.s32 $0x6;
	p1 =	seq.s32 s6, $0x0  }
0x1e7: {  	[sflag:s0] =	ssyncpa.u1 $0x1;
	v0 =	vimm.s32 @p1 $0xFFFFFFFF  }
0x1e8: {  	s0 =	sadd.s32 $0xFFFFFFFF, s6;
	[tilespmem:$0xA938] =	vst @p1 v0  }
0x1e9: {  	v0 =	vld.msk @!p1 [tilespmem:s0+$0xA118], $0x1;
	_ =	sdelay $0x1  }
0x1ea: {  	v1 =	vld.msk @!p1 [tilespmem:$0xA118], $0x1;
	_ =	sdelay $0x2  }
0x1eb: {  	p2 =	seq.s32 @!p1 s0, $0x0;
	v0 =	vbroadcast @!p1 v0, $0x0  }
0x1ec: {  	vm0 =	vmmov @!p1 $0x1;
	p2 =	por !p2, p1  }
0x1ed: {  	v1 =	vnsel @!p1 vm0, $0xFFFFFFFF, v1;
	vm0 =	vcmask @!p1 $0x308;
	v0 =	vpsel !p2, $0xFFFFFFFF, v0  }
0x1ee: {  	p2 =	sne.s32 @!p1 s8, s7;
	v0 =	vsel @!p1 vm0, v1, v0  }
0x1ef: {  	s2 =	simm.s32 @!p1 $0xA138;
	s3 =	simm.s32 @!p1 $0x0;
	p3 =	por !p2, p1;
	[tilespmem:$0xA938] =	vst @!p1 v0  }
0x1f0: {  	[spmem:s3] =	stream.linear.scatter @!p1 [tilespmem:s2], [sflag:$0x1], $0x40, $0x38;
	[tilespmem:$0x1EF88] =	vst v63  }
0x1f1: {  	s2 =	sshll.u32 @!p3 s0, $0x8  }
0x1f2: {  	s2 =	sshra.s32 @!p3 s2, $0x2  }
0x1f3: {  	s3 =	simm.s32 @!p3 $0x40;
	s2 =	sadd.s32 @!p3 $0xA138, s2  }
0x1f4: {  	[spmem:s3] =	stream.linear.scatter @!p3 [tilespmem:s2], [sflag:$0x1], $0x40, $0x38;
	[tilespmem:$0x1EF88] =	vst v63  }
0x1f5: {  	s2 =	simm.s32 @!p3 $0x1  }
0x1f6: {  	_ =	swait.ge @!p3 [sflag:s2], $0x80  }
0x1f7: {  	p1 =	por p2, p1;
	[sflag:s2] =	ssyncset.done @!p3 $0x0  }
0x1f8: {  	[sflag:s2] =	ssyncadd.s32 @!p3 $0xFFFFFF80;
	s2 =	simm.s32 @!p1 $0x1  }
0x1f9: {  	_ =	swait.ge @!p1 [sflag:s2], $0x40  }
0x1fa: {  	s29 =	simm.s32 $0xA938;
	[sflag:s2] =	ssyncset.done @!p1 $0x0  }
0x1fb: {  	s30 =	simm.s32 $0x800;
	s31 =	simm.s32 $0x1;
	[sflag:s2] =	ssyncadd.s32 @!p1 $0xFFFFFFC0  }
0x1fc: {  	[spmem:s30] =	stream.linear.scatter [tilespmem:s29], [sflag:$0x1], $0x10, $0x38;
	[tilespmem:$0x1EF88] =	vst v63  }
0x1fd: {  	_ =	swait.ge [sflag:s31], $0x10  }
0x1fe: {  	[sflag:s31] =	ssyncset.done $0x0  }
0x1ff: {  	p1 =	seq.s32 s13, $0x0;
	s9 =	rddreg [dreg:$0x3];
	[sflag:s31] =	ssyncadd.s32 $0xFFFFFFF0  }
0x200: {  	s3 =	sshll.u32 @p1 s9, $0xE;
	s8 =	rddreg [dreg:$0x4]  }
0x201: {  	s2 =	sadd.s32 @p1 $0x15C3C, s3;
	s3 =	sshll.u32 @p1 s8, $0x11  }
0x202: {  	_ =	sfence.stream.spmem;
	s2 =	sor.u32 @p1 s3, s2  }
0x203: {  	[sflag:s2] =	ssyncadd.remote.s32 @p1 $0x1;
	s2 =	simm.s32 @p1 $0x4  }
0x204: {  	s4 =	simm.s32 @!p1 $0x3C;
	s3 =	sand.u32 $0xFFFFFFFE, s9;
	_ =	swait.ge @p1 [sflag:s2], $0x12  }
0x205: {  	s5 =	simm.s32 @!p1 $0x0;
	s3 =	sadd.s32 @!p1 $0x4, s3;
	[sflag:s2] =	ssyncset.done @p1 $0x0  }
0x206: {  	s7 =	simm.s32 @!p1 $0x80;
	[sflag:s2] =	ssyncadd.s32 @p1 $0xFFFFFFEE;
	s2 =	sshll.u32 @!p1 s3, $0x1A  }
0x207: {  	s3 =	sshll.u32 @!p1 s3, $0xD;
	s2 =	sor.u32 @!p1 s2, s8;
	_ =	swait.eq @!p1 [sflag:s4], $0x1  }
0x208: {  	s3 =	sor.u32 @!p1 $0x1C04, s3;
	s4 =	simm.s32 @!p1 $0x1C03;
	s2 =	sor.u32 @!p1 $0x80004000, s2  }
0x209: {  	[spmem:s7], [sflag:s3] =	dma.general @!p1 [spmem:s5], [sflag:s4], length:$0x10, [dreg:$0x0], stride_count:$0x0, ici_dest:s2, dma_misc:DstOpCode:WRITE  }
0x20a: {  	p2 =	slt.s32 s0, $0x2;
	s5 =	simm.s32 @!p1 $0x100;
	s7 =	simm.s32 @!p1 $0x102  }
0x20b: {  	[spmem:s7], [sflag:s3] =	dma.general @!p1 [spmem:s5], [sflag:s4], length:$0x2, [dreg:$0x0], stride_count:$0x0, ici_dest:s2, dma_misc:DstOpCode:WRITE  }
.Ltmp29:
0x20c: {  	s2 =	simm.s32 @!p1 $0x3;
	(pc) =	sbr.rel @p2 .LBB2_42-.Ltmp29, $4  }
0x20d: {  	s3 =	sshll.u32 @!p1 s9, $0xE;
	_ =	swait.ge @!p1 [sflag:s2], $0x12  }
0x20e: {  	s4 =	sshll.u32 @!p1 s8, $0x11;
	s3 =	sadd.s32 @!p1 $0x11C3C, s3;
	[sflag:s2] =	ssyncset.done @!p1 $0x0  }
0x20f: {  	[sflag:s2] =	ssyncadd.s32 @!p1 $0xFFFFFFEE;
	s2 =	sor.u32 @!p1 s4, s3  }
0x210: {  	s0 =	simm.s32 $0x0;
	[sflag:s2] =	ssyncadd.remote.s32 @!p1 $0xFFFFFFFF  }
0x211: {  	s0 =	simm.s32 $0xA119  }
0x212: {  	v0 =	vld.msk [tilespmem:s0+$0x0], $0x1;
	_ =	sdelay $0x4  }
0x213: {  	(v2sf) =	vpush v0, $0x0;
	_ =	sdelay $0xc  }
0x214: {  	s2 =	sadd.s32 $0xFFFFFFFE, s6  }
0x215: {  	s2 =	sadd.s32 $0xFFFFFFFF, s2  }
0x216: {  	p2 =	sne.s32 s2, $0x0;
	s3 =	spop (v2sf)  }
.Ltmp30:
0x217: {  	p1 =	sgt.u32 s3, $0xC34F8;
	(pc) =	sbr.rel @!p2 .LBB2_41-.Ltmp30, $4  }
0x218: {  	s5 =	simm.s32 $0x0;
	s4 =	sand.u32 @!p1 $0xFFFF8, s3  }
0x219: {  	s0 =	simm.s32 $0xA178;
	s3 =	sand.u32 @!p1 $0x7, s3;
	s4 =	sadd.s32 @!p1 s1, s4  }
0x21a: {  	[hbm4b:s4+s3] =	stream.linear.scatter @!p1 [tilespmem:s0], [sflag:$0x5], $0x40, $0x38;
	[tilespmem:$0x1EF88] =	vst v63  }
0x21b: {  	s5 =	simm.s32 @!p1 $0x100;
	s3 =	simm.s32 $0x0;
	s4 =	simm.s32 $0xA11A  }
.LBB2_40:
0x21c: {  	v0 =	vld.msk [tilespmem:s4+$0x0], $0x1;
	s2 =	sadd.s32 $0xFFFFFFFF, s2;
	s3 =	sadd.s32 s3, s5  }
0x21d: {  	p1 =	sne.s32 s2, $0x0;
	_ =	sdelay $0x3  }
0x21e: {  	(v2sf) =	vpush v0, $0x0;
	_ =	sdelay $0xe  }
.Ltmp31:
0x21f: {  	s6 =	spop (v2sf);
	(pc) =	sbr.rel @p1 .LBB2_40-.Ltmp31, $4  }
0x220: {  	s5 =	simm.s32 $0x0;
	p2 =	sgt.u32 s6, $0xC34F8  }
0x221: {  	s0 =	sadd.s32 $0x40, s0;
	s5 =	simm.s32 @!p2 $0x100;
	s7 =	sand.u32 @!p2 $0xFFFF8, s6  }
0x222: {  	s4 =	sadd.s32 $0x1, s4;
	s6 =	sand.u32 @!p2 $0x7, s6;
	s7 =	sadd.s32 @!p2 s1, s7  }
0x223: {  	[hbm4b:s7+s6] =	stream.linear.scatter @!p2 [tilespmem:s0], [sflag:$0x5], $0x40, $0x38;
	[tilespmem:$0x1EF88] =	vst v63  }
.LBB2_41:
0x224: {  	s0 =	sadd.s32 s3, s5  }
0x225: {  	s0 =	sshrl.u32 s0, $0x2  }
.LBB2_42:
0x226: {  	s2 =	simm.s32 $0x5  }
0x227: {  	_ =	swait.ge [sflag:s2], s0  }
0x228: {  	s31 =	ssub.s32 $0x0, s0;
	[sflag:s2] =	ssyncset.done $0x0  }
0x229: {  	[sflag:s2] =	ssyncadd.s32 s31  }
0x22a: {  	[sflag:s2] =	ssyncpa.u1 $0x1  }
.LBB2_43:
0x22b: {  	s0 =	sor.u32 s13, s14  }
0x22c: {  	p1 =	sne.s32 s0, $0x0  }
.Ltmp32:
0x22d: {  	_ = 	snop;
	(pc) =	sbr.rel @p1 .LBB2_58-.Ltmp32, $3  }
0x22e: {  	_ =	sdelay $0x1  }
0x22f: {  	[bflag:$0x0] =	sbarrier.arrive $0xFFFF  }
0x230: {  	_ =	sfence  }
0x231: {  	s2 =	simm.s32 $0x7  }
0x232: {  	s0 =	simm.s32 $0x800;
	s3 =	simm.s32 $0xA118;
	[sflag:s2] =	ssyncpa.u1 $0x0  }
0x233: {  	[tilespmem:s3], [sflag:$0x7] =	stream.linear.gather [spmem:s0], $0x20, $0x38;
	[tilespmem:$0x1EF88] =	vst v63  }
0x234: {  	s30 =	simm.s32 $0xA138;
	s0 =	simm.s32 $0x0  }
0x235: {  	[tilespmem:s30], [sflag:$0x7] =	stream.linear.gather [spmem:s0], $0x800, $0x38;
	[tilespmem:$0x1EF88] =	vst v63  }
.Ltmp33:
0x236: {  	_ = 	snop;
	(pc) =	sbr.rel .LBB2_45-.Ltmp33, $4  }
0x237: {  	_ =	swait.ge [sflag:s2], $0x820  }
0x238: {  	[sflag:s2] =	ssyncset.done $0x0  }
0x239: {  	s31 =	simm.s32 $0x8;
	[sflag:s2] =	ssyncadd.s32 $0xFFFFF7E0  }
0x23a: {  	s2 =	simm.s32 $0x0;
	[sflag:s31] =	ssyncpa.u1 $0x0  }
.LBB2_51:
0x23b: {  	p1 =	slt.u32 s3, $0xC34F9  }
0x23c: {  	s4 =	sand.u32 @p1 $0xFFFF8, s3  }
0x23d: {  	s3 =	sand.u32 @p1 $0x7, s3;
	s5 =	simm.s32 @p1 $0xA0C8;
	s4 =	sadd.s32 @p1 s1, s4  }
0x23e: {  	[tilespmem:s5], [sflag:$0x8] =	stream.linear.gather @p1 [hbm4b:s4+s3], $0x40, $0x38;
	[tilespmem:$0x1EF88] =	vst v63  }
0x23f: {  	s3 =	simm.s32 @p1 $0x8  }
0x240: {  	_ =	swait.ge @p1 [sflag:s3], $0x40  }
0x241: {  	[sflag:s3] =	ssyncset.done @p1 $0x0  }
0x242: {  	[sflag:s3] =	ssyncadd.s32 @p1 $0xFFFFFFC0  }
0x243: {  	v1 =	vld @p1 [tilespmem:$0xA0C8];
	_ =	sdelay $0x2  }
0x244: {  	s3 =	sshll.u32 @p1 s2, $0x8  }
0x245: {  	s4 =	sshrl.u32 @p1 s3, $0x2  }
0x246: {  	[tilespmem:s4+$0xA138] =	vst.add.f32.msk @p1 $0xffff, v1  }
0x247: {  	v1 =	vld @p1 [tilespmem:$0xA0D8];
	_ =	sdelay $0x4  }
0x248: {  	[tilespmem:s4+$0xA148] =	vst.add.f32.msk @p1 $0xffff, v1  }
0x249: {  	v1 =	vld @p1 [tilespmem:$0xA0E8];
	_ =	sdelay $0x4  }
0x24a: {  	[tilespmem:s4+$0xA158] =	vst.add.f32.msk @p1 $0xffff, v1  }
0x24b: {  	v1 =	vld @p1 [tilespmem:$0xA0F8];
	_ =	sdelay $0x3  }
0x24c: {  	s5 =	sshll.u32 @!p1 s2, $0x8  }
0x24d: {  	s5 =	smov.u32 @p1 s3;
	[tilespmem:s4+$0xA168] =	vst.add.f32.msk @p1 $0xffff, v1  }
0x24e: {  	s3 =	sshrl.u32 s5, $0x2;
	[tilespmem:s0+$0xA118] =	vst.msk $0x1, v0  }
0x24f: {  	v0 =	vld [tilespmem:s3+$0xA138];
	_ =	sdelay $0x2  }
0x250: {  	s31 =	sshll.u32 s0, $0x8  }
0x251: {  	s4 =	sshra.s32 s31, $0x2  }
0x252: {  	[tilespmem:s4+$0xA138] =	vst v0  }
0x253: {  	v0 =	vld [tilespmem:s3+$0xA148];
	_ =	sdelay $0x4  }
0x254: {  	[tilespmem:s4+$0xA148] =	vst v0  }
0x255: {  	v0 =	vld [tilespmem:s3+$0xA158];
	_ =	sdelay $0x4  }
0x256: {  	[tilespmem:s4+$0xA158] =	vst v0  }
0x257: {  	v0 =	vld [tilespmem:s3+$0xA168];
	_ =	sdelay $0x4  }
0x258: {  	s0 =	sadd.s32 $0x1, s0;
	[tilespmem:s4+$0xA168] =	vst v0  }
.LBB2_52:
0x259: {  	s2 =	sadd.s32 $0x1, s2  }
0x25a: {  	p1 =	sne.s32 s2, $0x20  }
.Ltmp34:
0x25b: {  	_ = 	snop;
	(pc) =	sbr.rel @!p1 .LBB2_53-.Ltmp34, $1  }
0x25c: {  	_ =	sdelay $0x3  }
.LBB2_45:
0x25d: {  	v0 =	vld.msk [tilespmem:s2+$0xA118], $0x1;
	_ =	sdelay $0x4  }
0x25e: {  	(v2sf) =	vpush v0, $0x0;
	_ =	sdelay $0xe  }
0x25f: {  	s3 =	spop (v2sf)  }
0x260: {  	p1 =	seq.s32 s3, $0xFFFFFFFF  }
.Ltmp35:
0x261: {  	_ = 	snop;
	(pc) =	sbr.rel @p1 .LBB2_52-.Ltmp35, $1  }
0x262: {  	_ =	sdelay $0x3  }
0x263: {  	p1 =	slt.s32 s0, $0x1  }
.Ltmp36:
0x264: {  	_ = 	snop;
	(pc) =	sbr.rel @p1 .LBB2_51-.Ltmp36, $1  }
0x265: {  	_ =	sdelay $0x3  }
0x266: {  	s4 =	simm.s32 $0xA118;
	p1 =	por $0x0, $0x0  }
0x267: {  	v1 =	vld.msk @!p1 [tilespmem:s4+$0x0], $0x1;
	_ =	sdelay $0x4  }
0x268: {  	(v2sf) =	vpush @!p1 v1, $0x0;
	_ =	sdelay $0xd  }
0x269: {  	p3 =	sne.s32 s0, $0x1  }
.Ltmp37:
0x26a: {  	s5 =	spop @!p1 (v2sf);
	(pc) =	sbr.rel @!p3 .LBB2_49-.Ltmp37, $4  }
0x26b: {  	p2 =	seq.s32 @!p1 s3, s5  }
0x26c: {  	s5 =	simm.s32 $0x0;
	p2 =	por !p2, p1  }
0x26d: {  	s7 =	simm.s32 $0xFFFFFFFF;
	s5 =	simm.s32 @p2 $0xFFFFFFFF  }
0x26e: {  	s6 =	simm.s32 $0x1;
	s5 =	smov.u32 @p1 s7  }
.LBB2_48:
0x26f: {  	s7 =	smov.u32 s5;
	p1 =	sne.s32 s5, $0xFFFFFFFF  }
0x270: {  	s4 =	sadd.s32 $0x1, s4;
	s5 =	smov.u32 s6;
	s6 =	sadd.s32 $0x1, s6  }
0x271: {  	p2 =	sne.s32 s0, s6;
	v1 =	vld.msk @!p1 [tilespmem:s4+$0x0], $0x1;
	_ =	sdelay $0x4  }
0x272: {  	(v2sf) =	vpush @!p1 v1, $0x0;
	_ =	sdelay $0xe  }
.Ltmp38:
0x273: {  	s8 =	spop @!p1 (v2sf);
	(pc) =	sbr.rel @p2 .LBB2_48-.Ltmp38, $4  }
0x274: {  	p3 =	seq.s32 @!p1 s3, s8  }
0x275: {  	p3 =	por !p3, p1  }
0x276: {  	s5 =	simm.s32 @p3 $0xFFFFFFFF  }
0x277: {  	s5 =	smov.u32 @p1 s7  }
.LBB2_49:
0x278: {  	p1 =	seq.s32 s5, $0xFFFFFFFF  }
.Ltmp39:
0x279: {  	_ = 	snop;
	(pc) =	sbr.rel @p1 .LBB2_51-.Ltmp39, $1  }
0x27a: {  	_ =	sdelay $0x3  }
0x27b: {  	s3 =	sshll.u32 s2, $0x6  }
0x27c: {  	s3 =	sand.u32 $0x3FFFFFC0, s3  }
0x27d: {  	v0 =	vld [tilespmem:s3+$0xA138];
	_ =	sdelay $0x2  }
0x27e: {  	s4 =	sshll.u32 s5, $0x8  }
0x27f: {  	s4 =	sshra.s32 s4, $0x2  }
0x280: {  	[tilespmem:s4+$0xA138] =	vst.add.f32.msk $0xffff, v0  }
0x281: {  	v0 =	vld [tilespmem:s3+$0xA148];
	_ =	sdelay $0x4  }
0x282: {  	[tilespmem:s4+$0xA148] =	vst.add.f32.msk $0xffff, v0  }
0x283: {  	v0 =	vld [tilespmem:s3+$0xA158];
	_ =	sdelay $0x4  }
0x284: {  	[tilespmem:s4+$0xA158] =	vst.add.f32.msk $0xffff, v0  }
0x285: {  	v0 =	vld [tilespmem:s3+$0xA168]  }
.Ltmp40:
0x286: {  	_ = 	snop;
	(pc) =	sbr.rel .LBB2_52-.Ltmp40, $2  }
0x287: {  	_ =	sdelay $0x2  }
0x288: {  	[tilespmem:s4+$0xA168] =	vst.add.f32.msk $0xffff, v0  }
.LBB2_53:
0x289: {  	p1 =	slt.s32 s0, $0x1  }
.Ltmp41:
0x28a: {  	_ = 	snop;
	(pc) =	sbr.rel @p1 .LBB2_57-.Ltmp41, $3  }
0x28b: {  	_ =	sdelay $0x1  }
0x28c: {  	s2 =	simm.s32 $0x8  }
0x28d: {  	[sflag:s2] =	ssyncpa.u1 $0x1;
	s2 =	simm.s32 $0x0  }
0x28e: {  	s3 =	simm.s32 $0xA118  }
0x28f: {  	v0 =	vld.msk [tilespmem:s3+$0x0], $0x1;
	_ =	sdelay $0x4  }
0x290: {  	(v2sf) =	vpush v0, $0x0;
	_ =	sdelay $0xe  }
0x291: {  	s0 =	sadd.s32 $0xFFFFFFFF, s0;
	s4 =	spop (v2sf)  }
0x292: {  	p2 =	sne.s32 s0, $0x0;
	p1 =	sgt.u32 s4, $0xC34F8  }
.Ltmp42:
0x293: {  	s5 =	sand.u32 @!p1 $0xFFFF8, s4;
	(pc) =	sbr.rel @!p2 .LBB2_56-.Ltmp42, $4  }
0x294: {  	s3 =	simm.s32 $0xA138;
	s4 =	sand.u32 @!p1 $0x7, s4;
	s5 =	sadd.s32 @!p1 s1, s5  }
0x295: {  	[hbm4b:s5+s4] =	stream.linear.scatter @!p1 [tilespmem:s3], [sflag:$0x7], $0x40, $0x38;
	[tilespmem:$0x1EF88] =	vst v63  }
0x296: {  	s5 =	simm.s32 $0x0  }
0x297: {  	s4 =	simm.s32 $0xA119;
	s5 =	simm.s32 @!p1 $0x100  }
.LBB2_55:
0x298: {  	v0 =	vld.msk [tilespmem:s4+$0x0], $0x1;
	s0 =	sadd.s32 $0xFFFFFFFF, s0;
	s2 =	sadd.s32 s2, s5  }
0x299: {  	p1 =	sne.s32 s0, $0x0;
	_ =	sdelay $0x3  }
0x29a: {  	(v2sf) =	vpush v0, $0x0;
	_ =	sdelay $0xe  }
.Ltmp43:
0x29b: {  	s6 =	spop (v2sf);
	(pc) =	sbr.rel @p1 .LBB2_55-.Ltmp43, $4  }
0x29c: {  	s5 =	simm.s32 $0x0;
	p2 =	sgt.u32 s6, $0xC34F8  }
0x29d: {  	s3 =	sadd.s32 $0x40, s3;
	s5 =	simm.s32 @!p2 $0x100;
	s7 =	sand.u32 @!p2 $0xFFFF8, s6  }
0x29e: {  	s4 =	sadd.s32 $0x1, s4;
	s6 =	sand.u32 @!p2 $0x7, s6;
	s7 =	sadd.s32 @!p2 s1, s7  }
0x29f: {  	[hbm4b:s7+s6] =	stream.linear.scatter @!p2 [tilespmem:s3], [sflag:$0x7], $0x40, $0x38;
	[tilespmem:$0x1EF88] =	vst v63  }
.LBB2_56:
0x2a0: {  	s0 =	sadd.s32 s2, s5  }
0x2a1: {  	s2 =	sshrl.u32 s0, $0x2  }
.LBB2_57:
0x2a2: {  	s0 =	simm.s32 $0x7  }
0x2a3: {  	_ =	swait.ge [sflag:s0], s2  }
0x2a4: {  	s1 =	ssub.s32 $0x0, s2;
	[sflag:s0] =	ssyncset.done $0x0  }
0x2a5: {  	[sflag:s0] =	ssyncadd.s32 s1  }
0x2a6: {  	[sflag:s0] =	ssyncpa.u1 $0x1  }
.LBB2_58:
0x2a7: {  	_ =	sfence;
	s0 =	simm.s32 $0x1  }
0x2a8: {  	[sflag:s0] =	ssyncpa.u1 $0x1  }
0x2a9: {  	_ =	strace $0x90000053  }
0x2aa: {  	[bflag:$0x2] =	sbarrier.arrive $0xFFFF  }
0x2ab: {  	s0 =	rddreg [dreg:$0x5]  }
0x2ac: {  	s0 =	sadd.s32 @!p0 $0x100000, s0  }
0x2ad: {  	[sflag:s0] =	ssyncadd.tile.s32 @!p0 $0x1;
	_ =	shalt  }
.Lfunc_end2:
_tile_overlayer_lowered:
.L_overlay_start_2:
0x2ae: {  	(tag) =	ssettag $0x2  }
0x2af: {  	s0 =	rddreg [dreg:$0x0];
	s2 =	stileid.u32  }
0x2b0: {  	s1 =	rddreg [dreg:$0x1];
	p0 =	sne.s32 s2, $0x0  }
0x2b1: {  	s3 =	rddreg [dreg:$0x2];
	[bflag:$0x3] =	sbarrier.arrive $0xFFFF;
	s2 =	simm.s32 @!p0 $0x1C01  }
0x2b2: {  	[timem:s3], [sflag:s2] =	dma.local @!p0 [hbm:s0], s1  }
0x2b3: {  	s0 =	simm.s32 @!p0 $0x1  }
0x2b4: {  	_ =	swait.ge @!p0 [sflag:s0], s1  }
0x2b5: {  	s1 =	ssub.s32 @!p0 $0x0, s1;
	[sflag:s0] =	ssyncset.done @!p0 $0x0  }
0x2b6: {  	[sflag:s0] =	ssyncadd.s32 @!p0 s1  }
0x2b7: {  	[bflag:$0x3] =	sbarrier.arrive $0xFFFF  }
0x2b8: {  	_ =	shalt  }

// kernel: scatter_offload_async_start
scs
__scs_entry_jumppad:
0x0: {  	(pc) =	sbr.rel $0x88, $3  }
0x1: {  	(tag) =	ssettag $0x0;
	lr =	simm.s32 $0x1  }
0x2: {  	[smem:$0x3F97] =	sst lr;
	_ =	strace $0xD0000000  }
0x3: {  	_ = 	snop  }
0x4: {  	_ = 	snop  }
0x5: {  	_ = 	snop  }
0x6: {  	_ = 	snop  }
0x7: {  	_ = 	snop  }
__scs_overlays_trampoline_lowered:
0x8: {  	[smem:$0x3FA6] =	sst s0  }
0x9: {  	[smem:$0x3FA7] =	sst s1  }
0xa: {  	[smem:$0x3FA8] =	sst s2  }
0xb: {  	[smem:$0x3FA9] =	sst s3  }
0xc: {  	[smem:$0x3FAA] =	sst s4  }
0xd: {  	[smem:$0x3FAB] =	sst s5  }
0xe: {  	[smem:$0x3FAC] =	sst s6  }
0xf: {  	[smem:$0x3FAD] =	sst s7  }
0x10: {  	[smem:$0x3FAE] =	sst s8  }
0x11: {  	[smem:$0x3FAF] =	sst s9;
	s0 =	simm.s32 @!p0 $0x0  }
0x12: {  	s1 =	sld [smem:$0x3F95];
	s0 =	simm.s32 @p0 $0x1  }
0x13: {  	[smem:$0x3FB0] =	sst s0;
	s0 =	simm.s32 @!p1 $0x0  }
0x14: {  	s2 =	sld [smem:$0x3F94];
	s0 =	simm.s32 @p1 $0x1  }
0x15: {  	[smem:$0x3FB1] =	sst s0;
	s0 =	simm.s32 @!p2 $0x0  }
0x16: {  	s3 =	sld [smem:$0x3FDB];
	s0 =	simm.s32 @p2 $0x1  }
0x17: {  	s4 =	simm.s32 $0x1BF5;
	[smem:$0x3FB3] =	sst s0  }
0x18: {  	s0 =	sld [smem:$0x3F96];
	_ =	swait.ge [sflag:s4], $0x0  }
0x19: {  	s7 =	sld [smem:$0x3F97]  }
0x1a: {  	s8 =	sadd.s32 $0xFFFFE003, lr  }
0x1b: {  	s9 =	sadd.s32 $0xFFFFFEF7, lr;
	s5 =	simm.s32 $0xFFFFFFFF;
	p2 =	slt.u32 s8, $0xFFFFF086  }
0x1c: {  	p1 =	slt.u32 s9, $0xF7A;
	s5 =	simm.s32 @!p2 $0x0  }
0x1d: {  	s5 =	simm.s32 @p1 $0x1;
	p0 =	seq.s32 s7, s2  }
0x1e: {  	s7 =	smul.u32 @!p0 $0xF7A, s2;
	p2 =	seq.s32 @!p0 s5, $0x0  }
0x1f: {  	s9 =	smul.u32 $0xF7A, s1;
	s8 =	simm.s32 @!p0 $0x1BF5;
	p2 =	por !p2, p0  }
0x20: {  	[sflag:s8] =	ssyncset.s32 @!p0 $0xFFFFF086;
	s6 =	sadd.s32 @!p0 s3, s7;
	s7 =	simm.s32 @!p0 $0x108  }
0x21: {  	s3 =	sadd.s32 s3, s9;
	s6 =	sadd.s32 @!p0 $0x88, s6;
	s7 =	simm.s32 @p2 $0x1082  }
0x22: {  	[simem:s7], [sflag:s8] =	dma.local @!p0 [hbm:s6], $0xF7A  }
0x23: {  	s9 =	sor.u32 $0xD0000000, s2;
	s6 =	simm.s32 $0x108;
	_ =	swait.ge @!p0 [sflag:s8], $0x0  }
0x24: {  	s3 =	sadd.s32 $0x88, s3;
	s6 =	simm.s32 @!p1 $0x1082;
	[sflag:s4] =	ssyncset.s32 $0xFFFFF086  }
0x25: {  	[simem:s6], [sflag:s4] =	dma.local [hbm:s3], $0xF7A  }
0x26: {  	[smem:$0x3F97] =	sst s1;
	(tag) =	ssettag s2;
	_ =	strace s9  }
0x27: {  	s1 =	sld [smem:$0x3FA7]  }
0x28: {  	s2 =	sld [smem:$0x3FA8]  }
0x29: {  	s4 =	sld [smem:$0x3FAA]  }
0x2a: {  	p0 =	seq.s32 s5, $0x0;
	s5 =	sld [smem:$0x3FAB]  }
0x2b: {  	s6 =	sld [smem:$0x3FAC]  }
0x2c: {  	s7 =	sld [smem:$0x3FAD]  }
0x2d: {  	s3 =	simm.s32 $0x108;
	s8 =	sld [smem:$0x3FAE]  }
0x2e: {  	s3 =	simm.s32 @!p0 $0x1082;
	s9 =	sld [smem:$0x3FAF]  }
0x2f: {  	lr =	sadd.s32 s0, s3;
	s0 =	sld [smem:$0x3FA6]  }
0x30: {  	s3 =	sld [smem:$0x3FA9]  }
0x31: {  	[smem:$0x3FB2] =	sst s10  }
0x32: {  	s10 =	sld [smem:$0x3FB0];
	_ =	sdelay $0x3  }
0x33: {  	p0 =	seq.s32 s10, $0x1;
	s10 =	sld [smem:$0x3FB2];
	_ =	sdelay $0x3  }
0x34: {  	[smem:$0x3FB2] =	sst s10  }
0x35: {  	s10 =	sld [smem:$0x3FB1];
	_ =	sdelay $0x3  }
0x36: {  	p1 =	seq.s32 s10, $0x1;
	s10 =	sld [smem:$0x3FB2];
	_ =	sdelay $0x3  }
0x37: {  	[smem:$0x3FB2] =	sst s10  }
0x38: {  	s10 =	sld [smem:$0x3FB3]  }
0x39: {  	_ = 	snop;
	(pc) =	sbr.ind lr, $3  }
0x3a: {  	_ = 	snop  }
0x3b: {  	_ = 	snop  }
0x3c: {  	p2 =	seq.s32 s10, $0x1;
	s10 =	sld [smem:$0x3FB2]  }
0x3d: {  	_ =	shalt  }
0x3e: {  	_ =	shalt  }
0x3f: {  	_ =	shalt  }
0x40: {  	_ =	shalt  }
0x41: {  	_ =	shalt  }
0x42: {  	_ =	shalt  }
0x43: {  	_ =	shalt  }
0x44: {  	_ =	shalt  }
0x45: {  	_ =	shalt  }
0x46: {  	_ =	shalt  }
0x47: {  	_ =	shalt  }
0x48: {  	_ =	shalt  }
0x49: {  	_ =	shalt  }
0x4a: {  	_ =	shalt  }
0x4b: {  	_ =	shalt  }
0x4c: {  	_ =	shalt  }
0x4d: {  	_ =	shalt  }
0x4e: {  	_ =	shalt  }
0x4f: {  	_ =	shalt  }
0x50: {  	_ =	shalt  }
0x51: {  	_ =	shalt  }
0x52: {  	_ =	shalt  }
0x53: {  	_ =	shalt  }
0x54: {  	_ =	shalt  }
0x55: {  	_ =	shalt  }
0x56: {  	_ =	shalt  }
0x57: {  	_ =	shalt  }
0x58: {  	_ =	shalt  }
0x59: {  	_ =	shalt  }
0x5a: {  	_ =	shalt  }
0x5b: {  	_ =	shalt  }
0x5c: {  	_ =	shalt  }
0x5d: {  	_ =	shalt  }
0x5e: {  	_ =	shalt  }
0x5f: {  	_ =	shalt  }
0x60: {  	_ =	shalt  }
0x61: {  	_ =	shalt  }
0x62: {  	_ =	shalt  }
0x63: {  	_ =	shalt  }
0x64: {  	_ =	shalt  }
0x65: {  	_ =	shalt  }
0x66: {  	_ =	shalt  }
0x67: {  	_ =	shalt  }
0x68: {  	_ =	shalt  }
0x69: {  	_ =	shalt  }
0x6a: {  	_ =	shalt  }
0x6b: {  	_ =	shalt  }
0x6c: {  	_ =	shalt  }
0x6d: {  	_ =	shalt  }
0x6e: {  	_ =	shalt  }
0x6f: {  	_ =	shalt  }
0x70: {  	_ =	shalt  }
0x71: {  	_ =	shalt  }
0x72: {  	_ =	shalt  }
0x73: {  	_ =	shalt  }
0x74: {  	_ =	shalt  }
0x75: {  	_ =	shalt  }
0x76: {  	_ =	shalt  }
0x77: {  	_ =	shalt  }
0x78: {  	_ =	shalt  }
0x79: {  	_ =	shalt  }
0x7a: {  	_ =	shalt  }
0x7b: {  	_ =	shalt  }
0x7c: {  	_ =	shalt  }
0x7d: {  	_ =	shalt  }
0x7e: {  	_ =	shalt  }
0x7f: {  	_ =	shalt  }
0x80: {  	_ =	shalt  }
0x81: {  	_ =	shalt  }
0x82: {  	_ =	shalt  }
0x83: {  	_ =	shalt  }
0x84: {  	_ =	shalt  }
0x85: {  	_ =	shalt  }
0x86: {  	_ =	shalt  }
0x87: {  	_ =	shalt  }
.Lfunc_end0:
.L_simem_size_0:
called_computation_lowered:
.L_overlay_start_0:
0x88: {  	s2 =	sld [smem:$0x3FD9]  }
0x89: {  	s3 =	sld [smem:$0x3FFE];
	_ =	sdelay $0x1  }
0x8a: {  	s1 =	srdreg.scid  }
0x8b: {  	s0 =	sand.u32 $0x1, s1  }
0x8c: {  	s13 =	sshll.u32 s0, $0xA;
	s2 =	sadd.s32 s3, s2  }
0x8d: {  	s2 =	sadd.s32 s2, s13  }
0x8e: {  	[smem:$0x3FBE] =	sst s2  }
0x8f: {  	_ = 	snop  }
0x90: {  	s2 =	sld [smem:$0x3FD0];
	_ =	sdelay $0x2  }
0x91: {  	s4 =	simm.s32 $0xB;
	s14 =	simm.s32 $0x10  }
0x92: {  	[smem:s14], [sflag:s4] =	dma.local [hbm:s2], $0x1  }
0x93: {  	_ =	swait.eq [sflag:s4], $0x1  }
0x94: {  	[sflag:s4] =	ssyncset.done $0x0  }
0x95: {  	s15 =	sld [smem:$0x10];
	[sflag:s4] =	ssyncadd.s32 $0xFFFFFFFF  }
0x96: {  	s16 =	sld [smem:$0x11];
	(tm) =	ssettm $0x1  }
0x97: {  	s17 =	sld [smem:$0x3FFB];
	_ =	sdelay $0x3  }
0x98: {  	_ =	strace s17  }
0x99: {  	s2 =	sld [smem:$0x3FFC];
	_ =	sdelay $0x3  }
0x9a: {  	_ =	strace s2  }
0x9b: {  	s2 =	sld [smem:$0x3FFD];
	_ =	sdelay $0x3  }
0x9c: {  	_ =	strace s2  }
0x9d: {  	_ =	strace $0x8FFFFFFF  }
0x9e: {  	s18 =	sld [smem:$0x3FDB];
	_ =	sdelay $0x1  }
0x9f: {  	s5 =	simm.s32 $_scs_section_size  }
0xa0: {  	s6 =	simm.s32 $_size__tile_overlayer_lowered;
	s7 =	simm.s32 $_tile_overlayer_lowered  }
0xa1: {  	s8 =	simm.s32 $0x1BFF;
	s19 =	sshll.u32 s7, $0x1;
	s5 =	sadd.s32 s5, s18  }
0xa2: {  	s20 =	simm.s32 $0x0;
	s6 =	sshll.u32 s6, $0x1;
	s7 =	sadd.s32 s19, s5  }
0xa3: {  	[timem:s20], [sflag:s8] =	dma.local [hbm:s7], s6  }
0xa4: {  	_ =	swait.ge [sflag:s8], s6  }
0xa5: {  	s6 =	ssub.s32 $0x0, s6;
	[sflag:s8] =	ssyncset.done $0x0  }
0xa6: {  	[sflag:s8] =	ssyncadd.s32 s6;
	_ =	sdelay $0x1  }
0xa7: {  	s21 =	simm.s32 $0x1B8B  }
0xa8: {  	_ =	swait.ge [sflag:s21], $0x1  }
0xa9: {  	[sflag:s21] =	ssyncset.done $0x0  }
0xaa: {  	s22 =	sld [smem:$0x3FFE];
	[sflag:s21] =	ssyncadd.s32 $0xFFFFFFFF  }
0xab: {  	s24 =	simm.s32 $0x1B8E;
	s23 =	sld [smem:$0x0]  }
0xac: {  	s25 =	simm.s32 $execute0_lowered;
	[smem:$0x3FD2] =	sst s24  }
0xad: {  	s8 =	sshll.u32 s25, $0x1;
	_ =	strace $0x80000046;
	[dreg:$0x1] =	wrdreg $0xFFFFFFFF  }
0xae: {  	s9 =	simm.s32 $_size_execute0_lowered;
	s8 =	sadd.s32 s5, s8;
	[dreg:$0x0] =	wrdreg $0x0  }
0xaf: {  	s9 =	sshll.u32 s9, $0x1;
	[dreg:$0x2] =	wrdreg s8  }
0xb0: {  	[dreg:$0x3] =	wrdreg s9  }
0xb1: {  	[dreg:$0x4] =	wrdreg $0xC0  }
0xb2: {  	s26 =	simm.s32 $execute1_lowered;
	_ =	task [dreg:s20], $0x5FFFF  }
0xb3: {  	s8 =	sshll.u32 s26, $0x1;
	[dreg:$0x1] =	wrdreg $0xFFFFFFFF  }
0xb4: {  	s5 =	sadd.s32 s5, s8;
	[dreg:$0x0] =	wrdreg $0x60  }
0xb5: {  	[dreg:$0x2] =	wrdreg s5  }
0xb6: {  	[dreg:$0x3] =	wrdreg s22  }
0xb7: {  	[dreg:$0x4] =	wrdreg $0x9  }
0xb8: {  	_ =	task.clear_ibuf [dreg:s20], $0x5FFFF;
	_ =	strace $0x90000046  }
0xb9: {  	s28 =	simm.s32 $0x9;
	_ =	strace $0x80000048  }
0xba: {  	_ =	swait.ge [sflag:s28], $0x1  }
0xbb: {  	[sflag:s28] =	ssyncadd.s32 $0xFFFFFFFF  }
0xbc: {  	_ =	strace $0x90000048  }
0xbd: {  	s5 =	sld [smem:$0x0]  }
0xbe: {  	s8 =	sand.u32 $0xFFFFFFFE, s1  }
0xbf: {  	p0 =	sne.s32 s1, s8  }
0xc0: {  	s8 =	sshll.u32 @p0 s8, $0xE  }
0xc1: {  	s8 =	sadd.s32 @p0 $0x11BF3, s8;
	s9 =	sshll.u32 @p0 s5, $0x11  }
0xc2: {  	s8 =	sor.u32 @p0 s9, s8  }
0xc3: {  	[sflag:s8] =	ssyncadd.remote.s32 @p0 $0x1;
	_ =	sdelay $0x1  }
0xc4: {  	s8 =	simm.s32 @p0 $0x1BF3  }
0xc5: {  	_ =	swait.eq @p0 [sflag:s8], $0x1  }
0xc6: {  	[sflag:s8] =	ssyncadd.s32 @p0 $0xFFFFFFFF  }
0xc7: {  	s9 =	sshll.u32 @!p0 s1, $0xE  }
0xc8: {  	s9 =	sor.u32 @!p0 $0x4000, s9;
	s8 =	simm.s32 @!p0 $0x1BF3  }
0xc9: {  	s5 =	sshll.u32 @!p0 s5, $0x11;
	s9 =	sadd.s32 @!p0 $0x11BF3, s9;
	_ =	swait.eq @!p0 [sflag:s8], $0x1  }
0xca: {  	s5 =	sor.u32 @!p0 s5, s9;
	[sflag:s8] =	ssyncadd.s32 @!p0 $0xFFFFFFFF  }
0xcb: {  	[sflag:s5] =	ssyncadd.remote.s32 @!p0 $0x1  }
0xcc: {  	_ =	strace $0x80000049;
	[dreg:$0x1] =	wrdreg $0xFFFFFFFF  }
0xcd: {  	[dreg:$0x0] =	wrdreg $0x2030  }
0xce: {  	[dreg:$0x2] =	wrdreg s22  }
0xcf: {  	[dreg:$0x3] =	wrdreg s15  }
0xd0: {  	[dreg:$0x4] =	wrdreg s16  }
0xd1: {  	[dreg:$0x5] =	wrdreg s1  }
0xd2: {  	[dreg:$0x6] =	wrdreg s23  }
0xd3: {  	[dreg:$0x7] =	wrdreg $0xA  }
0xd4: {  	_ =	task.clear_ibuf [dreg:s20], $0x8FFFF;
	_ =	strace $0x90000049  }
0xd5: {  	s29 =	simm.s32 $0xA;
	_ =	strace $0x8000004B  }
0xd6: {  	_ =	swait.ge [sflag:s29], $0x1  }
0xd7: {  	[sflag:s29] =	ssyncadd.s32 $0xFFFFFFFF  }
0xd8: {  	_ =	strace $0x9000004B  }
0xd9: {  	_ =	sfence  }
0xda: {  	s30 =	sld [smem:$0x0];
	_ =	sdelay $0x2  }
0xdb: {  	s31 =	sshll.u32 s1, $0xD;
	s1 =	sshrl.u32 s1, $0x2  }
0xdc: {  	s4 =	sand.u32 $0x4000, s31;
	s1 =	sadd.s32 s1, s30  }
0xdd: {  	s0 =	sor.u32 s4, s0;
	s1 =	sshll.u32 s1, $0x11  }
0xde: {  	s0 =	sor.u32 s1, s0  }
0xdf: {  	s0 =	sadd.s32 $0x8F2B, s0  }
0xe0: {  	[sflag:s0] =	ssyncadd.remote.s32 $0x1  }
0xe1: {  	_ =	sfence.sel $0xFFFF  }
0xe2: {  	[dreg:$0x0] =	wrdreg $0xFFFFFFFF;
	(pc) =	sbr.abs _section_cstart, $3  }
0xe3: {  	[dreg:$0x1] =	wrdreg $0xFFFFFFFF  }
0xe4: {  	_ =	task.clear_ibuf [dreg:s20], $0x2FFFF;
	_ =	strace $0x9FFFFFFF  }
0xe5: {  	(tm) =	ssettm $0x7FFFFFFF  }
tec
execute0_lowered:
.L_overlay_start_1:
0x0: {  	(tag) =	ssettag $0x1  }
0x1: {  	s2 =	rddreg [dreg:$0x0]  }
0x2: {  	s5 =	rddreg [dreg:$0x1]  }
0x3: {  	s0 =	rddreg [dreg:$0x2];
	s3 =	stileid.u32;
	[bflag:$0x3] =	sbarrier.arrive $0xFFFF  }
0x4: {  	s1 =	simm.s32 $_size_execute1_lowered;
	s29 =	srdreg.scid;
	s31 =	simm.s32 $0x2  }
0x5: {  	s13 =	simm.s32 $0x0;
	s8 =	simm.s32 $0x40;
	p0 =	sne.s32 s3, $0x0  }
0x6: {  	s1 =	sshll.u32 s1, $0x1;
	s4 =	simm.s32 @!p0 $0x1C3F;
	s6 =	simm.s32 @!p0 $0x4060  }
0x7: {  	[timem:s6], [sflag:s4] =	dma.local @!p0 [hbm:s2], s1  }
0x8: {  	s9 =	simm.s32 $0x80;
	s11 =	simm.s32 $0x0;
	s2 =	sshll.u32 s29, $0x8  }
.Ltmp0:
0x9: {  	s3 =	sshll.u32 s3, $0x9;
	s30 =	sand.u32 $0x100, s2;
	(pc) =	sbr.rel .LBB2_1-.Ltmp0, $4  }
0xa: {  	s12 =	simm.s32 $0x0;
	s4 =	simm.s32 $0x1;
	s3 =	sor.u32 s3, s30  }
0xb: {  	_ =	strace $0x80000047;
	s2 =	sadd.s32 $0x19800, s5;
	s7 =	ssub.s32 $0xC300, s3  }
0xc: {  	s5 =	sadd.s32 $0xD11E00, s5;
	[sflag:s4] =	ssyncpa.u1 $0x0;
	s6 =	sshrl.u32 s7, $0xD  }
0xd: {  	[sflag:s31] =	ssyncpa.u1 $0x0;
	s10 =	smov.u32 s3;
	s7 =	sadd.s32 $0x2, s6  }
.LBB2_5:
0xe: {  	_ =	sdelay $0x3  }
0xf: {  	[tilespmem:v3+s18+$0x0 ss:$0x1] =	vst.idx.msk $0xffff, v1  }
0x10: {  	[tilespmem:v3+s17+$0x0 ss:$0x1] =	vst.idx.msk $0xffff, v2  }
0x11: {  	[tilespmem:v3+s16+$0x0 ss:$0x1] =	vst.idx.msk $0xffff, v4  }
0x12: {  	[tilespmem:v3+s19+$0x0 ss:$0x1] =	vst.idx.msk $0xffff, v5  }
.LBB2_6:
0x13: {  	s16 =	sand.u32 $0x1FFFFFF, s11  }
0x14: {  	s17 =	smulhi.u32 $0x14F8B59, s16;
	_ =	sdelay $0x1  }
0x15: {  	s17 =	sshrl.u32 s17, $0x8  }
0x16: {  	s17 =	smul.u32 $0xC350, s17;
	_ =	sdelay $0x1  }
0x17: {  	s16 =	ssub.s32 s16, s17  }
0x18: {  	s16 =	sshll.u32 s16, $0x4  }
0x19: {  	s16 =	sadd.s32 s5, s16  }
0x1a: {  	[hbm4b:s16+s8] =	stream.strided.scatter [tilespmem:s15], [sflag:$0x2], s14, s9, s8, $0x38;
	[tilespmem:$0x10000] =	vst v63  }
.LBB2_7:
0x1b: {  	p1 =	slt.u32 s12, $0x2  }
0x1c: {  	p2 =	sgt.s32 @!p1 s13, $0xC250  }
0x1d: {  	s14 =	smov.u32 s13;
	s15 =	sshra.s32 @!p1 s13, $0x1F;
	p2 =	por !p2, p1  }
0x1e: {  	s13 =	sand.u32 @!p1 s15, s13;
	s14 =	simm.s32 @p2 $0xC250  }
0x1f: {  	s13 =	ssub.s32 @!p1 s14, s13  }
0x20: {  	s13 =	sadd.s32 @!p1 $0xFFFF3DB0, s13  }
0x21: {  	s14 =	sshll.u32 @!p1 s13, $0x8  }
0x22: {  	p2 =	sgt.s32 @!p1 s13, $0xFF;
	s13 =	ssub.s32 @!p1 $0x10000, s14  }
0x23: {  	s15 =	sadd.s32 $0x2000, s10;
	p2 =	por !p2, p1;
	s13 =	sshrl.u32 @!p1 s13, $0x2  }
0x24: {  	s13 =	simm.s32 @!p2 $0x0;
	p2 =	sgt.s32 s15, $0xC34F  }
0x25: {  	s15 =	smov.u32 @p2 s3;
	p2 =	sne.s32 s12, s7  }
.Ltmp1:
0x26: {  	_ = 	snop;
	(pc) =	sbr.rel @!p2 .LBB2_8-.Ltmp1, $4  }
0x27: {  	s14 =	simm.s32 @!p1 $0x2  }
0x28: {  	_ =	swait.ge @!p1 [sflag:s14], s13;
	s16 =	ssub.s32 @!p1 $0x0, s13  }
0x29: {  	s13 =	smov.u32 s11;
	s12 =	sadd.s32 $0x1, s12;
	[sflag:s14] =	ssyncset.done @!p1 $0x0  }
0x2a: {  	s11 =	smov.u32 s10;
	s10 =	smov.u32 s15;
	[sflag:s14] =	ssyncadd.s32 @!p1 s16  }
.LBB2_1:
0x2b: {  	p1 =	sgt.u32 s12, s6  }
0x2c: {  	s15 =	smov.u32 s10;
	p2 =	sgt.s32 @!p1 s10, $0xC250  }
0x2d: {  	s14 =	sand.u32 @!p1 $0x1FFFFFF, s10;
	s16 =	sshra.s32 @!p1 s10, $0x1F;
	p2 =	por !p2, p1  }
0x2e: {  	s17 =	smulhi.u32 @!p1 $0x14F8B59, s14;
	s16 =	sand.u32 @!p1 s16, s10;
	s15 =	simm.s32 @p2 $0xC250  }
0x2f: {  	s15 =	ssub.s32 @!p1 s15, s16  }
0x30: {  	s16 =	sshrl.u32 @!p1 s17, $0x8;
	s15 =	sadd.s32 @!p1 $0xFFFF3DB0, s15  }
0x31: {  	s17 =	sxor.u32 @!p1 $0xFFFFFFFF, s12;
	s16 =	smul.u32 @!p1 $0xC350, s16;
	s18 =	sshll.u32 @!p1 s15, $0x8  }
0x32: {  	s17 =	sshll.u32 @!p1 s17, $0xE;
	p2 =	sgt.s32 @!p1 s15, $0xFF;
	s15 =	ssub.s32 @!p1 $0x10000, s18  }
0x33: {  	s14 =	ssub.s32 @!p1 s14, s16;
	p2 =	por !p2, p1;
	s16 =	sand.u32 @!p1 $0x4000, s17  }
0x34: {  	s17 =	simm.s32 @!p1 $0x40;
	s15 =	sshrl.u32 @!p1 s15, $0x2;
	s14 =	sshll.u32 @!p1 s14, $0x4  }
0x35: {  	s18 =	simm.s32 @!p1 $0x80;
	s15 =	simm.s32 @!p2 $0x0;
	s14 =	sadd.s32 @!p1 s2, s14  }
0x36: {  	[tilespmem:s16], [sflag:$0x1] =	stream.strided.gather @!p1 [hbm4b:s14+s17], s15, s18, s17, $0x38;
	[tilespmem:$0x10000] =	vst v63  }
0x37: {  	p1 =	seq.s32 s12, $0x0  }
0x38: {  	p2 =	sge.u32 @!p1 s12, s7  }
0x39: {  	p1 =	por p1, p2  }
.Ltmp2:
0x3a: {  	_ = 	snop;
	(pc) =	sbr.rel @p1 .LBB2_7-.Ltmp2, $1  }
0x3b: {  	_ =	sdelay $0x3  }
0x3c: {  	p1 =	sgt.s32 s11, $0xC250;
	s14 =	smov.u32 s11;
	s15 =	sshra.s32 s11, $0x1F  }
0x3d: {  	s14 =	simm.s32 @!p1 $0xC250;
	s15 =	sand.u32 s15, s11  }
0x3e: {  	s14 =	ssub.s32 s14, s15  }
0x3f: {  	s14 =	sadd.s32 $0xFFFF3DB0, s14  }
0x40: {  	s31 =	sshll.u32 s14, $0x8  }
0x41: {  	s15 =	ssub.s32 $0x10000, s31  }
0x42: {  	p1 =	sgt.s32 s14, $0xFF;
	s14 =	sshrl.u32 s15, $0x2;
	s15 =	sadd.s32 $0x100, s11  }
0x43: {  	s14 =	simm.s32 @p1 $0x0;
	p1 =	slt.s32 s15, $0xC350  }
0x44: {  	s15 =	simm.s32 @!p1 $0xC350  }
0x45: {  	s20 =	ssub.s32 s15, s11  }
0x46: {  	p1 =	slt.s32 s20, $0x1  }
.Ltmp3:
0x47: {  	_ = 	snop;
	(pc) =	sbr.rel @p1 .LBB2_6-.Ltmp3, $4  }
0x48: {  	_ = 	snop  }
0x49: {  	s16 =	sshll.u32 s12, $0xE;
	_ =	swait.ge [sflag:s4], s14  }
0x4a: {  	s16 =	sand.u32 $0x4000, s16;
	s17 =	ssub.s32 $0x0, s14;
	[sflag:s4] =	ssyncset.done $0x0  }
0x4b: {  	s15 =	sor.u32 $0x8000, s16;
	[sflag:s4] =	ssyncadd.s32 s17  }
0x4c: {  	v0 =	vmov s16;
	_ =	sdelay $0x2  }
0x4d: {  	s31 =	simm.s32 $0x0;
	p1 =	sne.s32 s20, $0x1  }
.Ltmp4:
0x4e: {  	s18 =	sand.u32 $0x3FC0, s31;
	(pc) =	sbr.rel @!p1 .LBB2_5-.Ltmp4, $4  }
0x4f: {  	s17 =	sor.u32 $0x30, s18;
	v1 =	vld.idx.msk [tilespmem:v0+s18+$0x0 ss:$0x1], $0xffff  }
0x50: {  	v3 =	vmov s15;
	s16 =	sor.u32 $0x10, s18;
	v2 =	vld.idx.msk [tilespmem:v0+s17+$0x0 ss:$0x1], $0xffff  }
0x51: {  	s19 =	sor.u32 $0x20, s18;
	v4 =	vld.idx.msk [tilespmem:v0+s16+$0x0 ss:$0x1], $0xffff  }
0x52: {  	s20 =	sadd.s32 $0xFFFFFFFF, s20;
	s21 =	simm.s32 $0x40;
	v5 =	vld.idx.msk [tilespmem:v0+s19+$0x0 ss:$0x1], $0xffff  }
.LBB2_4:
0x53: {  	s22 =	sand.u32 $0x3FC0, s21  }
0x54: {  	p1 =	sne.s32 s20, $0x1;
	s20 =	sadd.s32 $0xFFFFFFFF, s20;
	s23 =	sor.u32 $0x10, s22  }
.Ltmp5:
0x55: {  	s24 =	sor.u32 $0x20, s22;
	s25 =	sor.u32 $0x30, s22;
	[tilespmem:v3+s18+$0x0 ss:$0x1] =	vst.idx.msk $0xffff, v1;
	v1 =	vld.idx.msk [tilespmem:v0+s22+$0x0 ss:$0x1], $0xffff;
	(pc) =	sbr.rel @p1 .LBB2_4-.Ltmp5, $4  }
0x56: {  	s18 =	smov.u32 s22;
	[tilespmem:v3+s17+$0x0 ss:$0x1] =	vst.idx.msk $0xffff, v2;
	v2 =	vld.idx.msk [tilespmem:v0+s25+$0x0 ss:$0x1], $0xffff;
	s17 =	smov.u32 s25  }
0x57: {  	[tilespmem:v3+s16+$0x0 ss:$0x1] =	vst.idx.msk $0xffff, v4;
	v4 =	vld.idx.msk [tilespmem:v0+s23+$0x0 ss:$0x1], $0xffff;
	s16 =	smov.u32 s23  }
0x58: {  	[tilespmem:v3+s19+$0x0 ss:$0x1] =	vst.idx.msk $0xffff, v5;
	v5 =	vld.idx.msk [tilespmem:v0+s24+$0x0 ss:$0x1], $0xffff;
	s19 =	smov.u32 s24  }
0x59: {  	s21 =	sadd.s32 $0x40, s21  }
.Ltmp6:
0x5a: {  	_ = 	snop;
	(pc) =	sbr.rel .LBB2_5-.Ltmp6, $1  }
0x5b: {  	_ =	sdelay $0x3  }
.LBB2_8:
0x5c: {  	_ =	sfence.sel $0x180000  }
0x5d: {  	s2 =	simm.s32 $0x1;
	[bflag:$0x0] =	sbarrier.arrive $0xFFFF  }
0x5e: {  	s31 =	simm.s32 $0x2;
	[sflag:s2] =	ssyncpa.u1 $0x1  }
0x5f: {  	[sflag:s31] =	ssyncpa.u1 $0x1  }
0x60: {  	_ =	strace $0x90000047  }
0x61: {  	s0 =	sadd.s32 @!p0 $0x100000, s0;
	[bflag:$0x2] =	sbarrier.arrive $0xFFFF  }
0x62: {  	[sflag:s0] =	ssyncadd.tile.s32 @!p0 $0x1;
	s0 =	simm.s32 @!p0 $0x3F  }
0x63: {  	_ =	swait.ge @!p0 [sflag:s0], s1  }
0x64: {  	s1 =	ssub.s32 @!p0 $0x0, s1;
	[sflag:s0] =	ssyncset.done @!p0 $0x0  }
0x65: {  	[sflag:s0] =	ssyncadd.s32 @!p0 s1  }
0x66: {  	[bflag:$0x3] =	sbarrier.arrive $0xFFFF  }
0x67: {  	_ =	shalt  }
.Lfunc_end2:
execute1_lowered:
.L_overlay_start_2:
0x68: {  	(tag) =	ssettag $0x2  }
0x69: {  	s4 =	rddreg [dreg:$0x0]  }
0x6a: {  	s0 =	rddreg [dreg:$0x1]  }
0x6b: {  	s2 =	rddreg [dreg:$0x2]  }
0x6c: {  	s5 =	rddreg [dreg:$0x3];
	_ =	strace $0x8000004A;
	s1 =	simm.s32 $0x1  }
0x6d: {  	s3 =	simm.s32 $0x88;
	v0 =	vimm.s32 $0x0;
	[sflag:s1] =	ssyncpa.u1 $0x0  }
0x6e: {  	[tilespmem:s3+$0x30] =	vst v0  }
0x6f: {  	s1 =	sadd.s32 $0xD11E00, s4;
	[tilespmem:s3+$0x20] =	vst v0  }
0x70: {  	s6 =	sadd.s32 $0x1946E00, s4;
	s7 =	sand.u32 $0x1, s5;
	s4 =	simm.s32 $0x40;
	[tilespmem:s3+$0x10] =	vst v0  }
.LBB3_1:
0x71: {  	s4 =	sadd.s32 $0x40, s4  }
0x72: {  	[tilespmem:s3+$0x0] =	vst v0;
	s3 =	sadd.s32 $0x40, s3;
	p0 =	slt.u32 s4, $0x5040  }
.Ltmp7:
0x73: {  	(pc) =	sbr.rel @p0 .LBB3_1-.Ltmp7, $4  }
0x74: {  	_ = 	snop  }
0x75: {  	[tilespmem:s3+$0x30] =	vst v0  }
0x76: {  	[tilespmem:s3+$0x20] =	vst v0  }
0x77: {  	[tilespmem:s3+$0x10] =	vst v0  }
0x78: {  	s8 =	stileid.u32  }
0x79: {  	s4 =	smul.u32 $0x4E, s8  }
0x7a: {  	s5 =	smin.u32 s8, $0x2  }
0x7b: {  	s4 =	sadd.s32 s5, s4  }
0x7c: {  	p0 =	slt.u32 s8, $0x2;
	s12 =	smul.u32 $0x140, s4;
	s4 =	simm.s32 $0x62C0  }
0x7d: {  	s4 =	simm.s32 @!p0 $0x6180  }
0x7e: {  	s25 =	simm.s32 $0x2;
	s4 =	sadd.s32 s4, s12  }
0x7f: {  	s28 =	simm.s32 $0x9;
	s9 =	simm.s32 $0xA;
	s14 =	smin.u32 s4, $0x61A80  }
0x80: {  	s30 =	simm.s32 $0xB;
	[dreg:$0x6] =	wrdreg s7;
	s4 =	ssub.s32 s14, s12  }
0x81: {  	s31 =	smul.u32 $0xC350, s7;
	s13 =	simm.s32 $0x1;
	p0 =	sgt.s32 s4, $0x0  }
0x82: {  	s19 =	simm.s32 $0x0;
	s20 =	simm.s32 $0xA808;
	s4 =	simm.s32 @!p0 $0x0  }
0x83: {  	s21 =	simm.s32 $0xFFFFFFFF;
	p1 =	por $0x0, $0x0;
	s26 =	smulhi.u32 $0x66666667, s4  }
0x84: {  	[tilespmem:s3+$0x0] =	vst v0;
	s23 =	simm.s32 $0x0;
	[sflag:s25] =	ssyncpa.u1 $0x0;
	s18 =	sshll.u32 s8, $0x7  }
0x85: {  	s0 =	sadd.s32 s31, s0;
	[dreg:$0xc] =	wrdreg s18;
	s3 =	sshrl.u32 s26, $0x7  }
0x86: {  	v0 =	vimm.s32 $0xFFFFFFFF;
	s17 =	sadd.s32 s31, s2;
	[dreg:$0xb] =	wrdreg s0;
	s29 =	smul.u32 $0x140, s3  }
0x87: {  	s25 =	simm.s32 $0x0;
	[tilespmem:$0xA108] =	vst v0;
	[sflag:s28] =	ssyncpa.u1 $0x0;
	[dreg:$0xa] =	wrdreg s17  }
.Ltmp8:
0x88: {  	p0 =	sne.s32 s4, s29;
	s4 =	simm.s32 $0x1;
	(pc) =	sbr.rel .LBB3_3-.Ltmp8, $4  }
0x89: {  	[sflag:s9] =	ssyncpa.u1 $0x0;
	[dreg:$0x7] =	wrdreg s12;
	s4 =	simm.s32 @!p0 $0x0  }
0x8a: {  	[sflag:s30] =	ssyncpa.u1 $0x0;
	[dreg:$0x8] =	wrdreg s14;
	s15 =	sadd.s32 s4, s3  }
0x8b: {  	s24 =	smov.u32 s12;
	s22 =	sadd.s32 $0x1, s15;
	[dreg:$0x9] =	wrdreg s15  }
0x8c: {  	v0 =	vlaneseq.u32;
	s26 =	simm.s32 $0x0;
	p0 =	por $0x1, $0x1;
	[dreg:$0xd] =	wrdreg s22  }
.LBB3_22:
0x8d: {  	s0 =	sshrl.u32 s3, $0x2  }
.LBB3_24:
0x8e: {  	s3 =	simm.s32 $0xC  }
0x8f: {  	_ =	swait.ge [sflag:s3], s0  }
0x90: {  	s31 =	ssub.s32 $0x0, s0;
	v1 =	vmov s4;
	vm0 =	veq.s32 v0, $0x0;
	[sflag:s3] =	ssyncset.done $0x0  }
0x91: {  	vm15 =	veq.s32 v0, $0x2;
	v1 =	vsel vm0, s2, v1;
	[sflag:s3] =	ssyncadd.s32 s31  }
0x92: {  	v1 =	vsel vm15, s26, v1;
	[sflag:s3] =	ssyncpa.u1 $0x1  }
0x93: {  	[tilespmem:$0xA108] =	vst v1  }
.LBB3_25:
0x94: {  	s0 =	sadd.s32 $0x140, s24  }
0x95: {  	s2 =	smov.u32 s12;
	p2 =	slt.s32 s0, s14  }
0x96: {  	s2 =	smov.u32 @p2 s0;
	p2 =	sne.s32 s25, s22  }
.Ltmp9:
0x97: {  	_ = 	snop;
	(pc) =	sbr.rel @!p2 .LBB3_26-.Ltmp9, $4  }
0x98: {  	_ = 	snop  }
0x99: {  	s26 =	smov.u32 s23;
	s31 =	sadd.s32 $0x1, s25;
	p0 =	por !p0, !p0  }
0x9a: {  	s23 =	smov.u32 s24;
	s20 =	sadd.s32 $0x140, s20;
	s21 =	sadd.s32 $0x1, s21  }
0x9b: {  	p1 =	por !p1, !p1;
	s25 =	smov.u32 s31;
	s24 =	smov.u32 s2  }
.LBB3_3:
0x9c: {  	p2 =	sge.u32 s25, s15  }
0x9d: {  	s0 =	smulhi.u32 @!p2 $0xAAAAAAAB, s25  }
0x9e: {  	s2 =	smov.u32 s24;
	p3 =	sgt.s32 @!p2 s24, $0x61940  }
0x9f: {  	s3 =	sshra.s32 @!p2 s24, $0x1F;
	p3 =	por !p3, p2;
	s0 =	sshrl.u32 @!p2 s0, $0x1  }
0xa0: {  	s3 =	sand.u32 @!p2 s3, s24;
	s2 =	simm.s32 @p3 $0x61940;
	s0 =	smul.u32 @!p2 $0x3, s0  }
0xa1: {  	s2 =	ssub.s32 @!p2 s2, s3  }
0xa2: {  	s2 =	sadd.s32 @!p2 $0xFFF9E6C0, s2;
	s0 =	ssub.s32 @!p2 s25, s0  }
0xa3: {  	s3 =	sshll.u32 @!p2 s2, $0x2;
	p3 =	sgt.s32 @!p2 s2, $0x13F;
	s0 =	smul.u32 @!p2 $0x500, s0  }
0xa4: {  	s4 =	sand.u32 @!p2 $0x7, s24;
	s2 =	ssub.s32 @!p2 $0x500, s3;
	p3 =	por !p3, p2  }
0xa5: {  	s3 =	sshrl.u32 @!p2 s24, $0x3;
	s2 =	sshrl.u32 @!p2 s2, $0x2;
	s0 =	sshrl.u32 @!p2 s0, $0x2  }
0xa6: {  	s3 =	sadd.s32 @!p2 s3, s17;
	s2 =	simm.s32 @!p3 $0x0;
	s0 =	sadd.s32 @!p2 $0xA948, s0  }
0xa7: {  	[tilespmem:s0], [sflag:$0xA] =	stream.linear.gather @!p2 [hbm4b:s3+s4], s2, $0x38;
	[tilespmem:$0x1EF88] =	vst v63  }
0xa8: {  	s0 =	sadd.s32 $0xFFFFFFFF, s25  }
0xa9: {  	p2 =	sge.u32 s0, s15  }
.Ltmp10:
0xaa: {  	_ = 	snop;
	(pc) =	sbr.rel @p2 .LBB3_7-.Ltmp10, $1  }
0xab: {  	_ =	sdelay $0x3  }
0xac: {  	p2 =	sgt.s32 s23, $0x61940;
	s2 =	smov.u32 s23;
	s3 =	sshra.s32 s23, $0x1F  }
0xad: {  	s2 =	simm.s32 @!p2 $0x61940;
	s3 =	sand.u32 s3, s23  }
0xae: {  	s17 =	smulhi.u32 $0xAAAAAAAB, s21;
	s2 =	ssub.s32 s2, s3  }
0xaf: {  	s0 =	sand.u32 $0x1, s0;
	s2 =	sadd.s32 $0xFFF9E6C0, s2  }
0xb0: {  	s5 =	simm.s32 $0xA;
	s3 =	sshrl.u32 s17, $0x1;
	s4 =	sshll.u32 s2, $0x2  }
0xb1: {  	s7 =	sshrl.u32 s23, $0x3;
	s3 =	smul.u32 $0xFFFFF100, s3;
	s4 =	ssub.s32 $0x500, s4  }
0xb2: {  	s18 =	smul.u32 $0x500, s0;
	p2 =	sgt.s32 s2, $0x13F;
	s2 =	sshrl.u32 s4, $0x2  }
0xb3: {  	s9 =	sand.u32 $0x7, s23;
	s3 =	sshra.s32 s3, $0x2;
	s2 =	simm.s32 @p2 $0x0  }
0xb4: {  	s0 =	sadd.s32 s3, s20;
	s4 =	sshrl.u32 s18, $0x2;
	_ =	swait.ge [sflag:s5], s2  }
0xb5: {  	s22 =	ssub.s32 $0x0, s2;
	[sflag:s5] =	ssyncset.done $0x0;
	s8 =	rddreg [dreg:$0xb]  }
0xb6: {  	s4 =	sadd.s32 $0xAD08, s4;
	[sflag:s5] =	ssyncadd.s32 s22;
	s3 =	sadd.s32 s7, s8  }
0xb7: {  	[tilespmem:s4], [sflag:$0xB] =	stream.linear.gather [hbm4b:s3+s9], s2, $0x38;
	[tilespmem:$0x1EF88] =	vst v63  }
0xb8: {  	v1 =	vld.msk [tilespmem:s0+$0x0], $0xffff;
	_ =	sdelay $0x4  }
0xb9: {  	v1 =	vshll.u32 v1, $0x4  }
0xba: {  	(v2sf) =	vpush v1, $0x0  }
0xbb: {  	(v2sf) =	vpush v1, $0x1  }
0xbc: {  	(v2sf) =	vpush v1, $0x2;
	_ =	sdelay $0x3  }
0xbd: {  	(v2sf) =	vpush v1, $0x3;
	_ =	sdelay $0x1  }
0xbe: {  	(v2sf) =	vpush v1, $0x4  }
0xbf: {  	s2 =	simm.s32 $0x1;
	(v2sf) =	vpush v1, $0x5  }
0xc0: {  	s2 =	simm.s32 @!p0 $0x0  }
0xc1: {  	s2 =	smul.u32 $0x28000, s2;
	(v2sf) =	vpush v1, $0x6;
	_ =	sdelay $0x1  }
0xc2: {  	s2 =	sshrl.u32 s2, $0x2  }
0xc3: {  	s28 =	sadd.s32 $0xB708, s2  }
0xc4: {  	s12 =	sadd.s32 $0xFFFFF880, s28;
	s17 =	sadd.s32 $0xFFFFF900, s28;
	s10 =	spop (v2sf);
	(v2sf) =	vpush v1, $0x7  }
0xc5: {  	s18 =	sadd.s32 $0xFFFFF980, s28;
	s11 =	sand.u32 $0x1FFFFFF0, s10;
	s14 =	spop (v2sf)  }
0xc6: {  	(v2sf) =	vpush v1, $0x8;
	s2 =	sadd.s32 s6, s11;
	s15 =	sand.u32 $0x1FFFFFF0, s14;
	s16 =	spop (v2sf)  }
0xc7: {  	[tilespmem:s12], [sflag:$0x9] =	stream.linear.gather [hbm4b:s2+s19], $0x40, $0x38;
	[tilespmem:$0x1EF88] =	vst v63  }
0xc8: {  	s5 =	sadd.s32 $0xFFFFFA00, s28;
	s2 =	sadd.s32 s6, s15;
	s3 =	sand.u32 $0x1FFFFFF0, s16  }
0xc9: {  	(v2sf) =	vpush v1, $0x9;
	[tilespmem:s17], [sflag:$0x9] =	stream.linear.gather [hbm4b:s2+s19], $0x40, $0x38;
	[tilespmem:$0x1EF88] =	vst v63  }
0xca: {  	s7 =	sadd.s32 $0xFFFFFA80, s28;
	s22 =	spop (v2sf);
	s3 =	sadd.s32 s6, s3  }
0xcb: {  	(v2sf) =	vpush v1, $0xA;
	[tilespmem:s18], [sflag:$0x9] =	stream.linear.gather [hbm4b:s3+s19], $0x40, $0x38;
	[tilespmem:$0x1EF88] =	vst v63  }
0xcc: {  	s11 =	sadd.s32 $0xFFFFFB00, s28;
	s4 =	spop (v2sf);
	(v2sf) =	vpush v1, $0xB;
	s3 =	sand.u32 $0x1FFFFFF0, s22  }
0xcd: {  	s8 =	spop (v2sf);
	s2 =	sadd.s32 s6, s3;
	s3 =	sand.u32 $0x1FFFFFF0, s4  }
0xce: {  	(v2sf) =	vpush v1, $0xC;
	[tilespmem:s5], [sflag:$0x9] =	stream.linear.gather [hbm4b:s2+s19], $0x40, $0x38;
	[tilespmem:$0x1EF88] =	vst v63  }
0xcf: {  	s9 =	sand.u32 $0x1FFFFFF0, s8;
	s10 =	spop (v2sf);
	s3 =	sadd.s32 s6, s3  }
0xd0: {  	(v2sf) =	vpush v1, $0xD;
	[tilespmem:s7], [sflag:$0x9] =	stream.linear.gather [hbm4b:s3+s19], $0x40, $0x38;
	[tilespmem:$0x1EF88] =	vst v63  }
0xd1: {  	s12 =	sadd.s32 $0xFFFFFB80, s28;
	s2 =	sadd.s32 s6, s9;
	s3 =	sand.u32 $0x1FFFFFF0, s10  }
0xd2: {  	[tilespmem:s11], [sflag:$0x9] =	stream.linear.gather [hbm4b:s2+s19], $0x40, $0x38;
	[tilespmem:$0x1EF88] =	vst v63  }
0xd3: {  	s17 =	sadd.s32 $0xFFFFFC00, s28;
	s3 =	sadd.s32 s6, s3;
	s14 =	spop (v2sf)  }
0xd4: {  	[tilespmem:s12], [sflag:$0x9] =	stream.linear.gather [hbm4b:s3+s19], $0x40, $0x38;
	(v2sf) =	vpush v1, $0xE;
	[tilespmem:$0x1EF88] =	vst v63  }
0xd5: {  	s18 =	sadd.s32 $0xFFFFFC80, s28;
	s15 =	sand.u32 $0x1FFFFFF0, s14;
	s16 =	spop (v2sf)  }
0xd6: {  	s5 =	sadd.s32 $0xFFFFFD00, s28;
	(v2sf) =	vpush v1, $0xF;
	s2 =	sadd.s32 s6, s15;
	s3 =	sand.u32 $0x1FFFFFF0, s16  }
0xd7: {  	[tilespmem:s17], [sflag:$0x9] =	stream.linear.gather [hbm4b:s2+s19], $0x40, $0x38;
	[tilespmem:$0x1EF88] =	vst v63  }
0xd8: {  	s7 =	sadd.s32 $0xFFFFFD80, s28;
	s22 =	spop (v2sf);
	s3 =	sadd.s32 s6, s3  }
0xd9: {  	[tilespmem:s18], [sflag:$0x9] =	stream.linear.gather [hbm4b:s3+s19], $0x40, $0x38;
	[tilespmem:$0x1EF88] =	vst v63  }
0xda: {  	s11 =	sadd.s32 $0xFFFFFE00, s28;
	s4 =	spop (v2sf);
	s3 =	sand.u32 $0x1FFFFFF0, s22  }
0xdb: {  	s8 =	spop (v2sf);
	s2 =	sadd.s32 s6, s3;
	s3 =	sand.u32 $0x1FFFFFF0, s4  }
0xdc: {  	[tilespmem:s5], [sflag:$0x9] =	stream.linear.gather [hbm4b:s2+s19], $0x40, $0x38;
	[tilespmem:$0x1EF88] =	vst v63  }
0xdd: {  	s9 =	sand.u32 $0x1FFFFFF0, s8;
	s10 =	spop (v2sf);
	s3 =	sadd.s32 s6, s3  }
0xde: {  	[tilespmem:s7], [sflag:$0x9] =	stream.linear.gather [hbm4b:s3+s19], $0x40, $0x38;
	[tilespmem:$0x1EF88] =	vst v63  }
0xdf: {  	s14 =	spop (v2sf);
	s2 =	sadd.s32 s6, s9;
	s3 =	sand.u32 $0x1FFFFFF0, s10  }
0xe0: {  	[tilespmem:s11], [sflag:$0x9] =	stream.linear.gather [hbm4b:s2+s19], $0x40, $0x38;
	[tilespmem:$0x1EF88] =	vst v63  }
0xe1: {  	s12 =	sadd.s32 $0xFFFFFE80, s28;
	s15 =	sand.u32 $0x1FFFFFF0, s14;
	s3 =	sadd.s32 s6, s3  }
0xe2: {  	[tilespmem:s12], [sflag:$0x9] =	stream.linear.gather [hbm4b:s3+s19], $0x40, $0x38;
	[tilespmem:$0x1EF88] =	vst v63  }
0xe3: {  	s17 =	sadd.s32 $0xFFFFFF00, s28;
	s2 =	sadd.s32 s6, s15;
	s16 =	spop (v2sf)  }
0xe4: {  	[tilespmem:s17], [sflag:$0x9] =	stream.linear.gather [hbm4b:s2+s19], $0x40, $0x38;
	[tilespmem:$0x1EF88] =	vst v63  }
0xe5: {  	s29 =	simm.s32 $0x0;
	s3 =	sand.u32 $0x1FFFFFF0, s16;
	s18 =	spop (v2sf)  }
0xe6: {  	s22 =	sadd.s32 $0xFFFFFF80, s28;
	s3 =	sadd.s32 s6, s3;
	s2 =	sand.u32 $0x1FFFFFF0, s18  }
0xe7: {  	[tilespmem:s22], [sflag:$0x9] =	stream.linear.gather [hbm4b:s3+s19], $0x40, $0x38;
	[tilespmem:$0x1EF88] =	vst v63  }
0xe8: {  	s31 =	sadd.s32 $0x10, s0;
	s30 =	sadd.s32 $0x800, s28;
	s2 =	sadd.s32 s6, s2  }
.LBB3_5:
0xe9: {  	[tilespmem:s28], [sflag:$0x9] =	stream.linear.gather [hbm4b:s2+s19], $0x40, $0x38;
	[tilespmem:$0x1EF88] =	vst v63  }
0xea: {  	s29 =	sadd.s32 $0x10, s29;
	s28 =	smov.u32 s30  }
0xeb: {  	p2 =	slt.u32 s29, $0x130;
	v1 =	vld.msk [tilespmem:s31+$0x0], $0xffff;
	_ =	sdelay $0x4  }
0xec: {  	v1 =	vshll.u32 v1, $0x4  }
0xed: {  	(v2sf) =	vpush v1, $0x0  }
0xee: {  	(v2sf) =	vpush v1, $0x1  }
0xef: {  	(v2sf) =	vpush v1, $0x2;
	_ =	sdelay $0x1  }
0xf0: {  	(v2sf) =	vpush v1, $0x3;
	_ =	sdelay $0x1  }
0xf1: {  	(v2sf) =	vpush v1, $0x4;
	_ =	sdelay $0x1  }
0xf2: {  	(v2sf) =	vpush v1, $0x5;
	_ =	sdelay $0x1  }
0xf3: {  	(v2sf) =	vpush v1, $0x6  }
0xf4: {  	s4 =	sadd.s32 $0xFFFFFE80, s30;
	s0 =	sadd.s32 $0xFFFFFF00, s30  }
0xf5: {  	s3 =	sadd.s32 $0xFFFFFD00, s30;
	s2 =	sadd.s32 $0xFFFFFD80, s30;
	s5 =	sadd.s32 $0xFFFFFE00, s30;
	(v2sf) =	vpush v1, $0x7  }
0xf6: {  	s10 =	sadd.s32 $0xFFFFFB80, s30;
	s9 =	sadd.s32 $0xFFFFFC00, s30;
	s16 =	sadd.s32 $0xFFFFFC80, s30  }
0xf7: {  	s11 =	sadd.s32 $0xFFFFFA00, s30;
	s12 =	sadd.s32 $0xFFFFFA80, s30;
	s15 =	sadd.s32 $0xFFFFFB00, s30;
	(v2sf) =	vpush v1, $0x8  }
0xf8: {  	s18 =	sadd.s32 $0xFFFFF900, s30;
	s7 =	sadd.s32 $0xFFFFF980, s30;
	s22 =	spop (v2sf)  }
0xf9: {  	s8 =	sadd.s32 $0xFFFFF880, s30;
	s22 =	sand.u32 $0x1FFFFFF0, s22;
	s14 =	spop (v2sf);
	(v2sf) =	vpush v1, $0x9  }
0xfa: {  	s22 =	sadd.s32 s6, s22;
	s14 =	sand.u32 $0x1FFFFFF0, s14;
	s17 =	spop (v2sf)  }
0xfb: {  	[tilespmem:s8], [sflag:$0x9] =	stream.linear.gather [hbm4b:s22+s19], $0x40, $0x38;
	(v2sf) =	vpush v1, $0xA;
	[tilespmem:$0x1EF88] =	vst v63  }
0xfc: {  	s8 =	sadd.s32 s6, s14;
	s14 =	sand.u32 $0x1FFFFFF0, s17;
	s17 =	spop (v2sf)  }
0xfd: {  	[tilespmem:s18], [sflag:$0x9] =	stream.linear.gather [hbm4b:s8+s19], $0x40, $0x38;
	(v2sf) =	vpush v1, $0xB;
	[tilespmem:$0x1EF88] =	vst v63  }
0xfe: {  	s8 =	sadd.s32 s6, s14;
	s14 =	sand.u32 $0x1FFFFFF0, s17;
	s17 =	spop (v2sf)  }
0xff: {  	[tilespmem:s7], [sflag:$0x9] =	stream.linear.gather [hbm4b:s8+s19], $0x40, $0x38;
	(v2sf) =	vpush v1, $0xC;
	[tilespmem:$0x1EF88] =	vst v63  }
0x100: {  	s7 =	sadd.s32 s6, s14;
	s8 =	sand.u32 $0x1FFFFFF0, s17;
	s14 =	spop (v2sf)  }
0x101: {  	[tilespmem:s11], [sflag:$0x9] =	stream.linear.gather [hbm4b:s7+s19], $0x40, $0x38;
	(v2sf) =	vpush v1, $0xD;
	[tilespmem:$0x1EF88] =	vst v63  }
0x102: {  	s7 =	sadd.s32 s6, s8;
	s8 =	sand.u32 $0x1FFFFFF0, s14;
	s11 =	spop (v2sf)  }
0x103: {  	[tilespmem:s12], [sflag:$0x9] =	stream.linear.gather [hbm4b:s7+s19], $0x40, $0x38;
	(v2sf) =	vpush v1, $0xE;
	[tilespmem:$0x1EF88] =	vst v63  }
0x104: {  	s7 =	sadd.s32 s6, s8;
	s8 =	sand.u32 $0x1FFFFFF0, s11;
	s11 =	spop (v2sf)  }
0x105: {  	[tilespmem:s15], [sflag:$0x9] =	stream.linear.gather [hbm4b:s7+s19], $0x40, $0x38;
	(v2sf) =	vpush v1, $0xF;
	[tilespmem:$0x1EF88] =	vst v63  }
0x106: {  	s7 =	sadd.s32 s6, s8;
	s8 =	sand.u32 $0x1FFFFFF0, s11;
	s11 =	spop (v2sf)  }
0x107: {  	[tilespmem:s10], [sflag:$0x9] =	stream.linear.gather [hbm4b:s7+s19], $0x40, $0x38;
	[tilespmem:$0x1EF88] =	vst v63  }
0x108: {  	s7 =	sadd.s32 s6, s8;
	s8 =	sand.u32 $0x1FFFFFF0, s11;
	s10 =	spop (v2sf)  }
0x109: {  	[tilespmem:s9], [sflag:$0x9] =	stream.linear.gather [hbm4b:s7+s19], $0x40, $0x38;
	[tilespmem:$0x1EF88] =	vst v63  }
0x10a: {  	s7 =	sadd.s32 s6, s8;
	s8 =	sand.u32 $0x1FFFFFF0, s10;
	s9 =	spop (v2sf)  }
0x10b: {  	[tilespmem:s16], [sflag:$0x9] =	stream.linear.gather [hbm4b:s7+s19], $0x40, $0x38;
	[tilespmem:$0x1EF88] =	vst v63  }
0x10c: {  	s7 =	sadd.s32 s6, s8;
	s8 =	sand.u32 $0x1FFFFFF0, s9;
	s9 =	spop (v2sf)  }
0x10d: {  	[tilespmem:s3], [sflag:$0x9] =	stream.linear.gather [hbm4b:s7+s19], $0x40, $0x38;
	[tilespmem:$0x1EF88] =	vst v63  }
0x10e: {  	s3 =	sadd.s32 s6, s8;
	s7 =	sand.u32 $0x1FFFFFF0, s9;
	s8 =	spop (v2sf)  }
0x10f: {  	[tilespmem:s2], [sflag:$0x9] =	stream.linear.gather [hbm4b:s3+s19], $0x40, $0x38;
	[tilespmem:$0x1EF88] =	vst v63  }
0x110: {  	s2 =	sadd.s32 s6, s7;
	s3 =	sand.u32 $0x1FFFFFF0, s8;
	s7 =	spop (v2sf)  }
0x111: {  	[tilespmem:s5], [sflag:$0x9] =	stream.linear.gather [hbm4b:s2+s19], $0x40, $0x38;
	[tilespmem:$0x1EF88] =	vst v63  }
0x112: {  	s2 =	sadd.s32 s6, s3;
	s3 =	sand.u32 $0x1FFFFFF0, s7;
	s5 =	spop (v2sf)  }
0x113: {  	[tilespmem:s4], [sflag:$0x9] =	stream.linear.gather [hbm4b:s2+s19], $0x40, $0x38;
	[tilespmem:$0x1EF88] =	vst v63  }
0x114: {  	s2 =	sadd.s32 s6, s3  }
.Ltmp11:
0x115: {  	s3 =	sand.u32 $0x1FFFFFF0, s5;
	s4 =	spop (v2sf);
	(pc) =	sbr.rel @p2 .LBB3_5-.Ltmp11, $4  }
0x116: {  	[tilespmem:s0], [sflag:$0x9] =	stream.linear.gather [hbm4b:s2+s19], $0x40, $0x38;
	[tilespmem:$0x1EF88] =	vst v63  }
0x117: {  	s0 =	sadd.s32 s6, s3;
	s2 =	sadd.s32 $0xFFFFFF80, s30;
	s3 =	sand.u32 $0x1FFFFFF0, s4  }
0x118: {  	[tilespmem:s2], [sflag:$0x9] =	stream.linear.gather [hbm4b:s0+s19], $0x40, $0x38;
	[tilespmem:$0x1EF88] =	vst v63  }
0x119: {  	s31 =	sadd.s32 $0x10, s31;
	s30 =	sadd.s32 $0x800, s30;
	s2 =	sadd.s32 s6, s3  }
0x11a: {  	[tilespmem:s28], [sflag:$0x9] =	stream.linear.gather [hbm4b:s2+s19], $0x40, $0x38;
	[tilespmem:$0x1EF88] =	vst v63  }
0x11b: {  	s12 =	rddreg [dreg:$0x7]  }
0x11c: {  	s14 =	rddreg [dreg:$0x8]  }
0x11d: {  	s15 =	rddreg [dreg:$0x9]  }
0x11e: {  	s17 =	rddreg [dreg:$0xa]  }
0x11f: {  	s18 =	rddreg [dreg:$0xc]  }
0x120: {  	s22 =	rddreg [dreg:$0xd]  }
.LBB3_7:
0x121: {  	p2 =	slt.u32 s25, $0x2  }
.Ltmp12:
0x122: {  	_ = 	snop;
	(pc) =	sbr.rel @p2 .LBB3_25-.Ltmp12, $1  }
0x123: {  	_ =	sdelay $0x3  }
0x124: {  	p2 =	sgt.s32 s26, $0x61940;
	s0 =	smov.u32 s26;
	s2 =	sshra.s32 s26, $0x1F  }
0x125: {  	s0 =	simm.s32 @!p2 $0x61940;
	s2 =	sand.u32 s2, s26  }
0x126: {  	s0 =	ssub.s32 s0, s2  }
0x127: {  	s0 =	sadd.s32 $0xFFF9E6C0, s0  }
0x128: {  	s3 =	simm.s32 $0x9;
	s29 =	sshll.u32 s0, $0x2  }
0x129: {  	_ =	swait.ge [sflag:s3], $0x5000;
	s2 =	ssub.s32 $0x500, s29  }
0x12a: {  	[sflag:s3] =	ssyncset.done $0x0;
	p2 =	sgt.s32 s0, $0x13F;
	s0 =	sshrl.u32 s2, $0x2  }
0x12b: {  	s30 =	simm.s32 $0xB;
	[sflag:s3] =	ssyncadd.s32 $0xFFFFB000;
	s0 =	simm.s32 @p2 $0x0  }
0x12c: {  	_ =	swait.ge [sflag:s30], s0  }
0x12d: {  	s0 =	ssub.s32 $0x0, s0;
	[sflag:s30] =	ssyncset.done $0x0  }
0x12e: {  	[sflag:s30] =	ssyncadd.s32 s0  }
0x12f: {  	v1 =	vld [tilespmem:$0xA108];
	_ =	sdelay $0x4  }
0x130: {  	(v2sf) =	vpush v1, $0x0  }
0x131: {  	(v2sf) =	vpush v1, $0x1  }
0x132: {  	(v2sf) =	vpush v1, $0x2;
	_ =	sdelay $0x3  }
0x133: {  	s0 =	sadd.s32 $0x140, s26  }
0x134: {  	s4 =	ssub.s32 $0xC3500, s26;
	p2 =	slt.s32 s14, s0  }
0x135: {  	s0 =	smov.u32 @p2 s14;
	p2 =	sgt.s32 s4, $0x0  }
0x136: {  	s0 =	ssub.s32 s0, s26;
	s4 =	simm.s32 @!p2 $0x0  }
0x137: {  	p2 =	slt.s32 s4, s0  }
0x138: {  	s0 =	smov.u32 @p2 s4  }
0x139: {  	s2 =	simm.s32 $0x1;
	p2 =	slt.s32 s0, $0x1  }
.Ltmp13:
0x13a: {  	s2 =	simm.s32 @!p1 $0x0;
	(pc) =	sbr.rel @p2 .LBB3_12-.Ltmp13, $4  }
0x13b: {  	s7 =	smul.u32 $0x500, s2  }
0x13c: {  	s3 =	spop (v2sf)  }
0x13d: {  	s31 =	sshrl.u32 s7, $0x2;
	s5 =	spop (v2sf)  }
0x13e: {  	s28 =	sadd.s32 $0xAD08, s31;
	s26 =	spop (v2sf)  }
0x13f: {  	s4 =	smin.u32 s0, $0x10  }
0x140: {  	v1 =	vmov s4  }
0x141: {  	p3 =	sgt.s32 s0, $0x10;
	vm1 =	vgt.u32 v1, v0  }
.Ltmp14:
0x142: {  	_ = 	snop;
	(pc) =	sbr.rel @!p3 .LBB3_11-.Ltmp14, $2  }
0x143: {  	_ =	sdelay $0x2  }
0x144: {  	s9 =	simm.s32 $0x10;
	s10 =	sadd.s32 $0xFFFFFFF0, s0;
	s4 =	smov.u32 s28;
	vm0 =	vmmov vm1  }
.LBB3_10:
0x145: {  	s7 =	smin.u32 s10, $0x10;
	s9 =	sadd.s32 $0x10, s9;
	v1 =	vld.msk [tilespmem:s4+$0x0 ss:$0x1], vm1  }
0x146: {  	v2 =	vmov s7;
	p3 =	slt.s32 s9, s0  }
0x147: {  	vm1 =	vgt.u32 v2, v0  }
.Ltmp15:
0x148: {  	(pc) =	sbr.rel @p3 .LBB3_10-.Ltmp15, $3  }
0x149: {  	_ =	sdelay $0x1  }
0x14a: {  	v1 =	vshll.u32 v1, $0x4  }
0x14b: {  	s10 =	sadd.s32 $0xFFFFFFF0, s10;
	[tilespmem:s4+$0x0] =	vst.msk vm0, v1;
	s4 =	sadd.s32 $0x10, s4;
	vm0 =	vmmov vm1  }
.LBB3_11:
0x14c: {  	_ =	sdelay $0x4  }
0x14d: {  	v1 =	vld.msk [tilespmem:s4+$0x0 ss:$0x1], vm1;
	_ =	sdelay $0x4  }
0x14e: {  	v1 =	vshll.u32 v1, $0x4  }
0x14f: {  	[tilespmem:s4+$0x0] =	vst.msk vm0, v1  }
.LBB3_12:
0x150: {  	s4 =	sand.u32 $0x1, s25  }
0x151: {  	s4 =	smul.u32 $0x140, s4  }
0x152: {  	p3 =	sne.s32 s5, $0xFFFFFFFF  }
0x153: {  	v1 =	vld.msk @!p3 [tilespmem:s4+$0xAD08], $0x1;
	_ =	sdelay $0x4  }
0x154: {  	(v2sf) =	vpush @!p3 v1, $0x0;
	_ =	sdelay $0xc  }
.Ltmp16:
0x155: {  	_ = 	snop;
	(pc) =	sbr.rel @p2 .LBB3_23-.Ltmp16, $4  }
0x156: {  	_ = 	snop  }
0x157: {  	s29 =	spop @!p3 (v2sf)  }
0x158: {  	s31 =	simm.s32 $0xC;
	s26 =	simm.s32 @!p3 $0x0;
	s4 =	smov.u32 s29  }
0x159: {  	[sflag:s31] =	ssyncpa.u1 $0x0;
	s29 =	smov.u32 @p3 s3;
	s4 =	smov.u32 @p3 s5  }
0x15a: {  	v1 =	vld.msk [tilespmem:s28+$0x0], $0x1;
	_ =	sdelay $0x4  }
0x15b: {  	(v2sf) =	vpush v1, $0x0;
	_ =	sdelay $0xe  }
0x15c: {  	s2 =	smul.u32 $0x28000, s2;
	s5 =	spop (v2sf)  }
0x15d: {  	s31 =	ssub.s32 $0x0, s0;
	p2 =	seq.s32 s29, s5  }
0x15e: {  	s3 =	smov.u32 s29;
	s2 =	sshrl.u32 s2, $0x2;
	p3 =	sgt.s32 @!p2 s29, $0x0  }
0x15f: {  	s30 =	sadd.s32 $0xAFA8, s2;
	s2 =	sadd.s32 $0x1, s31;
	p3 =	por !p3, p2  }
0x160: {  	s3 =	simm.s32 @p3 $0x0;
	p3 =	seq.s32 s2, $0x0  }
.Ltmp17:
0x161: {  	_ = 	snop;
	(pc) =	sbr.rel @p3 .LBB3_15-.Ltmp17, $4  }
0x162: {  	_ = 	snop  }
0x163: {  	s0 =	simm.s32 $0x0;
	s9 =	simm.s32 @!p2 $0x1;
	s3 =	smin.u32 @!p2 s3, $0xC34F8  }
0x164: {  	s10 =	simm.s32 @!p2 $0x50C8;
	s9 =	smov.u32 @p2 s0;
	s7 =	sand.u32 @!p2 $0xFFFF8, s3  }
0x165: {  	s16 =	sand.u32 @!p2 $0x7, s3;
	s3 =	sadd.s32 $0x1, s28;
	s11 =	sadd.s32 @!p2 s1, s7  }
.LBB3_14:
0x166: {  	s7 =	smov.u32 s9  }
0x167: {  	[tilespmem:s10], [sflag:$0x2] =	stream.linear.gather @!p2 [hbm4b:s11+s16], $0x40, $0x38;
	[tilespmem:$0x1EF88] =	vst v63  }
0x168: {  	s2 =	sadd.s32 $0x1, s2;
	s8 =	smov.u32 s5;
	v1 =	vld.msk [tilespmem:s3+$0x0], $0x1  }
0x169: {  	p3 =	seq.s32 s2, $0x0;
	_ =	sdelay $0x3  }
0x16a: {  	(v2sf) =	vpush v1, $0x0;
	_ =	sdelay $0xe  }
0x16b: {  	s5 =	spop (v2sf)  }
0x16c: {  	p2 =	seq.s32 s8, s5  }
0x16d: {  	p4 =	sgt.s32 @!p2 s8, $0x0;
	s10 =	sshll.u32 @!p2 s9, $0x8;
	s9 =	sadd.s32 @!p2 $0x1, s9  }
.Ltmp18:
0x16e: {  	p4 =	por !p4, p2;
	s10 =	sshra.s32 @!p2 s10, $0x2;
	(pc) =	sbr.rel @!p3 .LBB3_14-.Ltmp18, $4  }
0x16f: {  	s9 =	smov.u32 @p2 s7;
	s8 =	simm.s32 @p4 $0x0;
	s10 =	sadd.s32 @!p2 $0x50C8, s10  }
0x170: {  	s7 =	smin.u32 @!p2 s8, $0xC34F8  }
0x171: {  	s8 =	sand.u32 @!p2 $0xFFFF8, s7;
	s16 =	sand.u32 @!p2 $0x7, s7  }
0x172: {  	s3 =	sadd.s32 $0x1, s3;
	s11 =	sadd.s32 @!p2 s1, s8  }
.LBB3_15:
0x173: {  	[tilespmem:s10], [sflag:$0x2] =	stream.linear.gather @!p2 [hbm4b:s11+s16], $0x40, $0x38;
	[tilespmem:$0x1EF88] =	vst v63  }
.Ltmp19:
0x174: {  	s2 =	sshll.u32 s9, $0x6;
	(pc) =	sbr.rel .LBB3_16-.Ltmp19, $4  }
0x175: {  	s3 =	simm.s32 $0x2;
	s2 =	sand.u32 $0x3FFFFFC0, s2  }
0x176: {  	_ =	swait.ge [sflag:s3], s2  }
0x177: {  	s2 =	ssub.s32 $0x0, s2;
	[sflag:s3] =	ssyncset.done $0x0  }
0x178: {  	[sflag:s3] =	ssyncadd.s32 s2;
	s3 =	simm.s32 $0x0  }
.LBB3_17:
0x179: {  	v1 =	vld [tilespmem:s30+$0xFFFFFFE0];
	_ =	sdelay $0x4  }
0x17a: {  	[tilespmem:s5+$0x88] =	vst.add.f32.msk $0xffff, v1  }
0x17b: {  	v1 =	vld [tilespmem:s30+$0xFFFFFFF0];
	_ =	sdelay $0x4  }
0x17c: {  	[tilespmem:s5+$0x98] =	vst.add.f32.msk $0xffff, v1  }
0x17d: {  	v1 =	vld [tilespmem:s30+$0x0];
	_ =	sdelay $0x4  }
0x17e: {  	[tilespmem:s5+$0xA8] =	vst.add.f32.msk $0xffff, v1  }
0x17f: {  	v1 =	vld [tilespmem:s30+$0x10];
	_ =	sdelay $0x4  }
0x180: {  	[tilespmem:s5+$0xB8] =	vst.add.f32.msk $0xffff, v1  }
.LBB3_21:
0x181: {  	s31 =	sadd.s32 $0x1, s31  }
0x182: {  	p2 =	seq.s32 s31, $0x0  }
.Ltmp20:
0x183: {  	_ = 	snop;
	(pc) =	sbr.rel @p2 .LBB3_22-.Ltmp20, $2  }
0x184: {  	_ =	sdelay $0x2  }
0x185: {  	s30 =	sadd.s32 $0x80, s30;
	s28 =	sadd.s32 $0x1, s28;
	s29 =	smov.u32 s2  }
.LBB3_16:
0x186: {  	v1 =	vld.msk [tilespmem:s28+$0x0], $0x1;
	_ =	sdelay $0x4  }
0x187: {  	(v2sf) =	vpush v1, $0x0;
	_ =	sdelay $0xe  }
0x188: {  	s2 =	spop (v2sf)  }
0x189: {  	p2 =	sne.s32 s29, s2  }
.Ltmp21:
0x18a: {  	_ = 	snop;
	(pc) =	sbr.rel @!p2 .LBB3_17-.Ltmp21, $3  }
0x18b: {  	_ =	sdelay $0x1  }
0x18c: {  	s5 =	sshll.u32 s26, $0x8  }
0x18d: {  	s5 =	sshra.s32 s5, $0x2  }
0x18e: {  	p2 =	seq.s32 s29, s4  }
.Ltmp22:
0x18f: {  	_ = 	snop;
	(pc) =	sbr.rel @!p2 .LBB3_19-.Ltmp22, $1  }
0x190: {  	_ =	sdelay $0x3  }
.Ltmp23:
0x191: {  	s5 =	sadd.s32 $0x88, s5;
	(pc) =	sbr.rel .LBB3_20-.Ltmp23, $4  }
0x192: {  	[spmem:s18] =	stream.linear.scatter [tilespmem:s5], [sflag:$0x1], $0x40, $0x38;
	[tilespmem:$0x1EF88] =	vst v63  }
0x193: {  	_ =	swait.ge [sflag:s13], $0x40  }
0x194: {  	[sflag:s13] =	ssyncset.done $0x0  }
0x195: {  	[sflag:s13] =	ssyncadd.s32 $0xFFFFFFC0  }
.LBB3_19:
0x196: {  	s7 =	sshll.u32 s0, $0x8  }
0x197: {  	s7 =	sshra.s32 s7, $0x2  }
0x198: {  	v1 =	vld [tilespmem:s7+$0x50C8];
	_ =	sdelay $0x4  }
0x199: {  	[tilespmem:s5+$0x88] =	vst.add.f32.msk $0xffff, v1  }
0x19a: {  	v1 =	vld [tilespmem:s7+$0x50D8];
	_ =	sdelay $0x4  }
0x19b: {  	[tilespmem:s5+$0x98] =	vst.add.f32.msk $0xffff, v1  }
0x19c: {  	v1 =	vld [tilespmem:s7+$0x50E8];
	_ =	sdelay $0x4  }
0x19d: {  	[tilespmem:s5+$0xA8] =	vst.add.f32.msk $0xffff, v1  }
0x19e: {  	v1 =	vld [tilespmem:s7+$0x50F8];
	_ =	sdelay $0x2  }
0x19f: {  	p2 =	sgt.u32 s29, $0xC34F8  }
0x1a0: {  	s7 =	sand.u32 @!p2 $0xFFFF8, s29  }
0x1a1: {  	s8 =	sadd.s32 $0x88, s5;
	[tilespmem:s5+$0xB8] =	vst.add.f32.msk $0xffff, v1;
	s5 =	sadd.s32 @!p2 s1, s7;
	s7 =	sand.u32 @!p2 $0x7, s29  }
0x1a2: {  	[hbm4b:s5+s7] =	stream.linear.scatter @!p2 [tilespmem:s8], [sflag:$0xC], $0x40, $0x38;
	[tilespmem:$0x1EF88] =	vst v63  }
0x1a3: {  	s5 =	simm.s32 $0x0  }
0x1a4: {  	s5 =	simm.s32 @!p2 $0x100  }
0x1a5: {  	s3 =	sadd.s32 s5, s3  }
.LBB3_20:
0x1a6: {  	s5 =	sadd.s32 $0x1, s26  }
0x1a7: {  	s7 =	smulhi.u32 $0xCCCCCCCD, s5;
	_ =	sdelay $0x1  }
0x1a8: {  	v1 =	vld [tilespmem:s30+$0xFFFFFFE0];
	s7 =	sshrl.u32 s7, $0x8  }
0x1a9: {  	s7 =	smul.u32 $0x140, s7;
	_ =	sdelay $0x1  }
0x1aa: {  	s26 =	ssub.s32 s5, s7  }
0x1ab: {  	s5 =	sshll.u32 s26, $0x6  }
0x1ac: {  	[tilespmem:s5+$0x88] =	vst v1  }
0x1ad: {  	v1 =	vld [tilespmem:s30+$0xFFFFFFF0];
	_ =	sdelay $0x4  }
0x1ae: {  	[tilespmem:s5+$0x98] =	vst v1  }
0x1af: {  	v1 =	vld [tilespmem:s30+$0x0];
	_ =	sdelay $0x4  }
0x1b0: {  	[tilespmem:s5+$0xA8] =	vst v1  }
0x1b1: {  	v1 =	vld [tilespmem:s30+$0x10]  }
.Ltmp24:
0x1b2: {  	_ = 	snop;
	(pc) =	sbr.rel .LBB3_21-.Ltmp24, $2  }
0x1b3: {  	_ =	sdelay $0x2  }
0x1b4: {  	s0 =	sadd.s32 $0x1, s0;
	[tilespmem:s5+$0xB8] =	vst v1  }
.LBB3_23:
.Ltmp25:
0x1b5: {  	(pc) =	sbr.rel .LBB3_24-.Ltmp25, $4  }
0x1b6: {  	_ = 	snop  }
0x1b7: {  	s0 =	simm.s32 $0x2  }
0x1b8: {  	_ =	swait.ge [sflag:s0], $0x0  }
0x1b9: {  	s2 =	smov.u32 s29;
	[sflag:s0] =	ssyncset.done $0x0;
	s0 =	simm.s32 $0x0  }
.LBB3_26:
0x1ba: {  	_ =	sfence.sel $0x180000  }
0x1bb: {  	s0 =	simm.s32 $0x9;
	[bflag:$0x0] =	sbarrier.arrive $0xFFFF  }
0x1bc: {  	s24 =	simm.s32 $0xA;
	[sflag:s0] =	ssyncpa.u1 $0x1  }
0x1bd: {  	s25 =	simm.s32 $0xB;
	[sflag:s24] =	ssyncpa.u1 $0x1  }
0x1be: {  	s26 =	simm.s32 $0x2;
	[sflag:s25] =	ssyncpa.u1 $0x1  }
0x1bf: {  	[sflag:s26] =	ssyncpa.u1 $0x1  }
0x1c0: {  	v0 =	vld [tilespmem:$0xA108];
	_ =	sdelay $0x4  }
0x1c1: {  	(v2sf) =	vpush v0, $0x0  }
0x1c2: {  	(v2sf) =	vpush v0, $0x1;
	_ =	sdelay $0x1  }
0x1c3: {  	(v2sf) =	vpush v0, $0x2;
	_ =	sdelay $0xb  }
0x1c4: {  	s0 =	spop (v2sf)  }
0x1c5: {  	s2 =	spop (v2sf)  }
0x1c6: {  	s3 =	smov.u32 s0;
	p0 =	sne.s32 s0, s2  }
0x1c7: {  	s4 =	spop (v2sf);
	s3 =	simm.s32 @!p0 $0xFFFFFFFF  }
0x1c8: {  	v2 =	vimm.s32 $0x1;
	v3 =	vlaneseq.u32;
	p0 =	seq.s32 s4, $0xFFFFFFFF;
	v1 =	vmov s3  }
0x1c9: {  	s14 =	stileid.u32;
	v0 =	vperm.xlane v0, v2;
	p1 =	sne.s32 @!p0 s0, s2;
	v1 =	vperm.xlane v1, v3  }
0x1ca: {  	vm0 =	vcmask $0x3F04;
	s6 =	simm.s32 $0xA108;
	s0 =	simm.s32 @!p0 $0x1;
	p1 =	por !p1, p0  }
0x1cb: {  	s3 =	sshll.u32 s14, $0x1;
	s2 =	sshll.u32 @!p0 s4, $0x8;
	s0 =	simm.s32 @p1 $0x0;
	v0 =	vsel vm0, v1, v0  }
0x1cc: {  	s5 =	sor.u32 $0x800, s3;
	s2 =	sshra.s32 @!p0 s2, $0x2;
	s0 =	sor.u32 @!p0 s0, s3;
	[tilespmem:$0xA108] =	vst v0  }
0x1cd: {  	[spmem:s5] =	stream.linear.scatter [tilespmem:s6], [sflag:$0x1], $0x2, $0x38;
	[tilespmem:$0x1EF88] =	vst v63  }
0x1ce: {  	s2 =	sadd.s32 @!p0 $0x88, s2;
	s0 =	sshll.u32 @!p0 s0, $0x6  }
0x1cf: {  	[spmem:s0] =	stream.linear.scatter @!p0 [tilespmem:s2], [sflag:$0x1], $0x40, $0x38;
	[tilespmem:$0x1EF88] =	vst v63  }
0x1d0: {  	s0 =	simm.s32 @!p0 $0x42  }
0x1d1: {  	s28 =	simm.s32 $0x1;
	s0 =	simm.s32 @p0 $0x2  }
0x1d2: {  	_ =	swait.ge [sflag:s28], s0  }
0x1d3: {  	s0 =	ssub.s32 $0x0, s0;
	[sflag:s28] =	ssyncset.done $0x0  }
0x1d4: {  	p0 =	sne.s32 s14, $0x0;
	[sflag:s28] =	ssyncadd.s32 s0  }
.Ltmp26:
0x1d5: {  	_ =	sfence.stream.spmem;
	(pc) =	sbr.rel @p0 .LBB3_43-.Ltmp26, $4  }
0x1d6: {  	s29 =	simm.s32 $0x3;
	[bflag:$0x0] =	sbarrier.arrive $0xFFFF  }
0x1d7: {  	s30 =	simm.s32 $0x4;
	[sflag:s29] =	ssyncpa.u1 $0x1  }
0x1d8: {  	s31 =	simm.s32 $0x3C;
	[sflag:s30] =	ssyncpa.u1 $0x1  }
0x1d9: {  	s13 =	rddreg [dreg:$0x6];
	[sflag:s31] =	ssyncpa.u1 $0x1  }
0x1da: {  	_ =	sfence.stream.spmem;
	s0 =	simm.s32 $0x5  }
0x1db: {  	s2 =	simm.s32 $0x800;
	s3 =	simm.s32 $0xA118;
	[sflag:s0] =	ssyncpa.u1 $0x0  }
0x1dc: {  	[tilespmem:s3], [sflag:$0x5] =	stream.linear.gather [spmem:s2], $0x20, $0x38;
	[tilespmem:$0x1EF88] =	vst v63  }
0x1dd: {  	s26 =	simm.s32 $0x0;
	s28 =	simm.s32 $0xA138  }
0x1de: {  	[tilespmem:s28], [sflag:$0x5] =	stream.linear.gather [spmem:s26], $0x800, $0x38;
	[tilespmem:$0x1EF88] =	vst v63  }
0x1df: {  	_ =	swait.ge [sflag:s0], $0x820  }
0x1e0: {  	[sflag:s0] =	ssyncset.done $0x0  }
0x1e1: {  	s29 =	simm.s32 $0x0;
	[sflag:s0] =	ssyncadd.s32 $0xFFFFF7E0  }
0x1e2: {  	v0 =	vld.msk [tilespmem:s29+$0xA118], $0x1;
	_ =	sdelay $0x1  }
0x1e3: {  	s30 =	simm.s32 $0x1  }
0x1e4: {  	v1 =	vld.msk [tilespmem:s30+$0xA118], $0x1;
	_ =	sdelay $0x1  }
0x1e5: {  	(v2sf) =	vpush v0, $0x0;
	_ =	sdelay $0x2  }
0x1e6: {  	(v2sf) =	vpush v1, $0x0;
	_ =	sdelay $0x2  }
0x1e7: {  	s31 =	simm.s32 $0x2  }
0x1e8: {  	v0 =	vld.msk [tilespmem:s31+$0xA118], $0x1;
	_ =	sdelay $0x2  }
0x1e9: {  	s2 =	simm.s32 $0xFFFFFFFF;
	s3 =	simm.s32 $0xFFFFFFFF;
	s0 =	simm.s32 $0xC  }
.LBB3_28:
0x1ea: {  	s4 =	smov.u32 s3;
	s5 =	smov.u32 s2  }
0x1eb: {  	s2 =	sshra.s32 s0, $0x2;
	p1 =	sne.s32 s0, $0x7C;
	s0 =	sadd.s32 $0x4, s0;
	(v2sf) =	vpush v0, $0x0  }
0x1ec: {  	v0 =	vld.msk [tilespmem:s2+$0xA118], $0x1  }
.Ltmp27:
0x1ed: {  	(pc) =	sbr.rel @p1 .LBB3_28-.Ltmp27, $4  }
0x1ee: {  	s3 =	spop (v2sf)  }
0x1ef: {  	p2 =	sne.s32 s5, $0xFFFFFFFF;
	s2 =	smov.u32 s3  }
0x1f0: {  	p3 =	seq.s32 s3, $0xFFFFFFFF;
	s2 =	smov.u32 @p2 s5  }
0x1f1: {  	s3 =	smov.u32 @p3 s4;
	s2 =	smov.u32 @p3 s5  }
0x1f2: {  	(v2sf) =	vpush v0, $0x0;
	_ =	sdelay $0x8  }
0x1f3: {  	s0 =	spop (v2sf)  }
0x1f4: {  	p1 =	sne.s32 s2, $0xFFFFFFFF;
	s4 =	smov.u32 s0  }
0x1f5: {  	s6 =	simm.s32 $0x0;
	p2 =	seq.s32 s0, $0xFFFFFFFF;
	s4 =	smov.u32 @p1 s2  }
0x1f6: {  	s9 =	simm.s32 $0xA0C8;
	s4 =	smov.u32 @p2 s2;
	s2 =	spop (v2sf)  }
0x1f7: {  	s0 =	smov.u32 @p2 s3;
	p1 =	sne.s32 s4, $0xFFFFFFFF;
	s5 =	smov.u32 s2  }
.Ltmp28:
0x1f8: {  	p2 =	seq.s32 s2, $0xFFFFFFFF;
	s5 =	smov.u32 @p1 s4;
	(pc) =	sbr.rel .LBB3_30-.Ltmp28, $4  }
0x1f9: {  	s10 =	simm.s32 $0x0;
	s5 =	smov.u32 @p2 s4;
	s7 =	spop (v2sf)  }
0x1fa: {  	s2 =	smov.u32 @p2 s0;
	p1 =	sne.s32 s5, $0xFFFFFFFF;
	s8 =	smov.u32 s7  }
0x1fb: {  	s0 =	simm.s32 $0x6;
	p2 =	seq.s32 s7, $0xFFFFFFFF;
	s8 =	smov.u32 @p1 s5  }
0x1fc: {  	[sflag:s0] =	ssyncpa.u1 $0x0;
	s7 =	smov.u32 @p2 s2;
	s8 =	smov.u32 @p2 s5  }
.LBB3_36:
0x1fd: {  	p1 =	sgt.u32 s2, $0xC34F8  }
0x1fe: {  	p2 =	seq.s32 @!p1 s2, s8  }
0x1ff: {  	p1 =	por p1, p2  }
0x200: {  	p2 =	sne.s32 @!p1 s2, s7  }
0x201: {  	p1 =	por p1, !p2  }
0x202: {  	s2 =	sshll.u32 @p1 s10, $0x8  }
0x203: {  	s3 =	sand.u32 @!p1 $0xFFFF8, s2  }
0x204: {  	s2 =	sand.u32 @!p1 $0x7, s2;
	s3 =	sadd.s32 @!p1 s1, s3  }
0x205: {  	[tilespmem:s9], [sflag:$0x6] =	stream.linear.gather @!p1 [hbm4b:s3+s2], $0x40, $0x38;
	[tilespmem:$0x1EF88] =	vst v63  }
0x206: {  	_ =	swait.ge @!p1 [sflag:s0], $0x40  }
0x207: {  	[sflag:s0] =	ssyncset.done @!p1 $0x0  }
0x208: {  	[sflag:s0] =	ssyncadd.s32 @!p1 $0xFFFFFFC0  }
0x209: {  	v1 =	vld @!p1 [tilespmem:$0xA0C8];
	_ =	sdelay $0x2  }
0x20a: {  	s2 =	sshll.u32 @!p1 s10, $0x8  }
0x20b: {  	s3 =	sshrl.u32 @!p1 s2, $0x2  }
0x20c: {  	[tilespmem:s3+$0xA138] =	vst.add.f32.msk @!p1 $0xffff, v1  }
0x20d: {  	v1 =	vld @!p1 [tilespmem:$0xA0D8];
	_ =	sdelay $0x4  }
0x20e: {  	[tilespmem:s3+$0xA148] =	vst.add.f32.msk @!p1 $0xffff, v1  }
0x20f: {  	v1 =	vld @!p1 [tilespmem:$0xA0E8];
	_ =	sdelay $0x4  }
0x210: {  	[tilespmem:s3+$0xA158] =	vst.add.f32.msk @!p1 $0xffff, v1  }
0x211: {  	v1 =	vld @!p1 [tilespmem:$0xA0F8];
	_ =	sdelay $0x4  }
0x212: {  	[tilespmem:s3+$0xA168] =	vst.add.f32.msk @!p1 $0xffff, v1  }
0x213: {  	s2 =	sshrl.u32 s2, $0x2;
	[tilespmem:s6+$0xA118] =	vst.msk $0x1, v0  }
0x214: {  	v0 =	vld [tilespmem:s2+$0xA138];
	_ =	sdelay $0x2  }
0x215: {  	s31 =	sshll.u32 s6, $0x8  }
0x216: {  	s3 =	sshra.s32 s31, $0x2  }
0x217: {  	[tilespmem:s3+$0xA138] =	vst v0  }
0x218: {  	v0 =	vld [tilespmem:s2+$0xA148];
	_ =	sdelay $0x4  }
0x219: {  	[tilespmem:s3+$0xA148] =	vst v0  }
0x21a: {  	v0 =	vld [tilespmem:s2+$0xA158];
	_ =	sdelay $0x4  }
0x21b: {  	[tilespmem:s3+$0xA158] =	vst v0  }
0x21c: {  	v0 =	vld [tilespmem:s2+$0xA168];
	_ =	sdelay $0x4  }
0x21d: {  	s6 =	sadd.s32 $0x1, s6;
	[tilespmem:s3+$0xA168] =	vst v0  }
.LBB3_37:
0x21e: {  	s10 =	sadd.s32 $0x1, s10  }
0x21f: {  	p1 =	sne.s32 s10, $0x20  }
.Ltmp29:
0x220: {  	_ = 	snop;
	(pc) =	sbr.rel @!p1 .LBB3_38-.Ltmp29, $1  }
0x221: {  	_ =	sdelay $0x3  }
.LBB3_30:
0x222: {  	v0 =	vld.msk [tilespmem:s10+$0xA118], $0x1;
	_ =	sdelay $0x4  }
0x223: {  	(v2sf) =	vpush v0, $0x0;
	_ =	sdelay $0xe  }
0x224: {  	s2 =	spop (v2sf)  }
0x225: {  	p1 =	seq.s32 s2, $0xFFFFFFFF  }
.Ltmp30:
0x226: {  	_ = 	snop;
	(pc) =	sbr.rel @p1 .LBB3_37-.Ltmp30, $1  }
0x227: {  	_ =	sdelay $0x3  }
0x228: {  	p1 =	slt.s32 s6, $0x1  }
.Ltmp31:
0x229: {  	_ = 	snop;
	(pc) =	sbr.rel @p1 .LBB3_36-.Ltmp31, $1  }
0x22a: {  	_ =	sdelay $0x3  }
0x22b: {  	s3 =	simm.s32 $0xA118;
	p1 =	por $0x0, $0x0  }
0x22c: {  	v1 =	vld.msk @!p1 [tilespmem:s3+$0x0], $0x1;
	_ =	sdelay $0x4  }
0x22d: {  	(v2sf) =	vpush @!p1 v1, $0x0;
	_ =	sdelay $0xd  }
0x22e: {  	p3 =	sne.s32 s6, $0x1  }
.Ltmp32:
0x22f: {  	s4 =	spop @!p1 (v2sf);
	(pc) =	sbr.rel @!p3 .LBB3_34-.Ltmp32, $4  }
0x230: {  	p2 =	seq.s32 @!p1 s2, s4  }
0x231: {  	s4 =	simm.s32 $0x0;
	p2 =	por !p2, p1  }
0x232: {  	s11 =	simm.s32 $0xFFFFFFFF;
	s4 =	simm.s32 @p2 $0xFFFFFFFF  }
0x233: {  	s5 =	simm.s32 $0x1;
	s4 =	smov.u32 @p1 s11  }
.LBB3_33:
0x234: {  	s11 =	smov.u32 s4;
	p1 =	sne.s32 s4, $0xFFFFFFFF  }
0x235: {  	s3 =	sadd.s32 $0x1, s3;
	s4 =	smov.u32 s5;
	s5 =	sadd.s32 $0x1, s5  }
0x236: {  	p2 =	sne.s32 s6, s5;
	v1 =	vld.msk @!p1 [tilespmem:s3+$0x0], $0x1;
	_ =	sdelay $0x4  }
0x237: {  	(v2sf) =	vpush @!p1 v1, $0x0;
	_ =	sdelay $0xe  }
.Ltmp33:
0x238: {  	s12 =	spop @!p1 (v2sf);
	(pc) =	sbr.rel @p2 .LBB3_33-.Ltmp33, $4  }
0x239: {  	p3 =	seq.s32 @!p1 s2, s12  }
0x23a: {  	p3 =	por !p3, p1  }
0x23b: {  	s4 =	simm.s32 @p3 $0xFFFFFFFF  }
0x23c: {  	s4 =	smov.u32 @p1 s11  }
.LBB3_34:
0x23d: {  	p1 =	seq.s32 s4, $0xFFFFFFFF  }
.Ltmp34:
0x23e: {  	_ = 	snop;
	(pc) =	sbr.rel @p1 .LBB3_36-.Ltmp34, $1  }
0x23f: {  	_ =	sdelay $0x3  }
0x240: {  	s2 =	sshll.u32 s10, $0x6  }
0x241: {  	s2 =	sand.u32 $0x3FFFFFC0, s2  }
0x242: {  	v0 =	vld [tilespmem:s2+$0xA138];
	_ =	sdelay $0x2  }
0x243: {  	s3 =	sshll.u32 s4, $0x8  }
0x244: {  	s3 =	sshra.s32 s3, $0x2  }
0x245: {  	[tilespmem:s3+$0xA138] =	vst.add.f32.msk $0xffff, v0  }
0x246: {  	v0 =	vld [tilespmem:s2+$0xA148];
	_ =	sdelay $0x4  }
0x247: {  	[tilespmem:s3+$0xA148] =	vst.add.f32.msk $0xffff, v0  }
0x248: {  	v0 =	vld [tilespmem:s2+$0xA158];
	_ =	sdelay $0x4  }
0x249: {  	[tilespmem:s3+$0xA158] =	vst.add.f32.msk $0xffff, v0  }
0x24a: {  	v0 =	vld [tilespmem:s2+$0xA168]  }
.Ltmp35:
0x24b: {  	_ = 	snop;
	(pc) =	sbr.rel .LBB3_37-.Ltmp35, $2  }
0x24c: {  	_ =	sdelay $0x2  }
0x24d: {  	[tilespmem:s3+$0xA168] =	vst.add.f32.msk $0xffff, v0  }
.LBB3_38:
0x24e: {  	s0 =	simm.s32 $0x6;
	p1 =	seq.s32 s6, $0x0  }
0x24f: {  	[sflag:s0] =	ssyncpa.u1 $0x1;
	v0 =	vimm.s32 @p1 $0xFFFFFFFF  }
0x250: {  	s0 =	sadd.s32 $0xFFFFFFFF, s6;
	[tilespmem:$0xA938] =	vst @p1 v0  }
0x251: {  	v0 =	vld.msk @!p1 [tilespmem:s0+$0xA118], $0x1;
	_ =	sdelay $0x1  }
0x252: {  	v1 =	vld.msk @!p1 [tilespmem:$0xA118], $0x1;
	_ =	sdelay $0x2  }
0x253: {  	p2 =	seq.s32 @!p1 s0, $0x0;
	v0 =	vbroadcast @!p1 v0, $0x0  }
0x254: {  	vm0 =	vmmov @!p1 $0x1;
	p2 =	por !p2, p1  }
0x255: {  	v1 =	vnsel @!p1 vm0, $0xFFFFFFFF, v1;
	vm0 =	vcmask @!p1 $0x308;
	v0 =	vpsel !p2, $0xFFFFFFFF, v0  }
0x256: {  	p2 =	sne.s32 @!p1 s8, s7;
	v0 =	vsel @!p1 vm0, v1, v0  }
0x257: {  	s2 =	simm.s32 @!p1 $0xA138;
	s3 =	simm.s32 @!p1 $0x0;
	p3 =	por !p2, p1;
	[tilespmem:$0xA938] =	vst @!p1 v0  }
0x258: {  	[spmem:s3] =	stream.linear.scatter @!p1 [tilespmem:s2], [sflag:$0x1], $0x40, $0x38;
	[tilespmem:$0x1EF88] =	vst v63  }
0x259: {  	s2 =	sshll.u32 @!p3 s0, $0x8  }
0x25a: {  	s2 =	sshra.s32 @!p3 s2, $0x2  }
0x25b: {  	s3 =	simm.s32 @!p3 $0x40;
	s2 =	sadd.s32 @!p3 $0xA138, s2  }
0x25c: {  	[spmem:s3] =	stream.linear.scatter @!p3 [tilespmem:s2], [sflag:$0x1], $0x40, $0x38;
	[tilespmem:$0x1EF88] =	vst v63  }
0x25d: {  	s2 =	simm.s32 @!p3 $0x1  }
0x25e: {  	_ =	swait.ge @!p3 [sflag:s2], $0x80  }
0x25f: {  	p1 =	por p2, p1;
	[sflag:s2] =	ssyncset.done @!p3 $0x0  }
0x260: {  	[sflag:s2] =	ssyncadd.s32 @!p3 $0xFFFFFF80;
	s2 =	simm.s32 @!p1 $0x1  }
0x261: {  	_ =	swait.ge @!p1 [sflag:s2], $0x40  }
0x262: {  	s29 =	simm.s32 $0xA938;
	[sflag:s2] =	ssyncset.done @!p1 $0x0  }
0x263: {  	s30 =	simm.s32 $0x800;
	s31 =	simm.s32 $0x1;
	[sflag:s2] =	ssyncadd.s32 @!p1 $0xFFFFFFC0  }
0x264: {  	[spmem:s30] =	stream.linear.scatter [tilespmem:s29], [sflag:$0x1], $0x10, $0x38;
	[tilespmem:$0x1EF88] =	vst v63  }
0x265: {  	_ =	swait.ge [sflag:s31], $0x10  }
0x266: {  	[sflag:s31] =	ssyncset.done $0x0  }
0x267: {  	p1 =	seq.s32 s13, $0x0;
	s9 =	rddreg [dreg:$0x3];
	[sflag:s31] =	ssyncadd.s32 $0xFFFFFFF0  }
0x268: {  	s3 =	sshll.u32 @p1 s9, $0xE;
	s8 =	rddreg [dreg:$0x4]  }
0x269: {  	s2 =	sadd.s32 @p1 $0x15C3C, s3;
	s3 =	sshll.u32 @p1 s8, $0x11  }
0x26a: {  	_ =	sfence.stream.spmem;
	s2 =	sor.u32 @p1 s3, s2  }
0x26b: {  	[sflag:s2] =	ssyncadd.remote.s32 @p1 $0x1;
	s2 =	simm.s32 @p1 $0x4  }
0x26c: {  	s4 =	simm.s32 @!p1 $0x3C;
	s3 =	sand.u32 $0xFFFFFFFE, s9;
	_ =	swait.ge @p1 [sflag:s2], $0x12  }
0x26d: {  	s5 =	simm.s32 @!p1 $0x0;
	s3 =	sadd.s32 @!p1 $0x4, s3;
	[sflag:s2] =	ssyncset.done @p1 $0x0  }
0x26e: {  	s7 =	simm.s32 @!p1 $0x80;
	[sflag:s2] =	ssyncadd.s32 @p1 $0xFFFFFFEE;
	s2 =	sshll.u32 @!p1 s3, $0x1A  }
0x26f: {  	s3 =	sshll.u32 @!p1 s3, $0xD;
	s2 =	sor.u32 @!p1 s2, s8;
	_ =	swait.eq @!p1 [sflag:s4], $0x1  }
0x270: {  	s3 =	sor.u32 @!p1 $0x1C04, s3;
	s4 =	simm.s32 @!p1 $0x1C03;
	s2 =	sor.u32 @!p1 $0x80004000, s2  }
0x271: {  	[spmem:s7], [sflag:s3] =	dma.general @!p1 [spmem:s5], [sflag:s4], length:$0x10, [dreg:$0x0], stride_count:$0x0, ici_dest:s2, dma_misc:DstOpCode:WRITE  }
0x272: {  	p2 =	slt.s32 s0, $0x2;
	s5 =	simm.s32 @!p1 $0x100;
	s7 =	simm.s32 @!p1 $0x102  }
0x273: {  	[spmem:s7], [sflag:s3] =	dma.general @!p1 [spmem:s5], [sflag:s4], length:$0x2, [dreg:$0x0], stride_count:$0x0, ici_dest:s2, dma_misc:DstOpCode:WRITE  }
.Ltmp36:
0x274: {  	s2 =	simm.s32 @!p1 $0x3;
	(pc) =	sbr.rel @p2 .LBB3_42-.Ltmp36, $4  }
0x275: {  	s3 =	sshll.u32 @!p1 s9, $0xE;
	_ =	swait.ge @!p1 [sflag:s2], $0x12  }
0x276: {  	s4 =	sshll.u32 @!p1 s8, $0x11;
	s3 =	sadd.s32 @!p1 $0x11C3C, s3;
	[sflag:s2] =	ssyncset.done @!p1 $0x0  }
0x277: {  	[sflag:s2] =	ssyncadd.s32 @!p1 $0xFFFFFFEE;
	s2 =	sor.u32 @!p1 s4, s3  }
0x278: {  	s0 =	simm.s32 $0x0;
	[sflag:s2] =	ssyncadd.remote.s32 @!p1 $0xFFFFFFFF  }
0x279: {  	s0 =	simm.s32 $0xA119  }
0x27a: {  	v0 =	vld.msk [tilespmem:s0+$0x0], $0x1;
	_ =	sdelay $0x4  }
0x27b: {  	(v2sf) =	vpush v0, $0x0;
	_ =	sdelay $0xc  }
0x27c: {  	s2 =	sadd.s32 $0xFFFFFFFE, s6  }
0x27d: {  	s2 =	sadd.s32 $0xFFFFFFFF, s2  }
0x27e: {  	p2 =	sne.s32 s2, $0x0;
	s3 =	spop (v2sf)  }
.Ltmp37:
0x27f: {  	p1 =	sgt.u32 s3, $0xC34F8;
	(pc) =	sbr.rel @!p2 .LBB3_41-.Ltmp37, $4  }
0x280: {  	s5 =	simm.s32 $0x0;
	s4 =	sand.u32 @!p1 $0xFFFF8, s3  }
0x281: {  	s0 =	simm.s32 $0xA178;
	s3 =	sand.u32 @!p1 $0x7, s3;
	s4 =	sadd.s32 @!p1 s1, s4  }
0x282: {  	[hbm4b:s4+s3] =	stream.linear.scatter @!p1 [tilespmem:s0], [sflag:$0x5], $0x40, $0x38;
	[tilespmem:$0x1EF88] =	vst v63  }
0x283: {  	s5 =	simm.s32 @!p1 $0x100;
	s3 =	simm.s32 $0x0;
	s4 =	simm.s32 $0xA11A  }
.LBB3_40:
0x284: {  	v0 =	vld.msk [tilespmem:s4+$0x0], $0x1;
	s2 =	sadd.s32 $0xFFFFFFFF, s2;
	s3 =	sadd.s32 s3, s5  }
0x285: {  	p1 =	sne.s32 s2, $0x0;
	_ =	sdelay $0x3  }
0x286: {  	(v2sf) =	vpush v0, $0x0;
	_ =	sdelay $0xe  }
.Ltmp38:
0x287: {  	s6 =	spop (v2sf);
	(pc) =	sbr.rel @p1 .LBB3_40-.Ltmp38, $4  }
0x288: {  	s5 =	simm.s32 $0x0;
	p2 =	sgt.u32 s6, $0xC34F8  }
0x289: {  	s0 =	sadd.s32 $0x40, s0;
	s5 =	simm.s32 @!p2 $0x100;
	s7 =	sand.u32 @!p2 $0xFFFF8, s6  }
0x28a: {  	s4 =	sadd.s32 $0x1, s4;
	s6 =	sand.u32 @!p2 $0x7, s6;
	s7 =	sadd.s32 @!p2 s1, s7  }
0x28b: {  	[hbm4b:s7+s6] =	stream.linear.scatter @!p2 [tilespmem:s0], [sflag:$0x5], $0x40, $0x38;
	[tilespmem:$0x1EF88] =	vst v63  }
.LBB3_41:
0x28c: {  	s0 =	sadd.s32 s3, s5  }
0x28d: {  	s0 =	sshrl.u32 s0, $0x2  }
.LBB3_42:
0x28e: {  	s2 =	simm.s32 $0x5  }
0x28f: {  	_ =	swait.ge [sflag:s2], s0  }
0x290: {  	s31 =	ssub.s32 $0x0, s0;
	[sflag:s2] =	ssyncset.done $0x0  }
0x291: {  	[sflag:s2] =	ssyncadd.s32 s31  }
0x292: {  	[sflag:s2] =	ssyncpa.u1 $0x1  }
.LBB3_43:
0x293: {  	s0 =	sor.u32 s13, s14  }
0x294: {  	p1 =	sne.s32 s0, $0x0  }
.Ltmp39:
0x295: {  	_ = 	snop;
	(pc) =	sbr.rel @p1 .LBB3_58-.Ltmp39, $3  }
0x296: {  	_ =	sdelay $0x1  }
0x297: {  	[bflag:$0x0] =	sbarrier.arrive $0xFFFF  }
0x298: {  	_ =	sfence  }
0x299: {  	s2 =	simm.s32 $0x7  }
0x29a: {  	s0 =	simm.s32 $0x800;
	s3 =	simm.s32 $0xA118;
	[sflag:s2] =	ssyncpa.u1 $0x0  }
0x29b: {  	[tilespmem:s3], [sflag:$0x7] =	stream.linear.gather [spmem:s0], $0x20, $0x38;
	[tilespmem:$0x1EF88] =	vst v63  }
0x29c: {  	s30 =	simm.s32 $0xA138;
	s0 =	simm.s32 $0x0  }
0x29d: {  	[tilespmem:s30], [sflag:$0x7] =	stream.linear.gather [spmem:s0], $0x800, $0x38;
	[tilespmem:$0x1EF88] =	vst v63  }
.Ltmp40:
0x29e: {  	_ = 	snop;
	(pc) =	sbr.rel .LBB3_45-.Ltmp40, $4  }
0x29f: {  	_ =	swait.ge [sflag:s2], $0x820  }
0x2a0: {  	[sflag:s2] =	ssyncset.done $0x0  }
0x2a1: {  	s31 =	simm.s32 $0x8;
	[sflag:s2] =	ssyncadd.s32 $0xFFFFF7E0  }
0x2a2: {  	s2 =	simm.s32 $0x0;
	[sflag:s31] =	ssyncpa.u1 $0x0  }
.LBB3_51:
0x2a3: {  	p1 =	slt.u32 s3, $0xC34F9  }
0x2a4: {  	s4 =	sand.u32 @p1 $0xFFFF8, s3  }
0x2a5: {  	s3 =	sand.u32 @p1 $0x7, s3;
	s5 =	simm.s32 @p1 $0xA0C8;
	s4 =	sadd.s32 @p1 s1, s4  }
0x2a6: {  	[tilespmem:s5], [sflag:$0x8] =	stream.linear.gather @p1 [hbm4b:s4+s3], $0x40, $0x38;
	[tilespmem:$0x1EF88] =	vst v63  }
0x2a7: {  	s3 =	simm.s32 @p1 $0x8  }
0x2a8: {  	_ =	swait.ge @p1 [sflag:s3], $0x40  }
0x2a9: {  	[sflag:s3] =	ssyncset.done @p1 $0x0  }
0x2aa: {  	[sflag:s3] =	ssyncadd.s32 @p1 $0xFFFFFFC0  }
0x2ab: {  	v1 =	vld @p1 [tilespmem:$0xA0C8];
	_ =	sdelay $0x2  }
0x2ac: {  	s3 =	sshll.u32 @p1 s2, $0x8  }
0x2ad: {  	s4 =	sshrl.u32 @p1 s3, $0x2  }
0x2ae: {  	[tilespmem:s4+$0xA138] =	vst.add.f32.msk @p1 $0xffff, v1  }
0x2af: {  	v1 =	vld @p1 [tilespmem:$0xA0D8];
	_ =	sdelay $0x4  }
0x2b0: {  	[tilespmem:s4+$0xA148] =	vst.add.f32.msk @p1 $0xffff, v1  }
0x2b1: {  	v1 =	vld @p1 [tilespmem:$0xA0E8];
	_ =	sdelay $0x4  }
0x2b2: {  	[tilespmem:s4+$0xA158] =	vst.add.f32.msk @p1 $0xffff, v1  }
0x2b3: {  	v1 =	vld @p1 [tilespmem:$0xA0F8];
	_ =	sdelay $0x3  }
0x2b4: {  	s5 =	sshll.u32 @!p1 s2, $0x8  }
0x2b5: {  	s5 =	smov.u32 @p1 s3;
	[tilespmem:s4+$0xA168] =	vst.add.f32.msk @p1 $0xffff, v1  }
0x2b6: {  	s3 =	sshrl.u32 s5, $0x2;
	[tilespmem:s0+$0xA118] =	vst.msk $0x1, v0  }
0x2b7: {  	v0 =	vld [tilespmem:s3+$0xA138];
	_ =	sdelay $0x2  }
0x2b8: {  	s31 =	sshll.u32 s0, $0x8  }
0x2b9: {  	s4 =	sshra.s32 s31, $0x2  }
0x2ba: {  	[tilespmem:s4+$0xA138] =	vst v0  }
0x2bb: {  	v0 =	vld [tilespmem:s3+$0xA148];
	_ =	sdelay $0x4  }
0x2bc: {  	[tilespmem:s4+$0xA148] =	vst v0  }
0x2bd: {  	v0 =	vld [tilespmem:s3+$0xA158];
	_ =	sdelay $0x4  }
0x2be: {  	[tilespmem:s4+$0xA158] =	vst v0  }
0x2bf: {  	v0 =	vld [tilespmem:s3+$0xA168];
	_ =	sdelay $0x4  }
0x2c0: {  	s0 =	sadd.s32 $0x1, s0;
	[tilespmem:s4+$0xA168] =	vst v0  }
.LBB3_52:
0x2c1: {  	s2 =	sadd.s32 $0x1, s2  }
0x2c2: {  	p1 =	sne.s32 s2, $0x20  }
.Ltmp41:
0x2c3: {  	_ = 	snop;
	(pc) =	sbr.rel @!p1 .LBB3_53-.Ltmp41, $1  }
0x2c4: {  	_ =	sdelay $0x3  }
.LBB3_45:
0x2c5: {  	v0 =	vld.msk [tilespmem:s2+$0xA118], $0x1;
	_ =	sdelay $0x4  }
0x2c6: {  	(v2sf) =	vpush v0, $0x0;
	_ =	sdelay $0xe  }
0x2c7: {  	s3 =	spop (v2sf)  }
0x2c8: {  	p1 =	seq.s32 s3, $0xFFFFFFFF  }
.Ltmp42:
0x2c9: {  	_ = 	snop;
	(pc) =	sbr.rel @p1 .LBB3_52-.Ltmp42, $1  }
0x2ca: {  	_ =	sdelay $0x3  }
0x2cb: {  	p1 =	slt.s32 s0, $0x1  }
.Ltmp43:
0x2cc: {  	_ = 	snop;
	(pc) =	sbr.rel @p1 .LBB3_51-.Ltmp43, $1  }
0x2cd: {  	_ =	sdelay $0x3  }
0x2ce: {  	s4 =	simm.s32 $0xA118;
	p1 =	por $0x0, $0x0  }
0x2cf: {  	v1 =	vld.msk @!p1 [tilespmem:s4+$0x0], $0x1;
	_ =	sdelay $0x4  }
0x2d0: {  	(v2sf) =	vpush @!p1 v1, $0x0;
	_ =	sdelay $0xd  }
0x2d1: {  	p3 =	sne.s32 s0, $0x1  }
.Ltmp44:
0x2d2: {  	s5 =	spop @!p1 (v2sf);
	(pc) =	sbr.rel @!p3 .LBB3_49-.Ltmp44, $4  }
0x2d3: {  	p2 =	seq.s32 @!p1 s3, s5  }
0x2d4: {  	s5 =	simm.s32 $0x0;
	p2 =	por !p2, p1  }
0x2d5: {  	s7 =	simm.s32 $0xFFFFFFFF;
	s5 =	simm.s32 @p2 $0xFFFFFFFF  }
0x2d6: {  	s6 =	simm.s32 $0x1;
	s5 =	smov.u32 @p1 s7  }
.LBB3_48:
0x2d7: {  	s7 =	smov.u32 s5;
	p1 =	sne.s32 s5, $0xFFFFFFFF  }
0x2d8: {  	s4 =	sadd.s32 $0x1, s4;
	s5 =	smov.u32 s6;
	s6 =	sadd.s32 $0x1, s6  }
0x2d9: {  	p2 =	sne.s32 s0, s6;
	v1 =	vld.msk @!p1 [tilespmem:s4+$0x0], $0x1;
	_ =	sdelay $0x4  }
0x2da: {  	(v2sf) =	vpush @!p1 v1, $0x0;
	_ =	sdelay $0xe  }
.Ltmp45:
0x2db: {  	s8 =	spop @!p1 (v2sf);
	(pc) =	sbr.rel @p2 .LBB3_48-.Ltmp45, $4  }
0x2dc: {  	p3 =	seq.s32 @!p1 s3, s8  }
0x2dd: {  	p3 =	por !p3, p1  }
0x2de: {  	s5 =	simm.s32 @p3 $0xFFFFFFFF  }
0x2df: {  	s5 =	smov.u32 @p1 s7  }
.LBB3_49:
0x2e0: {  	p1 =	seq.s32 s5, $0xFFFFFFFF  }
.Ltmp46:
0x2e1: {  	_ = 	snop;
	(pc) =	sbr.rel @p1 .LBB3_51-.Ltmp46, $1  }
0x2e2: {  	_ =	sdelay $0x3  }
0x2e3: {  	s3 =	sshll.u32 s2, $0x6  }
0x2e4: {  	s3 =	sand.u32 $0x3FFFFFC0, s3  }
0x2e5: {  	v0 =	vld [tilespmem:s3+$0xA138];
	_ =	sdelay $0x2  }
0x2e6: {  	s4 =	sshll.u32 s5, $0x8  }
0x2e7: {  	s4 =	sshra.s32 s4, $0x2  }
0x2e8: {  	[tilespmem:s4+$0xA138] =	vst.add.f32.msk $0xffff, v0  }
0x2e9: {  	v0 =	vld [tilespmem:s3+$0xA148];
	_ =	sdelay $0x4  }
0x2ea: {  	[tilespmem:s4+$0xA148] =	vst.add.f32.msk $0xffff, v0  }
0x2eb: {  	v0 =	vld [tilespmem:s3+$0xA158];
	_ =	sdelay $0x4  }
0x2ec: {  	[tilespmem:s4+$0xA158] =	vst.add.f32.msk $0xffff, v0  }
0x2ed: {  	v0 =	vld [tilespmem:s3+$0xA168]  }
.Ltmp47:
0x2ee: {  	_ = 	snop;
	(pc) =	sbr.rel .LBB3_52-.Ltmp47, $2  }
0x2ef: {  	_ =	sdelay $0x2  }
0x2f0: {  	[tilespmem:s4+$0xA168] =	vst.add.f32.msk $0xffff, v0  }
.LBB3_53:
0x2f1: {  	p1 =	slt.s32 s0, $0x1  }
.Ltmp48:
0x2f2: {  	_ = 	snop;
	(pc) =	sbr.rel @p1 .LBB3_57-.Ltmp48, $3  }
0x2f3: {  	_ =	sdelay $0x1  }
0x2f4: {  	s2 =	simm.s32 $0x8  }
0x2f5: {  	[sflag:s2] =	ssyncpa.u1 $0x1;
	s2 =	simm.s32 $0x0  }
0x2f6: {  	s3 =	simm.s32 $0xA118  }
0x2f7: {  	v0 =	vld.msk [tilespmem:s3+$0x0], $0x1;
	_ =	sdelay $0x4  }
0x2f8: {  	(v2sf) =	vpush v0, $0x0;
	_ =	sdelay $0xe  }
0x2f9: {  	s0 =	sadd.s32 $0xFFFFFFFF, s0;
	s4 =	spop (v2sf)  }
0x2fa: {  	p2 =	sne.s32 s0, $0x0;
	p1 =	sgt.u32 s4, $0xC34F8  }
.Ltmp49:
0x2fb: {  	s5 =	sand.u32 @!p1 $0xFFFF8, s4;
	(pc) =	sbr.rel @!p2 .LBB3_56-.Ltmp49, $4  }
0x2fc: {  	s3 =	simm.s32 $0xA138;
	s4 =	sand.u32 @!p1 $0x7, s4;
	s5 =	sadd.s32 @!p1 s1, s5  }
0x2fd: {  	[hbm4b:s5+s4] =	stream.linear.scatter @!p1 [tilespmem:s3], [sflag:$0x7], $0x40, $0x38;
	[tilespmem:$0x1EF88] =	vst v63  }
0x2fe: {  	s5 =	simm.s32 $0x0  }
0x2ff: {  	s4 =	simm.s32 $0xA119;
	s5 =	simm.s32 @!p1 $0x100  }
.LBB3_55:
0x300: {  	v0 =	vld.msk [tilespmem:s4+$0x0], $0x1;
	s0 =	sadd.s32 $0xFFFFFFFF, s0;
	s2 =	sadd.s32 s2, s5  }
0x301: {  	p1 =	sne.s32 s0, $0x0;
	_ =	sdelay $0x3  }
0x302: {  	(v2sf) =	vpush v0, $0x0;
	_ =	sdelay $0xe  }
.Ltmp50:
0x303: {  	s6 =	spop (v2sf);
	(pc) =	sbr.rel @p1 .LBB3_55-.Ltmp50, $4  }
0x304: {  	s5 =	simm.s32 $0x0;
	p2 =	sgt.u32 s6, $0xC34F8  }
0x305: {  	s3 =	sadd.s32 $0x40, s3;
	s5 =	simm.s32 @!p2 $0x100;
	s7 =	sand.u32 @!p2 $0xFFFF8, s6  }
0x306: {  	s4 =	sadd.s32 $0x1, s4;
	s6 =	sand.u32 @!p2 $0x7, s6;
	s7 =	sadd.s32 @!p2 s1, s7  }
0x307: {  	[hbm4b:s7+s6] =	stream.linear.scatter @!p2 [tilespmem:s3], [sflag:$0x7], $0x40, $0x38;
	[tilespmem:$0x1EF88] =	vst v63  }
.LBB3_56:
0x308: {  	s0 =	sadd.s32 s2, s5  }
0x309: {  	s2 =	sshrl.u32 s0, $0x2  }
.LBB3_57:
0x30a: {  	s0 =	simm.s32 $0x7  }
0x30b: {  	_ =	swait.ge [sflag:s0], s2  }
0x30c: {  	s1 =	ssub.s32 $0x0, s2;
	[sflag:s0] =	ssyncset.done $0x0  }
0x30d: {  	[sflag:s0] =	ssyncadd.s32 s1  }
0x30e: {  	[sflag:s0] =	ssyncpa.u1 $0x1  }
.LBB3_58:
0x30f: {  	_ =	sfence;
	s0 =	simm.s32 $0x1  }
0x310: {  	[sflag:s0] =	ssyncpa.u1 $0x1  }
0x311: {  	_ =	strace $0x9000004A  }
0x312: {  	[bflag:$0x2] =	sbarrier.arrive $0xFFFF  }
0x313: {  	s0 =	rddreg [dreg:$0x5]  }
0x314: {  	s0 =	sadd.s32 @!p0 $0x100000, s0  }
0x315: {  	[sflag:s0] =	ssyncadd.tile.s32 @!p0 $0x1;
	_ =	shalt  }
.Lfunc_end3:
_tile_overlayer_lowered:
.L_overlay_start_3:
0x316: {  	(tag) =	ssettag $0x3  }
0x317: {  	s0 =	rddreg [dreg:$0x0];
	s2 =	stileid.u32  }
0x318: {  	s1 =	rddreg [dreg:$0x1];
	p0 =	sne.s32 s2, $0x0  }
0x319: {  	s3 =	rddreg [dreg:$0x2];
	[bflag:$0x3] =	sbarrier.arrive $0xFFFF;
	s2 =	simm.s32 @!p0 $0x1C01  }
0x31a: {  	[timem:s3], [sflag:s2] =	dma.local @!p0 [hbm:s0], s1  }
0x31b: {  	s0 =	simm.s32 @!p0 $0x1  }
0x31c: {  	_ =	swait.ge @!p0 [sflag:s0], s1  }
0x31d: {  	s1 =	ssub.s32 @!p0 $0x0, s1;
	[sflag:s0] =	ssyncset.done @!p0 $0x0  }
0x31e: {  	[sflag:s0] =	ssyncadd.s32 @!p0 s1  }
0x31f: {  	[bflag:$0x3] =	sbarrier.arrive $0xFFFF  }
0x320: {  	_ =	shalt  }

</sc_bundles>
